<compile_context>
chip_gen: v7x
topology: tpu7x:2x2x1
jax: 0.10.2.dev20260603
libtpu: 0.0.44.dev20260713+nightly
codegen_flags: <defaults>
</compile_context>

<pallas_src>
import functools

import jax
import jax.numpy as jnp
from jax import lax
from jax.experimental import pallas as pl
from jax.experimental.pallas import tpu as pltpu
from jax.experimental.pallas import tpu_sc as plsc

N = 10000
E = 320000
F = 128
C = 40
ITERS = 2
M = 5000

D = 48
NP = 10240
NTILES = 16
NW = 32
RPT = NP // NTILES
K = 128
WCH0 = 82
WCH1 = 76
ZB = 160
TOTCH = NTILES * (WCH0 + WCH1)
EP = TOTCH * K
MCH = (M + NTILES * K - 1) // (NTILES * K)
MP = NTILES * MCH * K

_mesh = plsc.VectorSubcoreMesh(core_axis_name="c", subcore_axis_name="s",
                               num_cores=2, num_subcores=NTILES)


def _zero_block(zb_v, width):
    z16 = jnp.zeros((16,), jnp.float32)

    def row(i, carry):
        for j in range(width // 16):
            zb_v[i, pl.ds(j * 16, 16)] = z16
        return carry

    lax.fori_loop(0, ZB, row, 0)


@functools.partial(
    pl.kernel,
    out_type=jax.ShapeDtypeStruct((N, D), jnp.float32),
    mesh=_mesh,
    compiler_params=pltpu.CompilerParams(use_tc_tiling_on_sc=False),
    scratch_types=[
        pltpu.VMEM((MCH, K), jnp.int32),
        pltpu.VMEM((MCH, K), jnp.int32),
        pltpu.VMEM((K, D), jnp.float32),
        pltpu.VMEM((K, D), jnp.float32),
        pltpu.VMEM_SHARED((N + 16, D), jnp.float32),
        pltpu.SemaphoreType.DMA,
    ],
)
def _s0_kernel(ty_hbm, gmask_hbm, smask_hbm, z48_hbm, out_hbm, gi_v, si_v,
               rows_v, zrows_v, s_sh, sem):
    cid = lax.axis_index("c")
    sid = lax.axis_index("s")
    rpt = N // NTILES

    @pl.when(cid == 0)
    def _fill():
        pltpu.sync_copy(z48_hbm.at[pl.ds(sid * rpt, rpt)],
                        s_sh.at[pl.ds(sid * rpt, rpt)])

    plsc.subcore_barrier()

    @pl.when(cid == 0)
    def _scatter():
        pltpu.sync_copy(gmask_hbm.at[sid], gi_v)
        pltpu.sync_copy(smask_hbm.at[sid], si_v)
        for j in range(MCH):
            pltpu.async_copy(ty_hbm.at[gi_v.at[j]], rows_v, sem).wait()
            pltpu.async_copy(z48_hbm.at[gi_v.at[j]], zrows_v, sem).wait()

            def addrow(i, carry):
                for c in range(D // 16):
                    rows_v[i, pl.ds(c * 16, 16)] = (
                        rows_v[i, pl.ds(c * 16, 16)]
                        + zrows_v[i, pl.ds(c * 16, 16)])
                return carry

            lax.fori_loop(0, K, addrow, 0)
            pltpu.sync_copy(rows_v, s_sh.at[si_v.at[j]])

    plsc.subcore_barrier()

    @pl.when(cid == 0)
    def _dump():
        pltpu.sync_copy(s_sh.at[pl.ds(sid * rpt, rpt)],
                        out_hbm.at[pl.ds(sid * rpt, rpt)])


def _make_spmm(width):

    @functools.partial(
        pl.kernel,
        out_type=jax.ShapeDtypeStruct((2, NP, width), jnp.float32),
        mesh=_mesh,
        compiler_params=pltpu.CompilerParams(use_tc_tiling_on_sc=False),
        scratch_types=[
            pltpu.VMEM((ZB, width), jnp.float32),
            pltpu.VMEM((WCH0, K), jnp.int32),
            pltpu.VMEM((WCH0, K), jnp.int32),
            pltpu.VMEM((K, width), jnp.float32),
            pltpu.VMEM((K, width), jnp.float32),
            pltpu.VMEM_SHARED((NP, width), jnp.float32),
            pltpu.VMEM_SHARED((N, width), jnp.float32),
            pltpu.SemaphoreType.DMA,
            pltpu.SemaphoreType.DMA,
        ],
    )
    def spmm(s_hbm, src_hbm, dst_hbm, out_hbm, zb_v, si_v, di_v, rows_v,
             rows_b, acc_sh, s_sh, sem, sem_b):
        cid = lax.axis_index("c")
        sid = lax.axis_index("s")

        pltpu.sync_copy(s_hbm.at[pl.ds(sid * (N // NTILES), N // NTILES)],
                        s_sh.at[pl.ds(sid * (N // NTILES), N // NTILES)])

        _zero_block(zb_v, width)
        base = sid * RPT

        def zfill(k, carry):
            pltpu.sync_copy(zb_v, acc_sh.at[pl.ds(base + k * ZB, ZB)])
            return carry

        lax.fori_loop(0, RPT // ZB, zfill, 0)

        def chunk(k, carry):
            j0 = 2 * k
            da = pltpu.async_copy(s_sh.at[si_v.at[j0]], rows_v, sem)
            db = pltpu.async_copy(s_sh.at[si_v.at[j0 + 1]], rows_b, sem_b)
            da.wait()
            pltpu.sync_copy(rows_v, acc_sh.at[di_v.at[j0]], add=True)
            db.wait()
            pltpu.sync_copy(rows_b, acc_sh.at[di_v.at[j0 + 1]], add=True)
            return carry

        @pl.when(cid == 0)
        def _core0():
            start = sid * WCH0
            pltpu.sync_copy(src_hbm.at[pl.ds(start, WCH0)],
                            si_v.at[pl.ds(0, WCH0)])
            pltpu.sync_copy(dst_hbm.at[pl.ds(start, WCH0)],
                            di_v.at[pl.ds(0, WCH0)])
            plsc.subcore_barrier()
            lax.fori_loop(0, WCH0 // 2, chunk, 0)

        @pl.when(cid == 1)
        def _core1():
            start = NTILES * WCH0 + sid * WCH1
            pltpu.sync_copy(src_hbm.at[pl.ds(start, WCH1)],
                            si_v.at[pl.ds(0, WCH1)])
            pltpu.sync_copy(dst_hbm.at[pl.ds(start, WCH1)],
                            di_v.at[pl.ds(0, WCH1)])
            plsc.subcore_barrier()
            lax.fori_loop(0, WCH1 // 2, chunk, 0)

        plsc.subcore_barrier()

        pltpu.sync_copy(acc_sh.at[pl.ds(base, RPT)],
                        out_hbm.at[cid, pl.ds(base, RPT)])

    return spmm


_spmm48 = _make_spmm(D)
_spmm40 = _make_spmm(C)



_RB = 2000


def _prep_body(feat_ref, w_ref, y_ref, z48_ref, ty_ref):
    w1 = w_ref[:F, :]
    z = jnp.dot(feat_ref[...], w1, preferred_element_type=jnp.float32)
    ones = jnp.ones((_RB, 1), jnp.float32)
    zeros = jnp.zeros((_RB, D - C - 1), jnp.float32)
    z48_ref[...] = jnp.concatenate([z, ones, zeros], axis=1)
    yv = y_ref[...]
    ohy = (yv == lax.broadcasted_iota(jnp.int32, (_RB, C), 1)).astype(
        jnp.float32)
    w2 = w_ref[F:, :]
    ty = jnp.dot(ohy, w2, preferred_element_type=jnp.float32)
    zc = jnp.zeros((_RB, 1), jnp.float32)
    ty_ref[...] = jnp.concatenate(
        [ty, zc, ones, jnp.zeros((_RB, D - C - 2), jnp.float32)], axis=1)


def _recycle(pred, s0_ref, z48_ref, w_ref):
    mx = jnp.max(pred, axis=1, keepdims=True)
    ex = jnp.exp(pred - mx)
    soft = ex / jnp.sum(ex, axis=1, keepdims=True)
    w2 = w_ref[F:, :]
    sw = jnp.dot(soft, w2, preferred_element_type=jnp.float32)
    s0 = s0_ref[...]
    return jnp.where(s0[:, C + 1:C + 2] > 0.5, s0[:, :C],
                     z48_ref[:, :C] + sw)


def _update1_body(p0_ref, p1_ref, z48_ref, lab_ref, w_ref, s_ref, deg_ref):
    agg = p0_ref[...] + p1_ref[...]
    deg = jnp.maximum(agg[:, C:C + 1], 1.0)
    deg_ref[...] = deg
    s_ref[...] = _recycle(agg[:, :C] / deg, lab_ref, z48_ref, w_ref)


def _update2_body(p0_ref, p1_ref, deg_ref, z48_ref, lab_ref, w_ref, s_ref):
    agg = p0_ref[...] + p1_ref[...]
    s_ref[...] = _recycle(agg / deg_ref[...], lab_ref, z48_ref, w_ref)


def _final_body(p0_ref, p1_ref, deg_ref, out_ref):
    out_ref[...] = (p0_ref[...] + p1_ref[...]) / deg_ref[...]


def _rows(width):
    return pl.BlockSpec((_RB, width), lambda i: (i, 0))


def _whole_w():
    return pl.BlockSpec((F + C, C), lambda i: (0, 0))


_GRID = (N // _RB,)

_prep_call = pl.pallas_call(
    _prep_body,
    grid=_GRID,
    in_specs=[_rows(F), _whole_w(), pl.BlockSpec((_RB, 1), lambda i: (i, 0))],
    out_specs=[_rows(D), _rows(D)],
    out_shape=[
        jax.ShapeDtypeStruct((N, D), jnp.float32),
        jax.ShapeDtypeStruct((N, D), jnp.float32),
    ],
)

_update1_call = pl.pallas_call(
    _update1_body,
    grid=_GRID,
    in_specs=[_rows(D), _rows(D), _rows(D), _rows(D), _whole_w()],
    out_specs=[_rows(C), _rows(1)],
    out_shape=[
        jax.ShapeDtypeStruct((N, C), jnp.float32),
        jax.ShapeDtypeStruct((N, 1), jnp.float32),
    ],
)

_update2_call = pl.pallas_call(
    _update2_body,
    grid=_GRID,
    in_specs=[_rows(C), _rows(C), _rows(1), _rows(D), _rows(D), _whole_w()],
    out_specs=_rows(C),
    out_shape=jax.ShapeDtypeStruct((N, C), jnp.float32),
)

_final_call = pl.pallas_call(
    _final_body,
    grid=_GRID,
    in_specs=[_rows(C), _rows(C), _rows(1)],
    out_specs=_rows(C),
    out_shape=jax.ShapeDtypeStruct((N, C), jnp.float32),
)


def kernel(feat, edge_index, y, mask, W):
    src = edge_index[0].astype(jnp.int32)
    dst = edge_index[1].astype(jnp.int32)
    epad = EP - E
    srcp = jnp.concatenate([src, jnp.zeros((epad,), jnp.int32)]).reshape(
        TOTCH, K)
    dstp = jnp.concatenate([dst, jnp.full((epad,), N, jnp.int32)]).reshape(
        TOTCH, K)
    mask = mask.astype(jnp.int32)
    mpad = MP - M
    gmask = jnp.concatenate([mask, jnp.zeros((mpad,), jnp.int32)]).reshape(
        NTILES, MCH, K)
    smask = jnp.concatenate([mask, jnp.full((mpad,), N, jnp.int32)]).reshape(
        NTILES, MCH, K)

    z48, ty = _prep_call(feat, W, y.reshape(N, 1))
    s0 = _s0_kernel(ty, gmask, smask, z48)
    parts = _spmm48(s0, srcp, dstp)
    s, deg = _update1_call(parts[0, :N], parts[1, :N], z48, s0, W)
    parts = _spmm40(s, srcp, dstp)
    s = _update2_call(parts[0, :N], parts[1, :N], deg, z48, s0, W)
    parts = _spmm40(s, srcp, dstp)
    return _final_call(parts[0, :N], parts[1, :N], deg)

# --- scband reference (transcript-rebuilt; emitter-appended) ---
"""Pipeline reference for scband-label-usage-19791209300100 (READ-ONLY COPY).

The authoritative reference and input builder live on the scoring server;
editing this copy changes nothing except your own understanding.
"""

import jax, jax.numpy as jnp
import numpy as np

N = 10000
E = 320000
F = 128
C = 40
ITERS = 2
M = 5000


def setup_inputs(seed: int = 0) -> dict:
    key = jax.random.key(seed)
    k1, k2, k3, k4, k5 = jax.random.split(key, 5)
    feat = jax.random.normal(k1, (N, F), dtype=jnp.float32)
    edge_index = jax.random.randint(k2, (2, E), 0, N, dtype=jnp.int32)
    y = jax.random.randint(k3, (N,), 0, C, dtype=jnp.int32)
    mask = jax.random.randint(k4, (M,), 0, N, dtype=jnp.int32)
    # learned parameter of the inner base_model (single mean-aggregation GCN layer)
    W = jax.random.normal(k5, (F + C, C), dtype=jnp.float32) * 0.05
    return {"feat": feat, "edge_index": edge_index, "y": y, "mask": mask, "W": W}


def _base_model(x, edge_index, W):
    # simple GCN-style base model: mean neighbor aggregation + linear head
    src = edge_index[0]
    dst = edge_index[1]
    msg = jnp.take(x, src, axis=0)
    agg = jax.ops.segment_sum(msg, dst, num_segments=N)
    deg = jax.ops.segment_sum(jnp.ones((E,), dtype=x.dtype), dst, num_segments=N)
    h = agg / jnp.maximum(deg, 1.0)[:, None]
    return h @ W


def reference(feat, edge_index, y, mask, W):
    # inference-mode LabelUsage: mask is an index tensor of labeled nodes
    unlabeled_mask = jnp.ones((N,), dtype=bool).at[mask].set(False)
    onehot = jnp.zeros((N, C), dtype=feat.dtype).at[mask, jnp.take(y, mask)].set(1.0)
    x = jnp.concatenate([feat, onehot], axis=-1)
    pred = _base_model(x, edge_index, W)
    for _ in range(ITERS):
        pred = jax.lax.stop_gradient(pred)
        soft = jax.nn.softmax(pred, axis=-1)
        lab = jnp.where(unlabeled_mask[:, None], soft, x[:, F:])
        x = jnp.concatenate([x[:, :F], lab], axis=-1)
        pred = _base_model(x, edge_index, W)
    return pred

if __name__ == "__main__":
    import jax
    _d = setup_inputs()
    print(jax.jit(kernel)(*tuple(_d.values())))

</pallas_src>

<mosaic_0001>
#map = affine_map<(d0, d1) -> (0, 0)>
#map1 = affine_map<(d0, d1) -> (0, 0, 0)>
module attributes {stable_mosaic.version = 14 : i64} {
  func.func @spmm(%arg0: i32, %arg1: i32, %arg2: memref<10000x40xf32, #tpu.memory_space<hbm>>, %arg3: memref<2528x128xi32, #tpu.memory_space<hbm>>, %arg4: memref<2528x128xi32, #tpu.memory_space<hbm>>, %arg5: memref<2x10240x40xf32, #tpu.memory_space<hbm>>, %arg6: memref<160x40xf32, #tpu.memory_space<vmem>>, %arg7: memref<82x128xi32, #tpu.memory_space<vmem>>, %arg8: memref<82x128xi32, #tpu.memory_space<vmem>>, %arg9: memref<128x40xf32, #tpu.memory_space<vmem>>, %arg10: memref<128x40xf32, #tpu.memory_space<vmem>>, %arg11: memref<10240x40xf32, #tpu.memory_space<vmem_shared>>, %arg12: memref<10000x40xf32, #tpu.memory_space<vmem_shared>>, %arg13: memref<!tpu.dma_semaphore, #tpu.memory_space<semaphore_mem>>, %arg14: memref<!tpu.dma_semaphore, #tpu.memory_space<semaphore_mem>>) attributes {dimension_semantics = [#tpu.dimension_semantics<core_parallel>, #tpu.dimension_semantics<subcore_parallel>], iteration_bounds = array<i64: 2, 16>, scalar_prefetch = 0 : i64, scratch_operands = 9 : i64, tpu.core_type = #tpu.core_type<sc_vector_subcore>, window_params = [{transform_indices = #map}, {transform_indices = #map}, {transform_indices = #map}, {transform_indices = #map1}]} {
    %mul3A = arith.constant 625 : i32
    %mul3A_0 = arith.muli %arg1, %mul3A : i32
    %mul3A_1 = arith.constant 625 : i32
    %mul3A_2 = arith.muli %arg1, %mul3A_1 : i32
    "tpu.region"() ({
      %run_scoped3A = tpu.sem_alloc : memref<!tpu.dma_semaphore, #tpu.memory_space<semaphore_mem>>
      %dma_start3A = arith.constant 0 : i32
      %dma_start3A_24 = tpu.memref_slice %arg12[%mul3A_2, %dma_start3A] : memref<10000x40xf32, #tpu.memory_space<vmem_shared>> -> memref<625x40xf32, #tpu.memory_space<vmem_shared>>
      %dma_start3A_25 = arith.constant 0 : i32
      %dma_start3A_26 = tpu.memref_slice %arg2[%mul3A_0, %dma_start3A_25] : memref<10000x40xf32, #tpu.memory_space<hbm>> -> memref<625x40xf32, #tpu.memory_space<hbm>>
      tpu.enqueue_dma source(%dma_start3A_26 : memref<625x40xf32, #tpu.memory_space<hbm>>) target(%dma_start3A_24 : memref<625x40xf32, #tpu.memory_space<vmem_shared>>) target_semaphore(%run_scoped3A : memref<!tpu.dma_semaphore, #tpu.memory_space<semaphore_mem>>)
      %dma_wait3A = arith.constant 0 : i32
      %dma_wait3A_27 = tpu.memref_slice %arg12[%mul3A_2, %dma_wait3A] : memref<10000x40xf32, #tpu.memory_space<vmem_shared>> -> memref<625x40xf32, #tpu.memory_space<vmem_shared>>
      %dma_wait3A_28 = arith.constant 0 : i32
      %dma_wait3A_29 = tpu.memref_slice %arg2[%mul3A_0, %dma_wait3A_28] : memref<10000x40xf32, #tpu.memory_space<hbm>> -> memref<625x40xf32, #tpu.memory_space<hbm>>
      tpu.wait_dma2 semaphore(%run_scoped3A : memref<!tpu.dma_semaphore, #tpu.memory_space<semaphore_mem>>) src(%dma_wait3A_29 : memref<625x40xf32, #tpu.memory_space<hbm>>) dst(%dma_wait3A_27 : memref<625x40xf32, #tpu.memory_space<vmem_shared>>)
      tpu.yield
    }) : () -> ()
    %broadcast_in_dim3A = arith.constant 0.000000e+00 : f32
    %broadcast_in_dim3A_3 = vector.broadcast %broadcast_in_dim3A : f32 to vector<16xf32>
    %scan3A = arith.constant 0 : i32
    %scan3A_4 = arith.constant 0 : i32
    %scan3A_5 = arith.constant 160 : i32
    %scan3A_6 = arith.addi %scan3A_4, %scan3A_5 : i32
    %scan3A_7 = arith.constant 1 : i32
    scf.for %scan3A_24 = %scan3A_4 to %scan3A_6 step %scan3A_7  : i32 {
      %swap3A = arith.index_cast %scan3A_24 : i32 to index
      %swap3A_25 = arith.constant 0 : index
      %swap3A_26 = tpu.vector_load %arg6[%swap3A, %swap3A_25] {strides = array<i32>} : memref<160x40xf32, #tpu.memory_space<vmem>>, vector<1x16xf32>,
      %swap3A_27 = vector.shape_cast %swap3A_26 : vector<1x16xf32> to vector<16xf32>
      %swap3A_28 = vector.shape_cast %broadcast_in_dim3A_3 : vector<16xf32> to vector<1x16xf32>
      tpu.vector_store %arg6[%swap3A, %swap3A_25], %swap3A_28 {strides = array<i32>} : memref<160x40xf32, #tpu.memory_space<vmem>>, vector<1x16xf32>,
      %swap3A_29 = arith.index_cast %scan3A_24 : i32 to index
      %swap3A_30 = arith.constant 16 : index
      %swap3A_31 = tpu.vector_load %arg6[%swap3A_29, %swap3A_30] {strides = array<i32>} : memref<160x40xf32, #tpu.memory_space<vmem>>, vector<1x16xf32>,
      %swap3A_32 = vector.shape_cast %swap3A_31 : vector<1x16xf32> to vector<16xf32>
      %swap3A_33 = vector.shape_cast %broadcast_in_dim3A_3 : vector<16xf32> to vector<1x16xf32>
      tpu.vector_store %arg6[%swap3A_29, %swap3A_30], %swap3A_33 {strides = array<i32>} : memref<160x40xf32, #tpu.memory_space<vmem>>, vector<1x16xf32>,
    }
    %scan3A_8 = arith.constant 160 : i32
    %mul3A_9 = arith.constant 640 : i32
    %mul3A_10 = arith.muli %arg1, %mul3A_9 : i32
    %scan3A_11 = arith.constant 0 : i32
    %scan3A_12 = arith.constant 0 : i32
    %scan3A_13 = arith.constant 4 : i32
    %scan3A_14 = arith.addi %scan3A_12, %scan3A_13 : i32
    %scan3A_15 = arith.constant 1 : i32
    scf.for %scan3A_24 = %scan3A_12 to %scan3A_14 step %scan3A_15  : i32 {
      %mul3A_25 = arith.constant 160 : i32
      %mul3A_26 = arith.muli %scan3A_24, %mul3A_25 : i32
      %add3A = arith.addi %mul3A_10, %mul3A_26 : i32
      "tpu.region"() ({
        %run_scoped3A = tpu.sem_alloc : memref<!tpu.dma_semaphore, #tpu.memory_space<semaphore_mem>>
        %dma_start3A = arith.constant 0 : i32
        %dma_start3A_27 = tpu.memref_slice %arg11[%add3A, %dma_start3A] : memref<10240x40xf32, #tpu.memory_space<vmem_shared>> -> memref<160x40xf32, #tpu.memory_space<vmem_shared>>
        %dma_start3A_28 = arith.constant 0 : i32
        %dma_start3A_29 = tpu.memref_slice %arg11[%add3A, %dma_start3A_28] : memref<10240x40xf32, #tpu.memory_space<vmem_shared>> -> memref<160x40xf32, #tpu.memory_space<vmem_shared>>
        tpu.enqueue_dma source(%arg6 : memref<160x40xf32, #tpu.memory_space<vmem>>) target(%dma_start3A_29 : memref<160x40xf32, #tpu.memory_space<vmem_shared>>) target_semaphore(%run_scoped3A : memref<!tpu.dma_semaphore, #tpu.memory_space<semaphore_mem>>)
        %dma_wait3A = arith.constant 0 : i32
        %dma_wait3A_30 = tpu.memref_slice %arg11[%add3A, %dma_wait3A] : memref<10240x40xf32, #tpu.memory_space<vmem_shared>> -> memref<160x40xf32, #tpu.memory_space<vmem_shared>>
        %dma_wait3A_31 = arith.constant 0 : i32
        %dma_wait3A_32 = tpu.memref_slice %arg11[%add3A, %dma_wait3A_31] : memref<10240x40xf32, #tpu.memory_space<vmem_shared>> -> memref<160x40xf32, #tpu.memory_space<vmem_shared>>
        tpu.wait_dma2 semaphore(%run_scoped3A : memref<!tpu.dma_semaphore, #tpu.memory_space<semaphore_mem>>) src(%arg6 : memref<160x40xf32, #tpu.memory_space<vmem>>) dst(%dma_wait3A_32 : memref<160x40xf32, #tpu.memory_space<vmem_shared>>)
        tpu.yield
      }) : () -> ()
    }
    %scan3A_16 = arith.constant 4 : i32
    %eq3A = arith.constant 0 : i32
    %eq3A_17 = arith.cmpi eq, %arg0, %eq3A : i32
    %convert_element_type3A = arith.extui %eq3A_17 : i1 to i32
    %cond3A = arith.constant 0 : i32
    %cond3A_18 = arith.cmpi ne, %convert_element_type3A, %cond3A : i32
    scf.if %cond3A_18 {
      %mul3A_24 = arith.constant 82 : i32
      %mul3A_25 = arith.muli %arg1, %mul3A_24 : i32
      "tpu.region"() ({
        %run_scoped3A = tpu.sem_alloc : memref<!tpu.dma_semaphore, #tpu.memory_space<semaphore_mem>>
        %dma_start3A = arith.constant 0 : i32
        %dma_start3A_33 = arith.constant 0 : i32
        %dma_start3A_34 = tpu.memref_slice %arg7[%dma_start3A, %dma_start3A_33] : memref<82x128xi32, #tpu.memory_space<vmem>> -> memref<82x128xi32, #tpu.memory_space<vmem>>
        %dma_start3A_35 = arith.constant 0 : i32
        %dma_start3A_36 = tpu.memref_slice %arg3[%mul3A_25, %dma_start3A_35] : memref<2528x128xi32, #tpu.memory_space<hbm>> -> memref<82x128xi32, #tpu.memory_space<hbm>>
        %dma_start3A_37 = arith.constant 0 : i32
        %dma_start3A_38 = arith.constant 0 : i32
        %dma_start3A_39 = tpu.memref_slice %arg7[%dma_start3A_37, %dma_start3A_38] : memref<82x128xi32, #tpu.memory_space<vmem>> -> memref<82x128xi32, #tpu.memory_space<vmem>>
        %dma_start3A_40 = arith.constant 0 : i32
        %dma_start3A_41 = tpu.memref_slice %arg3[%mul3A_25, %dma_start3A_40] : memref<2528x128xi32, #tpu.memory_space<hbm>> -> memref<82x128xi32, #tpu.memory_space<hbm>>
        tpu.enqueue_dma source(%dma_start3A_41 : memref<82x128xi32, #tpu.memory_space<hbm>>) target(%dma_start3A_39 : memref<82x128xi32, #tpu.memory_space<vmem>>) target_semaphore(%run_scoped3A : memref<!tpu.dma_semaphore, #tpu.memory_space<semaphore_mem>>)
        %dma_wait3A = arith.constant 0 : i32
        %dma_wait3A_42 = arith.constant 0 : i32
        %dma_wait3A_43 = tpu.memref_slice %arg7[%dma_wait3A, %dma_wait3A_42] : memref<82x128xi32, #tpu.memory_space<vmem>> -> memref<82x128xi32, #tpu.memory_space<vmem>>
        %dma_wait3A_44 = arith.constant 0 : i32
        %dma_wait3A_45 = tpu.memref_slice %arg3[%mul3A_25, %dma_wait3A_44] : memref<2528x128xi32, #tpu.memory_space<hbm>> -> memref<82x128xi32, #tpu.memory_space<hbm>>
        %dma_wait3A_46 = arith.constant 0 : i32
        %dma_wait3A_47 = arith.constant 0 : i32
        %dma_wait3A_48 = tpu.memref_slice %arg7[%dma_wait3A_46, %dma_wait3A_47] : memref<82x128xi32, #tpu.memory_space<vmem>> -> memref<82x128xi32, #tpu.memory_space<vmem>>
        %dma_wait3A_49 = arith.constant 0 : i32
        %dma_wait3A_50 = tpu.memref_slice %arg3[%mul3A_25, %dma_wait3A_49] : memref<2528x128xi32, #tpu.memory_space<hbm>> -> memref<82x128xi32, #tpu.memory_space<hbm>>
        tpu.wait_dma2 semaphore(%run_scoped3A : memref<!tpu.dma_semaphore, #tpu.memory_space<semaphore_mem>>) src(%dma_wait3A_50 : memref<82x128xi32, #tpu.memory_space<hbm>>) dst(%dma_wait3A_48 : memref<82x128xi32, #tpu.memory_space<vmem>>)
        tpu.yield
      }) : () -> ()
      "tpu.region"() ({
        %run_scoped3A = tpu.sem_alloc : memref<!tpu.dma_semaphore, #tpu.memory_space<semaphore_mem>>
        %dma_start3A = arith.constant 0 : i32
        %dma_start3A_33 = arith.constant 0 : i32
        %dma_start3A_34 = tpu.memref_slice %arg8[%dma_start3A, %dma_start3A_33] : memref<82x128xi32, #tpu.memory_space<vmem>> -> memref<82x128xi32, #tpu.memory_space<vmem>>
        %dma_start3A_35 = arith.constant 0 : i32
        %dma_start3A_36 = tpu.memref_slice %arg4[%mul3A_25, %dma_start3A_35] : memref<2528x128xi32, #tpu.memory_space<hbm>> -> memref<82x128xi32, #tpu.memory_space<hbm>>
        %dma_start3A_37 = arith.constant 0 : i32
        %dma_start3A_38 = arith.constant 0 : i32
        %dma_start3A_39 = tpu.memref_slice %arg8[%dma_start3A_37, %dma_start3A_38] : memref<82x128xi32, #tpu.memory_space<vmem>> -> memref<82x128xi32, #tpu.memory_space<vmem>>
        %dma_start3A_40 = arith.constant 0 : i32
        %dma_start3A_41 = tpu.memref_slice %arg4[%mul3A_25, %dma_start3A_40] : memref<2528x128xi32, #tpu.memory_space<hbm>> -> memref<82x128xi32, #tpu.memory_space<hbm>>
        tpu.enqueue_dma source(%dma_start3A_41 : memref<82x128xi32, #tpu.memory_space<hbm>>) target(%dma_start3A_39 : memref<82x128xi32, #tpu.memory_space<vmem>>) target_semaphore(%run_scoped3A : memref<!tpu.dma_semaphore, #tpu.memory_space<semaphore_mem>>)
        %dma_wait3A = arith.constant 0 : i32
        %dma_wait3A_42 = arith.constant 0 : i32
        %dma_wait3A_43 = tpu.memref_slice %arg8[%dma_wait3A, %dma_wait3A_42] : memref<82x128xi32, #tpu.memory_space<vmem>> -> memref<82x128xi32, #tpu.memory_space<vmem>>
        %dma_wait3A_44 = arith.constant 0 : i32
        %dma_wait3A_45 = tpu.memref_slice %arg4[%mul3A_25, %dma_wait3A_44] : memref<2528x128xi32, #tpu.memory_space<hbm>> -> memref<82x128xi32, #tpu.memory_space<hbm>>
        %dma_wait3A_46 = arith.constant 0 : i32
        %dma_wait3A_47 = arith.constant 0 : i32
        %dma_wait3A_48 = tpu.memref_slice %arg8[%dma_wait3A_46, %dma_wait3A_47] : memref<82x128xi32, #tpu.memory_space<vmem>> -> memref<82x128xi32, #tpu.memory_space<vmem>>
        %dma_wait3A_49 = arith.constant 0 : i32
        %dma_wait3A_50 = tpu.memref_slice %arg4[%mul3A_25, %dma_wait3A_49] : memref<2528x128xi32, #tpu.memory_space<hbm>> -> memref<82x128xi32, #tpu.memory_space<hbm>>
        tpu.wait_dma2 semaphore(%run_scoped3A : memref<!tpu.dma_semaphore, #tpu.memory_space<semaphore_mem>>) src(%dma_wait3A_50 : memref<82x128xi32, #tpu.memory_space<hbm>>) dst(%dma_wait3A_48 : memref<82x128xi32, #tpu.memory_space<vmem>>)
        tpu.yield
      }) : () -> ()
      %barrier3A_26 = arith.constant 0 : index
      tpu.barrier barrier_id(%barrier3A_26)
      %scan3A_27 = arith.constant 0 : i32
      %scan3A_28 = arith.constant 0 : i32
      %scan3A_29 = arith.constant 41 : i32
      %scan3A_30 = arith.addi %scan3A_28, %scan3A_29 : i32
      %scan3A_31 = arith.constant 1 : i32
      scf.for %scan3A_33 = %scan3A_28 to %scan3A_30 step %scan3A_31  : i32 {
        %mul3A_34 = arith.constant 2 : i32
        %mul3A_35 = arith.muli %mul3A_34, %scan3A_33 : i32
        %dma_start3A = arith.constant 0 : i32
        %dma_start3A_36 = tpu.memref_slice %arg7[%mul3A_35, %dma_start3A] : memref<82x128xi32, #tpu.memory_space<vmem>> -> memref<1x128xi32, #tpu.memory_space<vmem>>
        %dma_start3A_37 = tpu.memref_squeeze %dma_start3A_36 : memref<1x128xi32, #tpu.memory_space<vmem>> -> memref<128xi32, #tpu.memory_space<vmem>>
        %dma_start3A_38 = arith.constant 0 : i32
        %dma_start3A_39 = arith.constant 0 : i32
        %dma_start3A_40 = tpu.memref_slice %arg12[%dma_start3A_38, %dma_start3A_39] : memref<10000x40xf32, #tpu.memory_space<vmem_shared>> -> memref<10000x40xf32, #tpu.memory_space<vmem_shared>>
        tpu.enqueue_indirect_dma source(%dma_start3A_40 : memref<10000x40xf32, #tpu.memory_space<vmem_shared>>) target(%arg9 : memref<128x40xf32, #tpu.memory_space<vmem>>) offsets(%dma_start3A_37 : memref<128xi32, #tpu.memory_space<vmem>>) semaphore(%arg13 : memref<!tpu.dma_semaphore, #tpu.memory_space<semaphore_mem>>)
        %add3A = arith.constant 1 : i32
        %add3A_41 = arith.addi %mul3A_35, %add3A : i32
        %dma_start3A_42 = arith.constant 0 : i32
        %dma_start3A_43 = tpu.memref_slice %arg7[%add3A_41, %dma_start3A_42] : memref<82x128xi32, #tpu.memory_space<vmem>> -> memref<1x128xi32, #tpu.memory_space<vmem>>
        %dma_start3A_44 = tpu.memref_squeeze %dma_start3A_43 : memref<1x128xi32, #tpu.memory_space<vmem>> -> memref<128xi32, #tpu.memory_space<vmem>>
        %dma_start3A_45 = arith.constant 0 : i32
        %dma_start3A_46 = arith.constant 0 : i32
        %dma_start3A_47 = tpu.memref_slice %arg12[%dma_start3A_45, %dma_start3A_46] : memref<10000x40xf32, #tpu.memory_space<vmem_shared>> -> memref<10000x40xf32, #tpu.memory_space<vmem_shared>>
        tpu.enqueue_indirect_dma source(%dma_start3A_47 : memref<10000x40xf32, #tpu.memory_space<vmem_shared>>) target(%arg10 : memref<128x40xf32, #tpu.memory_space<vmem>>) offsets(%dma_start3A_44 : memref<128xi32, #tpu.memory_space<vmem>>) semaphore(%arg14 : memref<!tpu.dma_semaphore, #tpu.memory_space<semaphore_mem>>)
        %dma_wait3A = arith.constant 0 : i32
        %dma_wait3A_48 = tpu.memref_slice %arg7[%mul3A_35, %dma_wait3A] : memref<82x128xi32, #tpu.memory_space<vmem>> -> memref<1x128xi32, #tpu.memory_space<vmem>>
        %dma_wait3A_49 = tpu.memref_squeeze %dma_wait3A_48 : memref<1x128xi32, #tpu.memory_space<vmem>> -> memref<128xi32, #tpu.memory_space<vmem>>
        %dma_wait3A_50 = arith.constant 0 : i32
        %dma_wait3A_51 = arith.constant 0 : i32
        %dma_wait3A_52 = tpu.memref_slice %arg12[%dma_wait3A_50, %dma_wait3A_51] : memref<10000x40xf32, #tpu.memory_space<vmem_shared>> -> memref<10000x40xf32, #tpu.memory_space<vmem_shared>>
        tpu.wait_indirect_dma semaphore(%arg13 : memref<!tpu.dma_semaphore, #tpu.memory_space<semaphore_mem>>) src(%dma_wait3A_52 : memref<10000x40xf32, #tpu.memory_space<vmem_shared>>) dst(%arg9 : memref<128x40xf32, #tpu.memory_space<vmem>>)
        "tpu.region"() ({
          %run_scoped3A = tpu.sem_alloc : memref<!tpu.dma_semaphore, #tpu.memory_space<semaphore_mem>>
          %dma_start3A_61 = arith.constant 0 : i32
          %dma_start3A_62 = tpu.memref_slice %arg8[%mul3A_35, %dma_start3A_61] : memref<82x128xi32, #tpu.memory_space<vmem>> -> memref<1x128xi32, #tpu.memory_space<vmem>>
          %dma_start3A_63 = tpu.memref_squeeze %dma_start3A_62 : memref<1x128xi32, #tpu.memory_space<vmem>> -> memref<128xi32, #tpu.memory_space<vmem>>
          %dma_start3A_64 = arith.constant 0 : i32
          %dma_start3A_65 = arith.constant 0 : i32
          %dma_start3A_66 = tpu.memref_slice %arg11[%dma_start3A_64, %dma_start3A_65] : memref<10240x40xf32, #tpu.memory_space<vmem_shared>> -> memref<10240x40xf32, #tpu.memory_space<vmem_shared>>
          tpu.enqueue_indirect_dma source(%arg9 : memref<128x40xf32, #tpu.memory_space<vmem>>) target(%dma_start3A_66 : memref<10240x40xf32, #tpu.memory_space<vmem_shared>>) offsets(%dma_start3A_63 : memref<128xi32, #tpu.memory_space<vmem>>) semaphore(%run_scoped3A : memref<!tpu.dma_semaphore, #tpu.memory_space<semaphore_mem>>) {add = true}
          %dma_wait3A_67 = arith.constant 0 : i32
          %dma_wait3A_68 = tpu.memref_slice %arg8[%mul3A_35, %dma_wait3A_67] : memref<82x128xi32, #tpu.memory_space<vmem>> -> memref<1x128xi32, #tpu.memory_space<vmem>>
          %dma_wait3A_69 = tpu.memref_squeeze %dma_wait3A_68 : memref<1x128xi32, #tpu.memory_space<vmem>> -> memref<128xi32, #tpu.memory_space<vmem>>
          %dma_wait3A_70 = arith.constant 0 : i32
          %dma_wait3A_71 = arith.constant 0 : i32
          %dma_wait3A_72 = tpu.memref_slice %arg11[%dma_wait3A_70, %dma_wait3A_71] : memref<10240x40xf32, #tpu.memory_space<vmem_shared>> -> memref<10240x40xf32, #tpu.memory_space<vmem_shared>>
          tpu.wait_indirect_dma semaphore(%run_scoped3A : memref<!tpu.dma_semaphore, #tpu.memory_space<semaphore_mem>>) src(%arg9 : memref<128x40xf32, #tpu.memory_space<vmem>>) dst(%dma_wait3A_72 : memref<10240x40xf32, #tpu.memory_space<vmem_shared>>)
          tpu.yield
        }) : () -> ()
        %dma_wait3A_53 = arith.constant 0 : i32
        %dma_wait3A_54 = tpu.memref_slice %arg7[%add3A_41, %dma_wait3A_53] : memref<82x128xi32, #tpu.memory_space<vmem>> -> memref<1x128xi32, #tpu.memory_space<vmem>>
        %dma_wait3A_55 = tpu.memref_squeeze %dma_wait3A_54 : memref<1x128xi32, #tpu.memory_space<vmem>> -> memref<128xi32, #tpu.memory_space<vmem>>
        %dma_wait3A_56 = arith.constant 0 : i32
        %dma_wait3A_57 = arith.constant 0 : i32
        %dma_wait3A_58 = tpu.memref_slice %arg12[%dma_wait3A_56, %dma_wait3A_57] : memref<10000x40xf32, #tpu.memory_space<vmem_shared>> -> memref<10000x40xf32, #tpu.memory_space<vmem_shared>>
        tpu.wait_indirect_dma semaphore(%arg14 : memref<!tpu.dma_semaphore, #tpu.memory_space<semaphore_mem>>) src(%dma_wait3A_58 : memref<10000x40xf32, #tpu.memory_space<vmem_shared>>) dst(%arg10 : memref<128x40xf32, #tpu.memory_space<vmem>>)
        %add3A_59 = arith.constant 1 : i32
        %add3A_60 = arith.addi %mul3A_35, %add3A_59 : i32
        "tpu.region"() ({
          %run_scoped3A = tpu.sem_alloc : memref<!tpu.dma_semaphore, #tpu.memory_space<semaphore_mem>>
          %dma_start3A_61 = arith.constant 0 : i32
          %dma_start3A_62 = tpu.memref_slice %arg8[%add3A_60, %dma_start3A_61] : memref<82x128xi32, #tpu.memory_space<vmem>> -> memref<1x128xi32, #tpu.memory_space<vmem>>
          %dma_start3A_63 = tpu.memref_squeeze %dma_start3A_62 : memref<1x128xi32, #tpu.memory_space<vmem>> -> memref<128xi32, #tpu.memory_space<vmem>>
          %dma_start3A_64 = arith.constant 0 : i32
          %dma_start3A_65 = arith.constant 0 : i32
          %dma_start3A_66 = tpu.memref_slice %arg11[%dma_start3A_64, %dma_start3A_65] : memref<10240x40xf32, #tpu.memory_space<vmem_shared>> -> memref<10240x40xf32, #tpu.memory_space<vmem_shared>>
          tpu.enqueue_indirect_dma source(%arg10 : memref<128x40xf32, #tpu.memory_space<vmem>>) target(%dma_start3A_66 : memref<10240x40xf32, #tpu.memory_space<vmem_shared>>) offsets(%dma_start3A_63 : memref<128xi32, #tpu.memory_space<vmem>>) semaphore(%run_scoped3A : memref<!tpu.dma_semaphore, #tpu.memory_space<semaphore_mem>>) {add = true}
          %dma_wait3A_67 = arith.constant 0 : i32
          %dma_wait3A_68 = tpu.memref_slice %arg8[%add3A_60, %dma_wait3A_67] : memref<82x128xi32, #tpu.memory_space<vmem>> -> memref<1x128xi32, #tpu.memory_space<vmem>>
          %dma_wait3A_69 = tpu.memref_squeeze %dma_wait3A_68 : memref<1x128xi32, #tpu.memory_space<vmem>> -> memref<128xi32, #tpu.memory_space<vmem>>
          %dma_wait3A_70 = arith.constant 0 : i32
          %dma_wait3A_71 = arith.constant 0 : i32
          %dma_wait3A_72 = tpu.memref_slice %arg11[%dma_wait3A_70, %dma_wait3A_71] : memref<10240x40xf32, #tpu.memory_space<vmem_shared>> -> memref<10240x40xf32, #tpu.memory_space<vmem_shared>>
          tpu.wait_indirect_dma semaphore(%run_scoped3A : memref<!tpu.dma_semaphore, #tpu.memory_space<semaphore_mem>>) src(%arg10 : memref<128x40xf32, #tpu.memory_space<vmem>>) dst(%dma_wait3A_72 : memref<10240x40xf32, #tpu.memory_space<vmem_shared>>)
          tpu.yield
        }) : () -> ()
      }
      %scan3A_32 = arith.constant 41 : i32
    } else {
    }
    %eq3A_19 = arith.constant 1 : i32
    %eq3A_20 = arith.cmpi eq, %arg0, %eq3A_19 : i32
    %convert_element_type3A_21 = arith.extui %eq3A_20 : i1 to i32
    %cond3A_22 = arith.constant 0 : i32
    %cond3A_23 = arith.cmpi ne, %convert_element_type3A_21, %cond3A_22 : i32
    scf.if %cond3A_23 {
      %mul3A_24 = arith.constant 76 : i32
      %mul3A_25 = arith.muli %arg1, %mul3A_24 : i32
      %add3A = arith.constant 1312 : i32
      %add3A_26 = arith.addi %add3A, %mul3A_25 : i32
      "tpu.region"() ({
        %run_scoped3A = tpu.sem_alloc : memref<!tpu.dma_semaphore, #tpu.memory_space<semaphore_mem>>
        %dma_start3A = arith.constant 0 : i32
        %dma_start3A_34 = arith.constant 0 : i32
        %dma_start3A_35 = tpu.memref_slice %arg7[%dma_start3A, %dma_start3A_34] : memref<82x128xi32, #tpu.memory_space<vmem>> -> memref<76x128xi32, #tpu.memory_space<vmem>>
        %dma_start3A_36 = arith.constant 0 : i32
        %dma_start3A_37 = tpu.memref_slice %arg3[%add3A_26, %dma_start3A_36] : memref<2528x128xi32, #tpu.memory_space<hbm>> -> memref<76x128xi32, #tpu.memory_space<hbm>>
        %dma_start3A_38 = arith.constant 0 : i32
        %dma_start3A_39 = arith.constant 0 : i32
        %dma_start3A_40 = tpu.memref_slice %arg7[%dma_start3A_38, %dma_start3A_39] : memref<82x128xi32, #tpu.memory_space<vmem>> -> memref<76x128xi32, #tpu.memory_space<vmem>>
        %dma_start3A_41 = arith.constant 0 : i32
        %dma_start3A_42 = tpu.memref_slice %arg3[%add3A_26, %dma_start3A_41] : memref<2528x128xi32, #tpu.memory_space<hbm>> -> memref<76x128xi32, #tpu.memory_space<hbm>>
        tpu.enqueue_dma source(%dma_start3A_42 : memref<76x128xi32, #tpu.memory_space<hbm>>) target(%dma_start3A_40 : memref<76x128xi32, #tpu.memory_space<vmem>>) target_semaphore(%run_scoped3A : memref<!tpu.dma_semaphore, #tpu.memory_space<semaphore_mem>>)
        %dma_wait3A = arith.constant 0 : i32
        %dma_wait3A_43 = arith.constant 0 : i32
        %dma_wait3A_44 = tpu.memref_slice %arg7[%dma_wait3A, %dma_wait3A_43] : memref<82x128xi32, #tpu.memory_space<vmem>> -> memref<76x128xi32, #tpu.memory_space<vmem>>
        %dma_wait3A_45 = arith.constant 0 : i32
        %dma_wait3A_46 = tpu.memref_slice %arg3[%add3A_26, %dma_wait3A_45] : memref<2528x128xi32, #tpu.memory_space<hbm>> -> memref<76x128xi32, #tpu.memory_space<hbm>>
        %dma_wait3A_47 = arith.constant 0 : i32
        %dma_wait3A_48 = arith.constant 0 : i32
        %dma_wait3A_49 = tpu.memref_slice %arg7[%dma_wait3A_47, %dma_wait3A_48] : memref<82x128xi32, #tpu.memory_space<vmem>> -> memref<76x128xi32, #tpu.memory_space<vmem>>
        %dma_wait3A_50 = arith.constant 0 : i32
        %dma_wait3A_51 = tpu.memref_slice %arg3[%add3A_26, %dma_wait3A_50] : memref<2528x128xi32, #tpu.memory_space<hbm>> -> memref<76x128xi32, #tpu.memory_space<hbm>>
        tpu.wait_dma2 semaphore(%run_scoped3A : memref<!tpu.dma_semaphore, #tpu.memory_space<semaphore_mem>>) src(%dma_wait3A_51 : memref<76x128xi32, #tpu.memory_space<hbm>>) dst(%dma_wait3A_49 : memref<76x128xi32, #tpu.memory_space<vmem>>)
        tpu.yield
      }) : () -> ()
      "tpu.region"() ({
        %run_scoped3A = tpu.sem_alloc : memref<!tpu.dma_semaphore, #tpu.memory_space<semaphore_mem>>
        %dma_start3A = arith.constant 0 : i32
        %dma_start3A_34 = arith.constant 0 : i32
        %dma_start3A_35 = tpu.memref_slice %arg8[%dma_start3A, %dma_start3A_34] : memref<82x128xi32, #tpu.memory_space<vmem>> -> memref<76x128xi32, #tpu.memory_space<vmem>>
        %dma_start3A_36 = arith.constant 0 : i32
        %dma_start3A_37 = tpu.memref_slice %arg4[%add3A_26, %dma_start3A_36] : memref<2528x128xi32, #tpu.memory_space<hbm>> -> memref<76x128xi32, #tpu.memory_space<hbm>>
        %dma_start3A_38 = arith.constant 0 : i32
        %dma_start3A_39 = arith.constant 0 : i32
        %dma_start3A_40 = tpu.memref_slice %arg8[%dma_start3A_38, %dma_start3A_39] : memref<82x128xi32, #tpu.memory_space<vmem>> -> memref<76x128xi32, #tpu.memory_space<vmem>>
        %dma_start3A_41 = arith.constant 0 : i32
        %dma_start3A_42 = tpu.memref_slice %arg4[%add3A_26, %dma_start3A_41] : memref<2528x128xi32, #tpu.memory_space<hbm>> -> memref<76x128xi32, #tpu.memory_space<hbm>>
        tpu.enqueue_dma source(%dma_start3A_42 : memref<76x128xi32, #tpu.memory_space<hbm>>) target(%dma_start3A_40 : memref<76x128xi32, #tpu.memory_space<vmem>>) target_semaphore(%run_scoped3A : memref<!tpu.dma_semaphore, #tpu.memory_space<semaphore_mem>>)
        %dma_wait3A = arith.constant 0 : i32
        %dma_wait3A_43 = arith.constant 0 : i32
        %dma_wait3A_44 = tpu.memref_slice %arg8[%dma_wait3A, %dma_wait3A_43] : memref<82x128xi32, #tpu.memory_space<vmem>> -> memref<76x128xi32, #tpu.memory_space<vmem>>
        %dma_wait3A_45 = arith.constant 0 : i32
        %dma_wait3A_46 = tpu.memref_slice %arg4[%add3A_26, %dma_wait3A_45] : memref<2528x128xi32, #tpu.memory_space<hbm>> -> memref<76x128xi32, #tpu.memory_space<hbm>>
        %dma_wait3A_47 = arith.constant 0 : i32
        %dma_wait3A_48 = arith.constant 0 : i32
        %dma_wait3A_49 = tpu.memref_slice %arg8[%dma_wait3A_47, %dma_wait3A_48] : memref<82x128xi32, #tpu.memory_space<vmem>> -> memref<76x128xi32, #tpu.memory_space<vmem>>
        %dma_wait3A_50 = arith.constant 0 : i32
        %dma_wait3A_51 = tpu.memref_slice %arg4[%add3A_26, %dma_wait3A_50] : memref<2528x128xi32, #tpu.memory_space<hbm>> -> memref<76x128xi32, #tpu.memory_space<hbm>>
        tpu.wait_dma2 semaphore(%run_scoped3A : memref<!tpu.dma_semaphore, #tpu.memory_space<semaphore_mem>>) src(%dma_wait3A_51 : memref<76x128xi32, #tpu.memory_space<hbm>>) dst(%dma_wait3A_49 : memref<76x128xi32, #tpu.memory_space<vmem>>)
        tpu.yield
      }) : () -> ()
      %barrier3A_27 = arith.constant 0 : index
      tpu.barrier barrier_id(%barrier3A_27)
      %scan3A_28 = arith.constant 0 : i32
      %scan3A_29 = arith.constant 0 : i32
      %scan3A_30 = arith.constant 38 : i32
      %scan3A_31 = arith.addi %scan3A_29, %scan3A_30 : i32
      %scan3A_32 = arith.constant 1 : i32
      scf.for %scan3A_34 = %scan3A_29 to %scan3A_31 step %scan3A_32  : i32 {
        %mul3A_35 = arith.constant 2 : i32
        %mul3A_36 = arith.muli %mul3A_35, %scan3A_34 : i32
        %dma_start3A = arith.constant 0 : i32
        %dma_start3A_37 = tpu.memref_slice %arg7[%mul3A_36, %dma_start3A] : memref<82x128xi32, #tpu.memory_space<vmem>> -> memref<1x128xi32, #tpu.memory_space<vmem>>
        %dma_start3A_38 = tpu.memref_squeeze %dma_start3A_37 : memref<1x128xi32, #tpu.memory_space<vmem>> -> memref<128xi32, #tpu.memory_space<vmem>>
        %dma_start3A_39 = arith.constant 0 : i32
        %dma_start3A_40 = arith.constant 0 : i32
        %dma_start3A_41 = tpu.memref_slice %arg12[%dma_start3A_39, %dma_start3A_40] : memref<10000x40xf32, #tpu.memory_space<vmem_shared>> -> memref<10000x40xf32, #tpu.memory_space<vmem_shared>>
        tpu.enqueue_indirect_dma source(%dma_start3A_41 : memref<10000x40xf32, #tpu.memory_space<vmem_shared>>) target(%arg9 : memref<128x40xf32, #tpu.memory_space<vmem>>) offsets(%dma_start3A_38 : memref<128xi32, #tpu.memory_space<vmem>>) semaphore(%arg13 : memref<!tpu.dma_semaphore, #tpu.memory_space<semaphore_mem>>)
        %add3A_42 = arith.constant 1 : i32
        %add3A_43 = arith.addi %mul3A_36, %add3A_42 : i32
        %dma_start3A_44 = arith.constant 0 : i32
        %dma_start3A_45 = tpu.memref_slice %arg7[%add3A_43, %dma_start3A_44] : memref<82x128xi32, #tpu.memory_space<vmem>> -> memref<1x128xi32, #tpu.memory_space<vmem>>
        %dma_start3A_46 = tpu.memref_squeeze %dma_start3A_45 : memref<1x128xi32, #tpu.memory_space<vmem>> -> memref<128xi32, #tpu.memory_space<vmem>>
        %dma_start3A_47 = arith.constant 0 : i32
        %dma_start3A_48 = arith.constant 0 : i32
        %dma_start3A_49 = tpu.memref_slice %arg12[%dma_start3A_47, %dma_start3A_48] : memref<10000x40xf32, #tpu.memory_space<vmem_shared>> -> memref<10000x40xf32, #tpu.memory_space<vmem_shared>>
        tpu.enqueue_indirect_dma source(%dma_start3A_49 : memref<10000x40xf32, #tpu.memory_space<vmem_shared>>) target(%arg10 : memref<128x40xf32, #tpu.memory_space<vmem>>) offsets(%dma_start3A_46 : memref<128xi32, #tpu.memory_space<vmem>>) semaphore(%arg14 : memref<!tpu.dma_semaphore, #tpu.memory_space<semaphore_mem>>)
        %dma_wait3A = arith.constant 0 : i32
        %dma_wait3A_50 = tpu.memref_slice %arg7[%mul3A_36, %dma_wait3A] : memref<82x128xi32, #tpu.memory_space<vmem>> -> memref<1x128xi32, #tpu.memory_space<vmem>>
        %dma_wait3A_51 = tpu.memref_squeeze %dma_wait3A_50 : memref<1x128xi32, #tpu.memory_space<vmem>> -> memref<128xi32, #tpu.memory_space<vmem>>
        %dma_wait3A_52 = arith.constant 0 : i32
        %dma_wait3A_53 = arith.constant 0 : i32
        %dma_wait3A_54 = tpu.memref_slice %arg12[%dma_wait3A_52, %dma_wait3A_53] : memref<10000x40xf32, #tpu.memory_space<vmem_shared>> -> memref<10000x40xf32, #tpu.memory_space<vmem_shared>>
        tpu.wait_indirect_dma semaphore(%arg13 : memref<!tpu.dma_semaphore, #tpu.memory_space<semaphore_mem>>) src(%dma_wait3A_54 : memref<10000x40xf32, #tpu.memory_space<vmem_shared>>) dst(%arg9 : memref<128x40xf32, #tpu.memory_space<vmem>>)
        "tpu.region"() ({
          %run_scoped3A = tpu.sem_alloc : memref<!tpu.dma_semaphore, #tpu.memory_space<semaphore_mem>>
          %dma_start3A_63 = arith.constant 0 : i32
          %dma_start3A_64 = tpu.memref_slice %arg8[%mul3A_36, %dma_start3A_63] : memref<82x128xi32, #tpu.memory_space<vmem>> -> memref<1x128xi32, #tpu.memory_space<vmem>>
          %dma_start3A_65 = tpu.memref_squeeze %dma_start3A_64 : memref<1x128xi32, #tpu.memory_space<vmem>> -> memref<128xi32, #tpu.memory_space<vmem>>
          %dma_start3A_66 = arith.constant 0 : i32
          %dma_start3A_67 = arith.constant 0 : i32
          %dma_start3A_68 = tpu.memref_slice %arg11[%dma_start3A_66, %dma_start3A_67] : memref<10240x40xf32, #tpu.memory_space<vmem_shared>> -> memref<10240x40xf32, #tpu.memory_space<vmem_shared>>
          tpu.enqueue_indirect_dma source(%arg9 : memref<128x40xf32, #tpu.memory_space<vmem>>) target(%dma_start3A_68 : memref<10240x40xf32, #tpu.memory_space<vmem_shared>>) offsets(%dma_start3A_65 : memref<128xi32, #tpu.memory_space<vmem>>) semaphore(%run_scoped3A : memref<!tpu.dma_semaphore, #tpu.memory_space<semaphore_mem>>) {add = true}
          %dma_wait3A_69 = arith.constant 0 : i32
          %dma_wait3A_70 = tpu.memref_slice %arg8[%mul3A_36, %dma_wait3A_69] : memref<82x128xi32, #tpu.memory_space<vmem>> -> memref<1x128xi32, #tpu.memory_space<vmem>>
          %dma_wait3A_71 = tpu.memref_squeeze %dma_wait3A_70 : memref<1x128xi32, #tpu.memory_space<vmem>> -> memref<128xi32, #tpu.memory_space<vmem>>
          %dma_wait3A_72 = arith.constant 0 : i32
          %dma_wait3A_73 = arith.constant 0 : i32
          %dma_wait3A_74 = tpu.memref_slice %arg11[%dma_wait3A_72, %dma_wait3A_73] : memref<10240x40xf32, #tpu.memory_space<vmem_shared>> -> memref<10240x40xf32, #tpu.memory_space<vmem_shared>>
          tpu.wait_indirect_dma semaphore(%run_scoped3A : memref<!tpu.dma_semaphore, #tpu.memory_space<semaphore_mem>>) src(%arg9 : memref<128x40xf32, #tpu.memory_space<vmem>>) dst(%dma_wait3A_74 : memref<10240x40xf32, #tpu.memory_space<vmem_shared>>)
          tpu.yield
        }) : () -> ()
        %dma_wait3A_55 = arith.constant 0 : i32
        %dma_wait3A_56 = tpu.memref_slice %arg7[%add3A_43, %dma_wait3A_55] : memref<82x128xi32, #tpu.memory_space<vmem>> -> memref<1x128xi32, #tpu.memory_space<vmem>>
        %dma_wait3A_57 = tpu.memref_squeeze %dma_wait3A_56 : memref<1x128xi32, #tpu.memory_space<vmem>> -> memref<128xi32, #tpu.memory_space<vmem>>
        %dma_wait3A_58 = arith.constant 0 : i32
        %dma_wait3A_59 = arith.constant 0 : i32
        %dma_wait3A_60 = tpu.memref_slice %arg12[%dma_wait3A_58, %dma_wait3A_59] : memref<10000x40xf32, #tpu.memory_space<vmem_shared>> -> memref<10000x40xf32, #tpu.memory_space<vmem_shared>>
        tpu.wait_indirect_dma semaphore(%arg14 : memref<!tpu.dma_semaphore, #tpu.memory_space<semaphore_mem>>) src(%dma_wait3A_60 : memref<10000x40xf32, #tpu.memory_space<vmem_shared>>) dst(%arg10 : memref<128x40xf32, #tpu.memory_space<vmem>>)
        %add3A_61 = arith.constant 1 : i32
        %add3A_62 = arith.addi %mul3A_36, %add3A_61 : i32
        "tpu.region"() ({
          %run_scoped3A = tpu.sem_alloc : memref<!tpu.dma_semaphore, #tpu.memory_space<semaphore_mem>>
          %dma_start3A_63 = arith.constant 0 : i32
          %dma_start3A_64 = tpu.memref_slice %arg8[%add3A_62, %dma_start3A_63] : memref<82x128xi32, #tpu.memory_space<vmem>> -> memref<1x128xi32, #tpu.memory_space<vmem>>
          %dma_start3A_65 = tpu.memref_squeeze %dma_start3A_64 : memref<1x128xi32, #tpu.memory_space<vmem>> -> memref<128xi32, #tpu.memory_space<vmem>>
          %dma_start3A_66 = arith.constant 0 : i32
          %dma_start3A_67 = arith.constant 0 : i32
          %dma_start3A_68 = tpu.memref_slice %arg11[%dma_start3A_66, %dma_start3A_67] : memref<10240x40xf32, #tpu.memory_space<vmem_shared>> -> memref<10240x40xf32, #tpu.memory_space<vmem_shared>>
          tpu.enqueue_indirect_dma source(%arg10 : memref<128x40xf32, #tpu.memory_space<vmem>>) target(%dma_start3A_68 : memref<10240x40xf32, #tpu.memory_space<vmem_shared>>) offsets(%dma_start3A_65 : memref<128xi32, #tpu.memory_space<vmem>>) semaphore(%run_scoped3A : memref<!tpu.dma_semaphore, #tpu.memory_space<semaphore_mem>>) {add = true}
          %dma_wait3A_69 = arith.constant 0 : i32
          %dma_wait3A_70 = tpu.memref_slice %arg8[%add3A_62, %dma_wait3A_69] : memref<82x128xi32, #tpu.memory_space<vmem>> -> memref<1x128xi32, #tpu.memory_space<vmem>>
          %dma_wait3A_71 = tpu.memref_squeeze %dma_wait3A_70 : memref<1x128xi32, #tpu.memory_space<vmem>> -> memref<128xi32, #tpu.memory_space<vmem>>
          %dma_wait3A_72 = arith.constant 0 : i32
          %dma_wait3A_73 = arith.constant 0 : i32
          %dma_wait3A_74 = tpu.memref_slice %arg11[%dma_wait3A_72, %dma_wait3A_73] : memref<10240x40xf32, #tpu.memory_space<vmem_shared>> -> memref<10240x40xf32, #tpu.memory_space<vmem_shared>>
          tpu.wait_indirect_dma semaphore(%run_scoped3A : memref<!tpu.dma_semaphore, #tpu.memory_space<semaphore_mem>>) src(%arg10 : memref<128x40xf32, #tpu.memory_space<vmem>>) dst(%dma_wait3A_74 : memref<10240x40xf32, #tpu.memory_space<vmem_shared>>)
          tpu.yield
        }) : () -> ()
      }
      %scan3A_33 = arith.constant 38 : i32
    } else {
    }
    %barrier3A = arith.constant 0 : index
    tpu.barrier barrier_id(%barrier3A)
    "tpu.region"() ({
      %run_scoped3A = tpu.sem_alloc : memref<!tpu.dma_semaphore, #tpu.memory_space<semaphore_mem>>
      %dma_start3A = arith.constant 0 : i32
      %dma_start3A_24 = tpu.memref_slice %arg5[%arg0, %mul3A_10, %dma_start3A] : memref<2x10240x40xf32, #tpu.memory_space<hbm>> -> memref<1x640x40xf32, #tpu.memory_space<hbm>>
      %dma_start3A_25 = tpu.memref_squeeze %dma_start3A_24 : memref<1x640x40xf32, #tpu.memory_space<hbm>> -> memref<640x40xf32, #tpu.memory_space<hbm>>
      %dma_start3A_26 = arith.constant 0 : i32
      %dma_start3A_27 = tpu.memref_slice %arg11[%mul3A_10, %dma_start3A_26] : memref<10240x40xf32, #tpu.memory_space<vmem_shared>> -> memref<640x40xf32, #tpu.memory_space<vmem_shared>>
      tpu.enqueue_dma source(%dma_start3A_27 : memref<640x40xf32, #tpu.memory_space<vmem_shared>>) target(%dma_start3A_25 : memref<640x40xf32, #tpu.memory_space<hbm>>) target_semaphore(%run_scoped3A : memref<!tpu.dma_semaphore, #tpu.memory_space<semaphore_mem>>)
      %dma_wait3A = arith.constant 0 : i32
      %dma_wait3A_28 = tpu.memref_slice %arg5[%arg0, %mul3A_10, %dma_wait3A] : memref<2x10240x40xf32, #tpu.memory_space<hbm>> -> memref<1x640x40xf32, #tpu.memory_space<hbm>>
      %dma_wait3A_29 = tpu.memref_squeeze %dma_wait3A_28 : memref<1x640x40xf32, #tpu.memory_space<hbm>> -> memref<640x40xf32, #tpu.memory_space<hbm>>
      %dma_wait3A_30 = arith.constant 0 : i32
      %dma_wait3A_31 = tpu.memref_slice %arg11[%mul3A_10, %dma_wait3A_30] : memref<10240x40xf32, #tpu.memory_space<vmem_shared>> -> memref<640x40xf32, #tpu.memory_space<vmem_shared>>
      tpu.wait_dma2 semaphore(%run_scoped3A : memref<!tpu.dma_semaphore, #tpu.memory_space<semaphore_mem>>) src(%dma_wait3A_31 : memref<640x40xf32, #tpu.memory_space<vmem_shared>>) dst(%dma_wait3A_29 : memref<640x40xf32, #tpu.memory_space<hbm>>)
      tpu.yield
    }) : () -> ()
    return
  }
}

#map = affine_map<(d0, d1) -> (0, 0)>
#map1 = affine_map<(d0, d1) -> (0, 0, 0)>
module attributes {stable_mosaic.version = 14 : i64} {
  func.func @_s0_kernel(%arg0: i32, %arg1: i32, %arg2: memref<10000x48xf32, #tpu.memory_space<hbm>>, %arg3: memref<16x3x128xi32, #tpu.memory_space<hbm>>, %arg4: memref<16x3x128xi32, #tpu.memory_space<hbm>>, %arg5: memref<10000x48xf32, #tpu.memory_space<hbm>>, %arg6: memref<10000x48xf32, #tpu.memory_space<hbm>>, %arg7: memref<3x128xi32, #tpu.memory_space<vmem>>, %arg8: memref<3x128xi32, #tpu.memory_space<vmem>>, %arg9: memref<128x48xf32, #tpu.memory_space<vmem>>, %arg10: memref<128x48xf32, #tpu.memory_space<vmem>>, %arg11: memref<10016x48xf32, #tpu.memory_space<vmem_shared>>, %arg12: memref<!tpu.dma_semaphore, #tpu.memory_space<semaphore_mem>>) attributes {dimension_semantics = [#tpu.dimension_semantics<core_parallel>, #tpu.dimension_semantics<subcore_parallel>], iteration_bounds = array<i64: 2, 16>, scalar_prefetch = 0 : i64, scratch_operands = 6 : i64, tpu.core_type = #tpu.core_type<sc_vector_subcore>, window_params = [{transform_indices = #map}, {transform_indices = #map1}, {transform_indices = #map1}, {transform_indices = #map}, {transform_indices = #map}]} {
    %eq3A = arith.constant 0 : i32
    %eq3A_0 = arith.cmpi eq, %arg0, %eq3A : i32
    %convert_element_type3A = arith.extui %eq3A_0 : i1 to i32
    %cond3A = arith.constant 0 : i32
    %cond3A_1 = arith.cmpi ne, %convert_element_type3A, %cond3A : i32
    scf.if %cond3A_1 {
      %mul3A = arith.constant 625 : i32
      %mul3A_13 = arith.muli %arg1, %mul3A : i32
      %mul3A_14 = arith.constant 625 : i32
      %mul3A_15 = arith.muli %arg1, %mul3A_14 : i32
      "tpu.region"() ({
        %run_scoped3A = tpu.sem_alloc : memref<!tpu.dma_semaphore, #tpu.memory_space<semaphore_mem>>
        %dma_start3A = arith.constant 0 : i32
        %dma_start3A_16 = tpu.memref_slice %arg11[%mul3A_15, %dma_start3A] : memref<10016x48xf32, #tpu.memory_space<vmem_shared>> -> memref<625x48xf32, #tpu.memory_space<vmem_shared>>
        %dma_start3A_17 = arith.constant 0 : i32
        %dma_start3A_18 = tpu.memref_slice %arg5[%mul3A_13, %dma_start3A_17] : memref<10000x48xf32, #tpu.memory_space<hbm>> -> memref<625x48xf32, #tpu.memory_space<hbm>>
        tpu.enqueue_dma source(%dma_start3A_18 : memref<625x48xf32, #tpu.memory_space<hbm>>) target(%dma_start3A_16 : memref<625x48xf32, #tpu.memory_space<vmem_shared>>) target_semaphore(%run_scoped3A : memref<!tpu.dma_semaphore, #tpu.memory_space<semaphore_mem>>)
        %dma_wait3A = arith.constant 0 : i32
        %dma_wait3A_19 = tpu.memref_slice %arg11[%mul3A_15, %dma_wait3A] : memref<10016x48xf32, #tpu.memory_space<vmem_shared>> -> memref<625x48xf32, #tpu.memory_space<vmem_shared>>
        %dma_wait3A_20 = arith.constant 0 : i32
        %dma_wait3A_21 = tpu.memref_slice %arg5[%mul3A_13, %dma_wait3A_20] : memref<10000x48xf32, #tpu.memory_space<hbm>> -> memref<625x48xf32, #tpu.memory_space<hbm>>
        tpu.wait_dma2 semaphore(%run_scoped3A : memref<!tpu.dma_semaphore, #tpu.memory_space<semaphore_mem>>) src(%dma_wait3A_21 : memref<625x48xf32, #tpu.memory_space<hbm>>) dst(%dma_wait3A_19 : memref<625x48xf32, #tpu.memory_space<vmem_shared>>)
        tpu.yield
      }) : () -> ()
    } else {
    }
    %barrier3A = arith.constant 0 : index
    tpu.barrier barrier_id(%barrier3A)
    %eq3A_2 = arith.constant 0 : i32
    %eq3A_3 = arith.cmpi eq, %arg0, %eq3A_2 : i32
    %convert_element_type3A_4 = arith.extui %eq3A_3 : i1 to i32
    %cond3A_5 = arith.constant 0 : i32
    %cond3A_6 = arith.cmpi ne, %convert_element_type3A_4, %cond3A_5 : i32
    scf.if %cond3A_6 {
      "tpu.region"() ({
        %run_scoped3A_114 = tpu.sem_alloc : memref<!tpu.dma_semaphore, #tpu.memory_space<semaphore_mem>>
        %dma_start3A_115 = arith.constant 0 : i32
        %dma_start3A_116 = arith.constant 0 : i32
        %dma_start3A_117 = tpu.memref_slice %arg3[%arg1, %dma_start3A_115, %dma_start3A_116] : memref<16x3x128xi32, #tpu.memory_space<hbm>> -> memref<1x3x128xi32, #tpu.memory_space<hbm>>
        %dma_start3A_118 = tpu.memref_squeeze %dma_start3A_117 : memref<1x3x128xi32, #tpu.memory_space<hbm>> -> memref<3x128xi32, #tpu.memory_space<hbm>>
        %dma_start3A_119 = arith.constant 0 : i32
        %dma_start3A_120 = arith.constant 0 : i32
        %dma_start3A_121 = tpu.memref_slice %arg3[%arg1, %dma_start3A_119, %dma_start3A_120] : memref<16x3x128xi32, #tpu.memory_space<hbm>> -> memref<1x3x128xi32, #tpu.memory_space<hbm>>
        %dma_start3A_122 = tpu.memref_squeeze %dma_start3A_121 : memref<1x3x128xi32, #tpu.memory_space<hbm>> -> memref<3x128xi32, #tpu.memory_space<hbm>>
        tpu.enqueue_dma source(%dma_start3A_122 : memref<3x128xi32, #tpu.memory_space<hbm>>) target(%arg7 : memref<3x128xi32, #tpu.memory_space<vmem>>) target_semaphore(%run_scoped3A_114 : memref<!tpu.dma_semaphore, #tpu.memory_space<semaphore_mem>>)
        %dma_wait3A_123 = arith.constant 0 : i32
        %dma_wait3A_124 = arith.constant 0 : i32
        %dma_wait3A_125 = tpu.memref_slice %arg3[%arg1, %dma_wait3A_123, %dma_wait3A_124] : memref<16x3x128xi32, #tpu.memory_space<hbm>> -> memref<1x3x128xi32, #tpu.memory_space<hbm>>
        %dma_wait3A_126 = tpu.memref_squeeze %dma_wait3A_125 : memref<1x3x128xi32, #tpu.memory_space<hbm>> -> memref<3x128xi32, #tpu.memory_space<hbm>>
        %dma_wait3A_127 = arith.constant 0 : i32
        %dma_wait3A_128 = arith.constant 0 : i32
        %dma_wait3A_129 = tpu.memref_slice %arg3[%arg1, %dma_wait3A_127, %dma_wait3A_128] : memref<16x3x128xi32, #tpu.memory_space<hbm>> -> memref<1x3x128xi32, #tpu.memory_space<hbm>>
        %dma_wait3A_130 = tpu.memref_squeeze %dma_wait3A_129 : memref<1x3x128xi32, #tpu.memory_space<hbm>> -> memref<3x128xi32, #tpu.memory_space<hbm>>
        tpu.wait_dma2 semaphore(%run_scoped3A_114 : memref<!tpu.dma_semaphore, #tpu.memory_space<semaphore_mem>>) src(%dma_wait3A_130 : memref<3x128xi32, #tpu.memory_space<hbm>>) dst(%arg7 : memref<3x128xi32, #tpu.memory_space<vmem>>)
        tpu.yield
      }) : () -> ()
      "tpu.region"() ({
        %run_scoped3A_114 = tpu.sem_alloc : memref<!tpu.dma_semaphore, #tpu.memory_space<semaphore_mem>>
        %dma_start3A_115 = arith.constant 0 : i32
        %dma_start3A_116 = arith.constant 0 : i32
        %dma_start3A_117 = tpu.memref_slice %arg4[%arg1, %dma_start3A_115, %dma_start3A_116] : memref<16x3x128xi32, #tpu.memory_space<hbm>> -> memref<1x3x128xi32, #tpu.memory_space<hbm>>
        %dma_start3A_118 = tpu.memref_squeeze %dma_start3A_117 : memref<1x3x128xi32, #tpu.memory_space<hbm>> -> memref<3x128xi32, #tpu.memory_space<hbm>>
        %dma_start3A_119 = arith.constant 0 : i32
        %dma_start3A_120 = arith.constant 0 : i32
        %dma_start3A_121 = tpu.memref_slice %arg4[%arg1, %dma_start3A_119, %dma_start3A_120] : memref<16x3x128xi32, #tpu.memory_space<hbm>> -> memref<1x3x128xi32, #tpu.memory_space<hbm>>
        %dma_start3A_122 = tpu.memref_squeeze %dma_start3A_121 : memref<1x3x128xi32, #tpu.memory_space<hbm>> -> memref<3x128xi32, #tpu.memory_space<hbm>>
        tpu.enqueue_dma source(%dma_start3A_122 : memref<3x128xi32, #tpu.memory_space<hbm>>) target(%arg8 : memref<3x128xi32, #tpu.memory_space<vmem>>) target_semaphore(%run_scoped3A_114 : memref<!tpu.dma_semaphore, #tpu.memory_space<semaphore_mem>>)
        %dma_wait3A_123 = arith.constant 0 : i32
        %dma_wait3A_124 = arith.constant 0 : i32
        %dma_wait3A_125 = tpu.memref_slice %arg4[%arg1, %dma_wait3A_123, %dma_wait3A_124] : memref<16x3x128xi32, #tpu.memory_space<hbm>> -> memref<1x3x128xi32, #tpu.memory_space<hbm>>
        %dma_wait3A_126 = tpu.memref_squeeze %dma_wait3A_125 : memref<1x3x128xi32, #tpu.memory_space<hbm>> -> memref<3x128xi32, #tpu.memory_space<hbm>>
        %dma_wait3A_127 = arith.constant 0 : i32
        %dma_wait3A_128 = arith.constant 0 : i32
        %dma_wait3A_129 = tpu.memref_slice %arg4[%arg1, %dma_wait3A_127, %dma_wait3A_128] : memref<16x3x128xi32, #tpu.memory_space<hbm>> -> memref<1x3x128xi32, #tpu.memory_space<hbm>>
        %dma_wait3A_130 = tpu.memref_squeeze %dma_wait3A_129 : memref<1x3x128xi32, #tpu.memory_space<hbm>> -> memref<3x128xi32, #tpu.memory_space<hbm>>
        tpu.wait_dma2 semaphore(%run_scoped3A_114 : memref<!tpu.dma_semaphore, #tpu.memory_space<semaphore_mem>>) src(%dma_wait3A_130 : memref<3x128xi32, #tpu.memory_space<hbm>>) dst(%arg8 : memref<3x128xi32, #tpu.memory_space<vmem>>)
        tpu.yield
      }) : () -> ()
      %dma_start3A = arith.constant 0 : i32
      %dma_start3A_13 = arith.constant 0 : i32
      %dma_start3A_14 = tpu.memref_slice %arg7[%dma_start3A, %dma_start3A_13] : memref<3x128xi32, #tpu.memory_space<vmem>> -> memref<1x128xi32, #tpu.memory_space<vmem>>
      %dma_start3A_15 = tpu.memref_squeeze %dma_start3A_14 : memref<1x128xi32, #tpu.memory_space<vmem>> -> memref<128xi32, #tpu.memory_space<vmem>>
      %dma_start3A_16 = arith.constant 0 : i32
      %dma_start3A_17 = arith.constant 0 : i32
      %dma_start3A_18 = tpu.memref_slice %arg2[%dma_start3A_16, %dma_start3A_17] : memref<10000x48xf32, #tpu.memory_space<hbm>> -> memref<10000x48xf32, #tpu.memory_space<hbm>>
      tpu.enqueue_indirect_dma source(%dma_start3A_18 : memref<10000x48xf32, #tpu.memory_space<hbm>>) target(%arg9 : memref<128x48xf32, #tpu.memory_space<vmem>>) offsets(%dma_start3A_15 : memref<128xi32, #tpu.memory_space<vmem>>) semaphore(%arg12 : memref<!tpu.dma_semaphore, #tpu.memory_space<semaphore_mem>>)
      %dma_wait3A = arith.constant 0 : i32
      %dma_wait3A_19 = arith.constant 0 : i32
      %dma_wait3A_20 = tpu.memref_slice %arg7[%dma_wait3A, %dma_wait3A_19] : memref<3x128xi32, #tpu.memory_space<vmem>> -> memref<1x128xi32, #tpu.memory_space<vmem>>
      %dma_wait3A_21 = tpu.memref_squeeze %dma_wait3A_20 : memref<1x128xi32, #tpu.memory_space<vmem>> -> memref<128xi32, #tpu.memory_space<vmem>>
      %dma_wait3A_22 = arith.constant 0 : i32
      %dma_wait3A_23 = arith.constant 0 : i32
      %dma_wait3A_24 = tpu.memref_slice %arg2[%dma_wait3A_22, %dma_wait3A_23] : memref<10000x48xf32, #tpu.memory_space<hbm>> -> memref<10000x48xf32, #tpu.memory_space<hbm>>
      tpu.wait_indirect_dma semaphore(%arg12 : memref<!tpu.dma_semaphore, #tpu.memory_space<semaphore_mem>>) src(%dma_wait3A_24 : memref<10000x48xf32, #tpu.memory_space<hbm>>) dst(%arg9 : memref<128x48xf32, #tpu.memory_space<vmem>>)
      %dma_start3A_25 = arith.constant 0 : i32
      %dma_start3A_26 = arith.constant 0 : i32
      %dma_start3A_27 = tpu.memref_slice %arg7[%dma_start3A_25, %dma_start3A_26] : memref<3x128xi32, #tpu.memory_space<vmem>> -> memref<1x128xi32, #tpu.memory_space<vmem>>
      %dma_start3A_28 = tpu.memref_squeeze %dma_start3A_27 : memref<1x128xi32, #tpu.memory_space<vmem>> -> memref<128xi32, #tpu.memory_space<vmem>>
      %dma_start3A_29 = arith.constant 0 : i32
      %dma_start3A_30 = arith.constant 0 : i32
      %dma_start3A_31 = tpu.memref_slice %arg5[%dma_start3A_29, %dma_start3A_30] : memref<10000x48xf32, #tpu.memory_space<hbm>> -> memref<10000x48xf32, #tpu.memory_space<hbm>>
      tpu.enqueue_indirect_dma source(%dma_start3A_31 : memref<10000x48xf32, #tpu.memory_space<hbm>>) target(%arg10 : memref<128x48xf32, #tpu.memory_space<vmem>>) offsets(%dma_start3A_28 : memref<128xi32, #tpu.memory_space<vmem>>) semaphore(%arg12 : memref<!tpu.dma_semaphore, #tpu.memory_space<semaphore_mem>>)
      %dma_wait3A_32 = arith.constant 0 : i32
      %dma_wait3A_33 = arith.constant 0 : i32
      %dma_wait3A_34 = tpu.memref_slice %arg7[%dma_wait3A_32, %dma_wait3A_33] : memref<3x128xi32, #tpu.memory_space<vmem>> -> memref<1x128xi32, #tpu.memory_space<vmem>>
      %dma_wait3A_35 = tpu.memref_squeeze %dma_wait3A_34 : memref<1x128xi32, #tpu.memory_space<vmem>> -> memref<128xi32, #tpu.memory_space<vmem>>
      %dma_wait3A_36 = arith.constant 0 : i32
      %dma_wait3A_37 = arith.constant 0 : i32
      %dma_wait3A_38 = tpu.memref_slice %arg5[%dma_wait3A_36, %dma_wait3A_37] : memref<10000x48xf32, #tpu.memory_space<hbm>> -> memref<10000x48xf32, #tpu.memory_space<hbm>>
      tpu.wait_indirect_dma semaphore(%arg12 : memref<!tpu.dma_semaphore, #tpu.memory_space<semaphore_mem>>) src(%dma_wait3A_38 : memref<10000x48xf32, #tpu.memory_space<hbm>>) dst(%arg10 : memref<128x48xf32, #tpu.memory_space<vmem>>)
      %scan3A = arith.constant 0 : i32
      %scan3A_39 = arith.constant 0 : i32
      %scan3A_40 = arith.constant 128 : i32
      %scan3A_41 = arith.addi %scan3A_39, %scan3A_40 : i32
      %scan3A_42 = arith.constant 1 : i32
      scf.for %scan3A_114 = %scan3A_39 to %scan3A_41 step %scan3A_42  : i32 {
        %get3A = arith.index_cast %scan3A_114 : i32 to index
        %get3A_115 = arith.constant 0 : index
        %get3A_116 = tpu.vector_load %arg9[%get3A, %get3A_115] {strides = array<i32>} : memref<128x48xf32, #tpu.memory_space<vmem>>, vector<1x16xf32>,
        %get3A_117 = vector.shape_cast %get3A_116 : vector<1x16xf32> to vector<16xf32>
        %get3A_118 = arith.index_cast %scan3A_114 : i32 to index
        %get3A_119 = arith.constant 0 : index
        %get3A_120 = tpu.vector_load %arg10[%get3A_118, %get3A_119] {strides = array<i32>} : memref<128x48xf32, #tpu.memory_space<vmem>>, vector<1x16xf32>,
        %get3A_121 = vector.shape_cast %get3A_120 : vector<1x16xf32> to vector<16xf32>
        %add3A = arith.addf %get3A_117, %get3A_121 : vector<16xf32>
        %swap3A = arith.index_cast %scan3A_114 : i32 to index
        %swap3A_122 = arith.constant 0 : index
        %swap3A_123 = tpu.vector_load %arg9[%swap3A, %swap3A_122] {strides = array<i32>} : memref<128x48xf32, #tpu.memory_space<vmem>>, vector<1x16xf32>,
        %swap3A_124 = vector.shape_cast %swap3A_123 : vector<1x16xf32> to vector<16xf32>
        %swap3A_125 = vector.shape_cast %add3A : vector<16xf32> to vector<1x16xf32>
        tpu.vector_store %arg9[%swap3A, %swap3A_122], %swap3A_125 {strides = array<i32>} : memref<128x48xf32, #tpu.memory_space<vmem>>, vector<1x16xf32>,
        %get3A_126 = arith.index_cast %scan3A_114 : i32 to index
        %get3A_127 = arith.constant 16 : index
        %get3A_128 = tpu.vector_load %arg9[%get3A_126, %get3A_127] {strides = array<i32>} : memref<128x48xf32, #tpu.memory_space<vmem>>, vector<1x16xf32>,
        %get3A_129 = vector.shape_cast %get3A_128 : vector<1x16xf32> to vector<16xf32>
        %get3A_130 = arith.index_cast %scan3A_114 : i32 to index
        %get3A_131 = arith.constant 16 : index
        %get3A_132 = tpu.vector_load %arg10[%get3A_130, %get3A_131] {strides = array<i32>} : memref<128x48xf32, #tpu.memory_space<vmem>>, vector<1x16xf32>,
        %get3A_133 = vector.shape_cast %get3A_132 : vector<1x16xf32> to vector<16xf32>
        %add3A_134 = arith.addf %get3A_129, %get3A_133 : vector<16xf32>
        %swap3A_135 = arith.index_cast %scan3A_114 : i32 to index
        %swap3A_136 = arith.constant 16 : index
        %swap3A_137 = tpu.vector_load %arg9[%swap3A_135, %swap3A_136] {strides = array<i32>} : memref<128x48xf32, #tpu.memory_space<vmem>>, vector<1x16xf32>,
        %swap3A_138 = vector.shape_cast %swap3A_137 : vector<1x16xf32> to vector<16xf32>
        %swap3A_139 = vector.shape_cast %add3A_134 : vector<16xf32> to vector<1x16xf32>
        tpu.vector_store %arg9[%swap3A_135, %swap3A_136], %swap3A_139 {strides = array<i32>} : memref<128x48xf32, #tpu.memory_space<vmem>>, vector<1x16xf32>,
        %get3A_140 = arith.index_cast %scan3A_114 : i32 to index
        %get3A_141 = arith.constant 32 : index
        %get3A_142 = tpu.vector_load %arg9[%get3A_140, %get3A_141] {strides = array<i32>} : memref<128x48xf32, #tpu.memory_space<vmem>>, vector<1x16xf32>,
        %get3A_143 = vector.shape_cast %get3A_142 : vector<1x16xf32> to vector<16xf32>
        %get3A_144 = arith.index_cast %scan3A_114 : i32 to index
        %get3A_145 = arith.constant 32 : index
        %get3A_146 = tpu.vector_load %arg10[%get3A_144, %get3A_145] {strides = array<i32>} : memref<128x48xf32, #tpu.memory_space<vmem>>, vector<1x16xf32>,
        %get3A_147 = vector.shape_cast %get3A_146 : vector<1x16xf32> to vector<16xf32>
        %add3A_148 = arith.addf %get3A_143, %get3A_147 : vector<16xf32>
        %swap3A_149 = arith.index_cast %scan3A_114 : i32 to index
        %swap3A_150 = arith.constant 32 : index
        %swap3A_151 = tpu.vector_load %arg9[%swap3A_149, %swap3A_150] {strides = array<i32>} : memref<128x48xf32, #tpu.memory_space<vmem>>, vector<1x16xf32>,
        %swap3A_152 = vector.shape_cast %swap3A_151 : vector<1x16xf32> to vector<16xf32>
        %swap3A_153 = vector.shape_cast %add3A_148 : vector<16xf32> to vector<1x16xf32>
        tpu.vector_store %arg9[%swap3A_149, %swap3A_150], %swap3A_153 {strides = array<i32>} : memref<128x48xf32, #tpu.memory_space<vmem>>, vector<1x16xf32>,
      }
      %scan3A_43 = arith.constant 128 : i32
      %run_scoped3A = arith.constant 0 : i32
      "tpu.region"() ({
        %run_scoped3A_114 = tpu.sem_alloc : memref<!tpu.dma_semaphore, #tpu.memory_space<semaphore_mem>>
        %dma_start3A_115 = arith.constant 0 : i32
        %dma_start3A_116 = tpu.memref_slice %arg8[%run_scoped3A, %dma_start3A_115] : memref<3x128xi32, #tpu.memory_space<vmem>> -> memref<1x128xi32, #tpu.memory_space<vmem>>
        %dma_start3A_117 = tpu.memref_squeeze %dma_start3A_116 : memref<1x128xi32, #tpu.memory_space<vmem>> -> memref<128xi32, #tpu.memory_space<vmem>>
        %dma_start3A_118 = arith.constant 0 : i32
        %dma_start3A_119 = arith.constant 0 : i32
        %dma_start3A_120 = tpu.memref_slice %arg11[%dma_start3A_118, %dma_start3A_119] : memref<10016x48xf32, #tpu.memory_space<vmem_shared>> -> memref<10016x48xf32, #tpu.memory_space<vmem_shared>>
        tpu.enqueue_indirect_dma source(%arg9 : memref<128x48xf32, #tpu.memory_space<vmem>>) target(%dma_start3A_120 : memref<10016x48xf32, #tpu.memory_space<vmem_shared>>) offsets(%dma_start3A_117 : memref<128xi32, #tpu.memory_space<vmem>>) semaphore(%run_scoped3A_114 : memref<!tpu.dma_semaphore, #tpu.memory_space<semaphore_mem>>)
        %dma_wait3A_121 = arith.constant 0 : i32
        %dma_wait3A_122 = tpu.memref_slice %arg8[%run_scoped3A, %dma_wait3A_121] : memref<3x128xi32, #tpu.memory_space<vmem>> -> memref<1x128xi32, #tpu.memory_space<vmem>>
        %dma_wait3A_123 = tpu.memref_squeeze %dma_wait3A_122 : memref<1x128xi32, #tpu.memory_space<vmem>> -> memref<128xi32, #tpu.memory_space<vmem>>
        %dma_wait3A_124 = arith.constant 0 : i32
        %dma_wait3A_125 = arith.constant 0 : i32
        %dma_wait3A_126 = tpu.memref_slice %arg11[%dma_wait3A_124, %dma_wait3A_125] : memref<10016x48xf32, #tpu.memory_space<vmem_shared>> -> memref<10016x48xf32, #tpu.memory_space<vmem_shared>>
        tpu.wait_indirect_dma semaphore(%run_scoped3A_114 : memref<!tpu.dma_semaphore, #tpu.memory_space<semaphore_mem>>) src(%arg9 : memref<128x48xf32, #tpu.memory_space<vmem>>) dst(%dma_wait3A_126 : memref<10016x48xf32, #tpu.memory_space<vmem_shared>>)
        tpu.yield
      }) : () -> ()
      %dma_start3A_44 = arith.constant 1 : i32
      %dma_start3A_45 = arith.constant 0 : i32
      %dma_start3A_46 = tpu.memref_slice %arg7[%dma_start3A_44, %dma_start3A_45] : memref<3x128xi32, #tpu.memory_space<vmem>> -> memref<1x128xi32, #tpu.memory_space<vmem>>
      %dma_start3A_47 = tpu.memref_squeeze %dma_start3A_46 : memref<1x128xi32, #tpu.memory_space<vmem>> -> memref<128xi32, #tpu.memory_space<vmem>>
      %dma_start3A_48 = arith.constant 0 : i32
      %dma_start3A_49 = arith.constant 0 : i32
      %dma_start3A_50 = tpu.memref_slice %arg2[%dma_start3A_48, %dma_start3A_49] : memref<10000x48xf32, #tpu.memory_space<hbm>> -> memref<10000x48xf32, #tpu.memory_space<hbm>>
      tpu.enqueue_indirect_dma source(%dma_start3A_50 : memref<10000x48xf32, #tpu.memory_space<hbm>>) target(%arg9 : memref<128x48xf32, #tpu.memory_space<vmem>>) offsets(%dma_start3A_47 : memref<128xi32, #tpu.memory_space<vmem>>) semaphore(%arg12 : memref<!tpu.dma_semaphore, #tpu.memory_space<semaphore_mem>>)
      %dma_wait3A_51 = arith.constant 1 : i32
      %dma_wait3A_52 = arith.constant 0 : i32
      %dma_wait3A_53 = tpu.memref_slice %arg7[%dma_wait3A_51, %dma_wait3A_52] : memref<3x128xi32, #tpu.memory_space<vmem>> -> memref<1x128xi32, #tpu.memory_space<vmem>>
      %dma_wait3A_54 = tpu.memref_squeeze %dma_wait3A_53 : memref<1x128xi32, #tpu.memory_space<vmem>> -> memref<128xi32, #tpu.memory_space<vmem>>
      %dma_wait3A_55 = arith.constant 0 : i32
      %dma_wait3A_56 = arith.constant 0 : i32
      %dma_wait3A_57 = tpu.memref_slice %arg2[%dma_wait3A_55, %dma_wait3A_56] : memref<10000x48xf32, #tpu.memory_space<hbm>> -> memref<10000x48xf32, #tpu.memory_space<hbm>>
      tpu.wait_indirect_dma semaphore(%arg12 : memref<!tpu.dma_semaphore, #tpu.memory_space<semaphore_mem>>) src(%dma_wait3A_57 : memref<10000x48xf32, #tpu.memory_space<hbm>>) dst(%arg9 : memref<128x48xf32, #tpu.memory_space<vmem>>)
      %dma_start3A_58 = arith.constant 1 : i32
      %dma_start3A_59 = arith.constant 0 : i32
      %dma_start3A_60 = tpu.memref_slice %arg7[%dma_start3A_58, %dma_start3A_59] : memref<3x128xi32, #tpu.memory_space<vmem>> -> memref<1x128xi32, #tpu.memory_space<vmem>>
      %dma_start3A_61 = tpu.memref_squeeze %dma_start3A_60 : memref<1x128xi32, #tpu.memory_space<vmem>> -> memref<128xi32, #tpu.memory_space<vmem>>
      %dma_start3A_62 = arith.constant 0 : i32
      %dma_start3A_63 = arith.constant 0 : i32
      %dma_start3A_64 = tpu.memref_slice %arg5[%dma_start3A_62, %dma_start3A_63] : memref<10000x48xf32, #tpu.memory_space<hbm>> -> memref<10000x48xf32, #tpu.memory_space<hbm>>
      tpu.enqueue_indirect_dma source(%dma_start3A_64 : memref<10000x48xf32, #tpu.memory_space<hbm>>) target(%arg10 : memref<128x48xf32, #tpu.memory_space<vmem>>) offsets(%dma_start3A_61 : memref<128xi32, #tpu.memory_space<vmem>>) semaphore(%arg12 : memref<!tpu.dma_semaphore, #tpu.memory_space<semaphore_mem>>)
      %dma_wait3A_65 = arith.constant 1 : i32
      %dma_wait3A_66 = arith.constant 0 : i32
      %dma_wait3A_67 = tpu.memref_slice %arg7[%dma_wait3A_65, %dma_wait3A_66] : memref<3x128xi32, #tpu.memory_space<vmem>> -> memref<1x128xi32, #tpu.memory_space<vmem>>
      %dma_wait3A_68 = tpu.memref_squeeze %dma_wait3A_67 : memref<1x128xi32, #tpu.memory_space<vmem>> -> memref<128xi32, #tpu.memory_space<vmem>>
      %dma_wait3A_69 = arith.constant 0 : i32
      %dma_wait3A_70 = arith.constant 0 : i32
      %dma_wait3A_71 = tpu.memref_slice %arg5[%dma_wait3A_69, %dma_wait3A_70] : memref<10000x48xf32, #tpu.memory_space<hbm>> -> memref<10000x48xf32, #tpu.memory_space<hbm>>
      tpu.wait_indirect_dma semaphore(%arg12 : memref<!tpu.dma_semaphore, #tpu.memory_space<semaphore_mem>>) src(%dma_wait3A_71 : memref<10000x48xf32, #tpu.memory_space<hbm>>) dst(%arg10 : memref<128x48xf32, #tpu.memory_space<vmem>>)
      %scan3A_72 = arith.constant 0 : i32
      %scan3A_73 = arith.constant 0 : i32
      %scan3A_74 = arith.constant 128 : i32
      %scan3A_75 = arith.addi %scan3A_73, %scan3A_74 : i32
      %scan3A_76 = arith.constant 1 : i32
      scf.for %scan3A_114 = %scan3A_73 to %scan3A_75 step %scan3A_76  : i32 {
        %get3A = arith.index_cast %scan3A_114 : i32 to index
        %get3A_115 = arith.constant 0 : index
        %get3A_116 = tpu.vector_load %arg9[%get3A, %get3A_115] {strides = array<i32>} : memref<128x48xf32, #tpu.memory_space<vmem>>, vector<1x16xf32>,
        %get3A_117 = vector.shape_cast %get3A_116 : vector<1x16xf32> to vector<16xf32>
        %get3A_118 = arith.index_cast %scan3A_114 : i32 to index
        %get3A_119 = arith.constant 0 : index
        %get3A_120 = tpu.vector_load %arg10[%get3A_118, %get3A_119] {strides = array<i32>} : memref<128x48xf32, #tpu.memory_space<vmem>>, vector<1x16xf32>,
        %get3A_121 = vector.shape_cast %get3A_120 : vector<1x16xf32> to vector<16xf32>
        %add3A = arith.addf %get3A_117, %get3A_121 : vector<16xf32>
        %swap3A = arith.index_cast %scan3A_114 : i32 to index
        %swap3A_122 = arith.constant 0 : index
        %swap3A_123 = tpu.vector_load %arg9[%swap3A, %swap3A_122] {strides = array<i32>} : memref<128x48xf32, #tpu.memory_space<vmem>>, vector<1x16xf32>,
        %swap3A_124 = vector.shape_cast %swap3A_123 : vector<1x16xf32> to vector<16xf32>
        %swap3A_125 = vector.shape_cast %add3A : vector<16xf32> to vector<1x16xf32>
        tpu.vector_store %arg9[%swap3A, %swap3A_122], %swap3A_125 {strides = array<i32>} : memref<128x48xf32, #tpu.memory_space<vmem>>, vector<1x16xf32>,
        %get3A_126 = arith.index_cast %scan3A_114 : i32 to index
        %get3A_127 = arith.constant 16 : index
        %get3A_128 = tpu.vector_load %arg9[%get3A_126, %get3A_127] {strides = array<i32>} : memref<128x48xf32, #tpu.memory_space<vmem>>, vector<1x16xf32>,
        %get3A_129 = vector.shape_cast %get3A_128 : vector<1x16xf32> to vector<16xf32>
        %get3A_130 = arith.index_cast %scan3A_114 : i32 to index
        %get3A_131 = arith.constant 16 : index
        %get3A_132 = tpu.vector_load %arg10[%get3A_130, %get3A_131] {strides = array<i32>} : memref<128x48xf32, #tpu.memory_space<vmem>>, vector<1x16xf32>,
        %get3A_133 = vector.shape_cast %get3A_132 : vector<1x16xf32> to vector<16xf32>
        %add3A_134 = arith.addf %get3A_129, %get3A_133 : vector<16xf32>
        %swap3A_135 = arith.index_cast %scan3A_114 : i32 to index
        %swap3A_136 = arith.constant 16 : index
        %swap3A_137 = tpu.vector_load %arg9[%swap3A_135, %swap3A_136] {strides = array<i32>} : memref<128x48xf32, #tpu.memory_space<vmem>>, vector<1x16xf32>,
        %swap3A_138 = vector.shape_cast %swap3A_137 : vector<1x16xf32> to vector<16xf32>
        %swap3A_139 = vector.shape_cast %add3A_134 : vector<16xf32> to vector<1x16xf32>
        tpu.vector_store %arg9[%swap3A_135, %swap3A_136], %swap3A_139 {strides = array<i32>} : memref<128x48xf32, #tpu.memory_space<vmem>>, vector<1x16xf32>,
        %get3A_140 = arith.index_cast %scan3A_114 : i32 to index
        %get3A_141 = arith.constant 32 : index
        %get3A_142 = tpu.vector_load %arg9[%get3A_140, %get3A_141] {strides = array<i32>} : memref<128x48xf32, #tpu.memory_space<vmem>>, vector<1x16xf32>,
        %get3A_143 = vector.shape_cast %get3A_142 : vector<1x16xf32> to vector<16xf32>
        %get3A_144 = arith.index_cast %scan3A_114 : i32 to index
        %get3A_145 = arith.constant 32 : index
        %get3A_146 = tpu.vector_load %arg10[%get3A_144, %get3A_145] {strides = array<i32>} : memref<128x48xf32, #tpu.memory_space<vmem>>, vector<1x16xf32>,
        %get3A_147 = vector.shape_cast %get3A_146 : vector<1x16xf32> to vector<16xf32>
        %add3A_148 = arith.addf %get3A_143, %get3A_147 : vector<16xf32>
        %swap3A_149 = arith.index_cast %scan3A_114 : i32 to index
        %swap3A_150 = arith.constant 32 : index
        %swap3A_151 = tpu.vector_load %arg9[%swap3A_149, %swap3A_150] {strides = array<i32>} : memref<128x48xf32, #tpu.memory_space<vmem>>, vector<1x16xf32>,
        %swap3A_152 = vector.shape_cast %swap3A_151 : vector<1x16xf32> to vector<16xf32>
        %swap3A_153 = vector.shape_cast %add3A_148 : vector<16xf32> to vector<1x16xf32>
        tpu.vector_store %arg9[%swap3A_149, %swap3A_150], %swap3A_153 {strides = array<i32>} : memref<128x48xf32, #tpu.memory_space<vmem>>, vector<1x16xf32>,
      }
      %scan3A_77 = arith.constant 128 : i32
      %run_scoped3A_78 = arith.constant 1 : i32
      "tpu.region"() ({
        %run_scoped3A_114 = tpu.sem_alloc : memref<!tpu.dma_semaphore, #tpu.memory_space<semaphore_mem>>
        %dma_start3A_115 = arith.constant 0 : i32
        %dma_start3A_116 = tpu.memref_slice %arg8[%run_scoped3A_78, %dma_start3A_115] : memref<3x128xi32, #tpu.memory_space<vmem>> -> memref<1x128xi32, #tpu.memory_space<vmem>>
        %dma_start3A_117 = tpu.memref_squeeze %dma_start3A_116 : memref<1x128xi32, #tpu.memory_space<vmem>> -> memref<128xi32, #tpu.memory_space<vmem>>
        %dma_start3A_118 = arith.constant 0 : i32
        %dma_start3A_119 = arith.constant 0 : i32
        %dma_start3A_120 = tpu.memref_slice %arg11[%dma_start3A_118, %dma_start3A_119] : memref<10016x48xf32, #tpu.memory_space<vmem_shared>> -> memref<10016x48xf32, #tpu.memory_space<vmem_shared>>
        tpu.enqueue_indirect_dma source(%arg9 : memref<128x48xf32, #tpu.memory_space<vmem>>) target(%dma_start3A_120 : memref<10016x48xf32, #tpu.memory_space<vmem_shared>>) offsets(%dma_start3A_117 : memref<128xi32, #tpu.memory_space<vmem>>) semaphore(%run_scoped3A_114 : memref<!tpu.dma_semaphore, #tpu.memory_space<semaphore_mem>>)
        %dma_wait3A_121 = arith.constant 0 : i32
        %dma_wait3A_122 = tpu.memref_slice %arg8[%run_scoped3A_78, %dma_wait3A_121] : memref<3x128xi32, #tpu.memory_space<vmem>> -> memref<1x128xi32, #tpu.memory_space<vmem>>
        %dma_wait3A_123 = tpu.memref_squeeze %dma_wait3A_122 : memref<1x128xi32, #tpu.memory_space<vmem>> -> memref<128xi32, #tpu.memory_space<vmem>>
        %dma_wait3A_124 = arith.constant 0 : i32
        %dma_wait3A_125 = arith.constant 0 : i32
        %dma_wait3A_126 = tpu.memref_slice %arg11[%dma_wait3A_124, %dma_wait3A_125] : memref<10016x48xf32, #tpu.memory_space<vmem_shared>> -> memref<10016x48xf32, #tpu.memory_space<vmem_shared>>
        tpu.wait_indirect_dma semaphore(%run_scoped3A_114 : memref<!tpu.dma_semaphore, #tpu.memory_space<semaphore_mem>>) src(%arg9 : memref<128x48xf32, #tpu.memory_space<vmem>>) dst(%dma_wait3A_126 : memref<10016x48xf32, #tpu.memory_space<vmem_shared>>)
        tpu.yield
      }) : () -> ()
      %dma_start3A_79 = arith.constant 2 : i32
      %dma_start3A_80 = arith.constant 0 : i32
      %dma_start3A_81 = tpu.memref_slice %arg7[%dma_start3A_79, %dma_start3A_80] : memref<3x128xi32, #tpu.memory_space<vmem>> -> memref<1x128xi32, #tpu.memory_space<vmem>>
      %dma_start3A_82 = tpu.memref_squeeze %dma_start3A_81 : memref<1x128xi32, #tpu.memory_space<vmem>> -> memref<128xi32, #tpu.memory_space<vmem>>
      %dma_start3A_83 = arith.constant 0 : i32
      %dma_start3A_84 = arith.constant 0 : i32
      %dma_start3A_85 = tpu.memref_slice %arg2[%dma_start3A_83, %dma_start3A_84] : memref<10000x48xf32, #tpu.memory_space<hbm>> -> memref<10000x48xf32, #tpu.memory_space<hbm>>
      tpu.enqueue_indirect_dma source(%dma_start3A_85 : memref<10000x48xf32, #tpu.memory_space<hbm>>) target(%arg9 : memref<128x48xf32, #tpu.memory_space<vmem>>) offsets(%dma_start3A_82 : memref<128xi32, #tpu.memory_space<vmem>>) semaphore(%arg12 : memref<!tpu.dma_semaphore, #tpu.memory_space<semaphore_mem>>)
      %dma_wait3A_86 = arith.constant 2 : i32
      %dma_wait3A_87 = arith.constant 0 : i32
      %dma_wait3A_88 = tpu.memref_slice %arg7[%dma_wait3A_86, %dma_wait3A_87] : memref<3x128xi32, #tpu.memory_space<vmem>> -> memref<1x128xi32, #tpu.memory_space<vmem>>
      %dma_wait3A_89 = tpu.memref_squeeze %dma_wait3A_88 : memref<1x128xi32, #tpu.memory_space<vmem>> -> memref<128xi32, #tpu.memory_space<vmem>>
      %dma_wait3A_90 = arith.constant 0 : i32
      %dma_wait3A_91 = arith.constant 0 : i32
      %dma_wait3A_92 = tpu.memref_slice %arg2[%dma_wait3A_90, %dma_wait3A_91] : memref<10000x48xf32, #tpu.memory_space<hbm>> -> memref<10000x48xf32, #tpu.memory_space<hbm>>
      tpu.wait_indirect_dma semaphore(%arg12 : memref<!tpu.dma_semaphore, #tpu.memory_space<semaphore_mem>>) src(%dma_wait3A_92 : memref<10000x48xf32, #tpu.memory_space<hbm>>) dst(%arg9 : memref<128x48xf32, #tpu.memory_space<vmem>>)
      %dma_start3A_93 = arith.constant 2 : i32
      %dma_start3A_94 = arith.constant 0 : i32
      %dma_start3A_95 = tpu.memref_slice %arg7[%dma_start3A_93, %dma_start3A_94] : memref<3x128xi32, #tpu.memory_space<vmem>> -> memref<1x128xi32, #tpu.memory_space<vmem>>
      %dma_start3A_96 = tpu.memref_squeeze %dma_start3A_95 : memref<1x128xi32, #tpu.memory_space<vmem>> -> memref<128xi32, #tpu.memory_space<vmem>>
      %dma_start3A_97 = arith.constant 0 : i32
      %dma_start3A_98 = arith.constant 0 : i32
      %dma_start3A_99 = tpu.memref_slice %arg5[%dma_start3A_97, %dma_start3A_98] : memref<10000x48xf32, #tpu.memory_space<hbm>> -> memref<10000x48xf32, #tpu.memory_space<hbm>>
      tpu.enqueue_indirect_dma source(%dma_start3A_99 : memref<10000x48xf32, #tpu.memory_space<hbm>>) target(%arg10 : memref<128x48xf32, #tpu.memory_space<vmem>>) offsets(%dma_start3A_96 : memref<128xi32, #tpu.memory_space<vmem>>) semaphore(%arg12 : memref<!tpu.dma_semaphore, #tpu.memory_space<semaphore_mem>>)
      %dma_wait3A_100 = arith.constant 2 : i32
      %dma_wait3A_101 = arith.constant 0 : i32
      %dma_wait3A_102 = tpu.memref_slice %arg7[%dma_wait3A_100, %dma_wait3A_101] : memref<3x128xi32, #tpu.memory_space<vmem>> -> memref<1x128xi32, #tpu.memory_space<vmem>>
      %dma_wait3A_103 = tpu.memref_squeeze %dma_wait3A_102 : memref<1x128xi32, #tpu.memory_space<vmem>> -> memref<128xi32, #tpu.memory_space<vmem>>
      %dma_wait3A_104 = arith.constant 0 : i32
      %dma_wait3A_105 = arith.constant 0 : i32
      %dma_wait3A_106 = tpu.memref_slice %arg5[%dma_wait3A_104, %dma_wait3A_105] : memref<10000x48xf32, #tpu.memory_space<hbm>> -> memref<10000x48xf32, #tpu.memory_space<hbm>>
      tpu.wait_indirect_dma semaphore(%arg12 : memref<!tpu.dma_semaphore, #tpu.memory_space<semaphore_mem>>) src(%dma_wait3A_106 : memref<10000x48xf32, #tpu.memory_space<hbm>>) dst(%arg10 : memref<128x48xf32, #tpu.memory_space<vmem>>)
      %scan3A_107 = arith.constant 0 : i32
      %scan3A_108 = arith.constant 0 : i32
      %scan3A_109 = arith.constant 128 : i32
      %scan3A_110 = arith.addi %scan3A_108, %scan3A_109 : i32
      %scan3A_111 = arith.constant 1 : i32
      scf.for %scan3A_114 = %scan3A_108 to %scan3A_110 step %scan3A_111  : i32 {
        %get3A = arith.index_cast %scan3A_114 : i32 to index
        %get3A_115 = arith.constant 0 : index
        %get3A_116 = tpu.vector_load %arg9[%get3A, %get3A_115] {strides = array<i32>} : memref<128x48xf32, #tpu.memory_space<vmem>>, vector<1x16xf32>,
        %get3A_117 = vector.shape_cast %get3A_116 : vector<1x16xf32> to vector<16xf32>
        %get3A_118 = arith.index_cast %scan3A_114 : i32 to index
        %get3A_119 = arith.constant 0 : index
        %get3A_120 = tpu.vector_load %arg10[%get3A_118, %get3A_119] {strides = array<i32>} : memref<128x48xf32, #tpu.memory_space<vmem>>, vector<1x16xf32>,
        %get3A_121 = vector.shape_cast %get3A_120 : vector<1x16xf32> to vector<16xf32>
        %add3A = arith.addf %get3A_117, %get3A_121 : vector<16xf32>
        %swap3A = arith.index_cast %scan3A_114 : i32 to index
        %swap3A_122 = arith.constant 0 : index
        %swap3A_123 = tpu.vector_load %arg9[%swap3A, %swap3A_122] {strides = array<i32>} : memref<128x48xf32, #tpu.memory_space<vmem>>, vector<1x16xf32>,
        %swap3A_124 = vector.shape_cast %swap3A_123 : vector<1x16xf32> to vector<16xf32>
        %swap3A_125 = vector.shape_cast %add3A : vector<16xf32> to vector<1x16xf32>
        tpu.vector_store %arg9[%swap3A, %swap3A_122], %swap3A_125 {strides = array<i32>} : memref<128x48xf32, #tpu.memory_space<vmem>>, vector<1x16xf32>,
        %get3A_126 = arith.index_cast %scan3A_114 : i32 to index
        %get3A_127 = arith.constant 16 : index
        %get3A_128 = tpu.vector_load %arg9[%get3A_126, %get3A_127] {strides = array<i32>} : memref<128x48xf32, #tpu.memory_space<vmem>>, vector<1x16xf32>,
        %get3A_129 = vector.shape_cast %get3A_128 : vector<1x16xf32> to vector<16xf32>
        %get3A_130 = arith.index_cast %scan3A_114 : i32 to index
        %get3A_131 = arith.constant 16 : index
        %get3A_132 = tpu.vector_load %arg10[%get3A_130, %get3A_131] {strides = array<i32>} : memref<128x48xf32, #tpu.memory_space<vmem>>, vector<1x16xf32>,
        %get3A_133 = vector.shape_cast %get3A_132 : vector<1x16xf32> to vector<16xf32>
        %add3A_134 = arith.addf %get3A_129, %get3A_133 : vector<16xf32>
        %swap3A_135 = arith.index_cast %scan3A_114 : i32 to index
        %swap3A_136 = arith.constant 16 : index
        %swap3A_137 = tpu.vector_load %arg9[%swap3A_135, %swap3A_136] {strides = array<i32>} : memref<128x48xf32, #tpu.memory_space<vmem>>, vector<1x16xf32>,
        %swap3A_138 = vector.shape_cast %swap3A_137 : vector<1x16xf32> to vector<16xf32>
        %swap3A_139 = vector.shape_cast %add3A_134 : vector<16xf32> to vector<1x16xf32>
        tpu.vector_store %arg9[%swap3A_135, %swap3A_136], %swap3A_139 {strides = array<i32>} : memref<128x48xf32, #tpu.memory_space<vmem>>, vector<1x16xf32>,
        %get3A_140 = arith.index_cast %scan3A_114 : i32 to index
        %get3A_141 = arith.constant 32 : index
        %get3A_142 = tpu.vector_load %arg9[%get3A_140, %get3A_141] {strides = array<i32>} : memref<128x48xf32, #tpu.memory_space<vmem>>, vector<1x16xf32>,
        %get3A_143 = vector.shape_cast %get3A_142 : vector<1x16xf32> to vector<16xf32>
        %get3A_144 = arith.index_cast %scan3A_114 : i32 to index
        %get3A_145 = arith.constant 32 : index
        %get3A_146 = tpu.vector_load %arg10[%get3A_144, %get3A_145] {strides = array<i32>} : memref<128x48xf32, #tpu.memory_space<vmem>>, vector<1x16xf32>,
        %get3A_147 = vector.shape_cast %get3A_146 : vector<1x16xf32> to vector<16xf32>
        %add3A_148 = arith.addf %get3A_143, %get3A_147 : vector<16xf32>
        %swap3A_149 = arith.index_cast %scan3A_114 : i32 to index
        %swap3A_150 = arith.constant 32 : index
        %swap3A_151 = tpu.vector_load %arg9[%swap3A_149, %swap3A_150] {strides = array<i32>} : memref<128x48xf32, #tpu.memory_space<vmem>>, vector<1x16xf32>,
        %swap3A_152 = vector.shape_cast %swap3A_151 : vector<1x16xf32> to vector<16xf32>
        %swap3A_153 = vector.shape_cast %add3A_148 : vector<16xf32> to vector<1x16xf32>
        tpu.vector_store %arg9[%swap3A_149, %swap3A_150], %swap3A_153 {strides = array<i32>} : memref<128x48xf32, #tpu.memory_space<vmem>>, vector<1x16xf32>,
      }
      %scan3A_112 = arith.constant 128 : i32
      %run_scoped3A_113 = arith.constant 2 : i32
      "tpu.region"() ({
        %run_scoped3A_114 = tpu.sem_alloc : memref<!tpu.dma_semaphore, #tpu.memory_space<semaphore_mem>>
        %dma_start3A_115 = arith.constant 0 : i32
        %dma_start3A_116 = tpu.memref_slice %arg8[%run_scoped3A_113, %dma_start3A_115] : memref<3x128xi32, #tpu.memory_space<vmem>> -> memref<1x128xi32, #tpu.memory_space<vmem>>
        %dma_start3A_117 = tpu.memref_squeeze %dma_start3A_116 : memref<1x128xi32, #tpu.memory_space<vmem>> -> memref<128xi32, #tpu.memory_space<vmem>>
        %dma_start3A_118 = arith.constant 0 : i32
        %dma_start3A_119 = arith.constant 0 : i32
        %dma_start3A_120 = tpu.memref_slice %arg11[%dma_start3A_118, %dma_start3A_119] : memref<10016x48xf32, #tpu.memory_space<vmem_shared>> -> memref<10016x48xf32, #tpu.memory_space<vmem_shared>>
        tpu.enqueue_indirect_dma source(%arg9 : memref<128x48xf32, #tpu.memory_space<vmem>>) target(%dma_start3A_120 : memref<10016x48xf32, #tpu.memory_space<vmem_shared>>) offsets(%dma_start3A_117 : memref<128xi32, #tpu.memory_space<vmem>>) semaphore(%run_scoped3A_114 : memref<!tpu.dma_semaphore, #tpu.memory_space<semaphore_mem>>)
        %dma_wait3A_121 = arith.constant 0 : i32
        %dma_wait3A_122 = tpu.memref_slice %arg8[%run_scoped3A_113, %dma_wait3A_121] : memref<3x128xi32, #tpu.memory_space<vmem>> -> memref<1x128xi32, #tpu.memory_space<vmem>>
        %dma_wait3A_123 = tpu.memref_squeeze %dma_wait3A_122 : memref<1x128xi32, #tpu.memory_space<vmem>> -> memref<128xi32, #tpu.memory_space<vmem>>
        %dma_wait3A_124 = arith.constant 0 : i32
        %dma_wait3A_125 = arith.constant 0 : i32
        %dma_wait3A_126 = tpu.memref_slice %arg11[%dma_wait3A_124, %dma_wait3A_125] : memref<10016x48xf32, #tpu.memory_space<vmem_shared>> -> memref<10016x48xf32, #tpu.memory_space<vmem_shared>>
        tpu.wait_indirect_dma semaphore(%run_scoped3A_114 : memref<!tpu.dma_semaphore, #tpu.memory_space<semaphore_mem>>) src(%arg9 : memref<128x48xf32, #tpu.memory_space<vmem>>) dst(%dma_wait3A_126 : memref<10016x48xf32, #tpu.memory_space<vmem_shared>>)
        tpu.yield
      }) : () -> ()
    } else {
    }
    %barrier3A_7 = arith.constant 0 : index
    tpu.barrier barrier_id(%barrier3A_7)
    %eq3A_8 = arith.constant 0 : i32
    %eq3A_9 = arith.cmpi eq, %arg0, %eq3A_8 : i32
    %convert_element_type3A_10 = arith.extui %eq3A_9 : i1 to i32
    %cond3A_11 = arith.constant 0 : i32
    %cond3A_12 = arith.cmpi ne, %convert_element_type3A_10, %cond3A_11 : i32
    scf.if %cond3A_12 {
      %mul3A = arith.constant 625 : i32
      %mul3A_13 = arith.muli %arg1, %mul3A : i32
      %mul3A_14 = arith.constant 625 : i32
      %mul3A_15 = arith.muli %arg1, %mul3A_14 : i32
      "tpu.region"() ({
        %run_scoped3A = tpu.sem_alloc : memref<!tpu.dma_semaphore, #tpu.memory_space<semaphore_mem>>
        %dma_start3A = arith.constant 0 : i32
        %dma_start3A_16 = tpu.memref_slice %arg6[%mul3A_15, %dma_start3A] : memref<10000x48xf32, #tpu.memory_space<hbm>> -> memref<625x48xf32, #tpu.memory_space<hbm>>
        %dma_start3A_17 = arith.constant 0 : i32
        %dma_start3A_18 = tpu.memref_slice %arg11[%mul3A_13, %dma_start3A_17] : memref<10016x48xf32, #tpu.memory_space<vmem_shared>> -> memref<625x48xf32, #tpu.memory_space<vmem_shared>>
        tpu.enqueue_dma source(%dma_start3A_18 : memref<625x48xf32, #tpu.memory_space<vmem_shared>>) target(%dma_start3A_16 : memref<625x48xf32, #tpu.memory_space<hbm>>) target_semaphore(%run_scoped3A : memref<!tpu.dma_semaphore, #tpu.memory_space<semaphore_mem>>)
        %dma_wait3A = arith.constant 0 : i32
        %dma_wait3A_19 = tpu.memref_slice %arg6[%mul3A_15, %dma_wait3A] : memref<10000x48xf32, #tpu.memory_space<hbm>> -> memref<625x48xf32, #tpu.memory_space<hbm>>
        %dma_wait3A_20 = arith.constant 0 : i32
        %dma_wait3A_21 = tpu.memref_slice %arg11[%mul3A_13, %dma_wait3A_20] : memref<10016x48xf32, #tpu.memory_space<vmem_shared>> -> memref<625x48xf32, #tpu.memory_space<vmem_shared>>
        tpu.wait_dma2 semaphore(%run_scoped3A : memref<!tpu.dma_semaphore, #tpu.memory_space<semaphore_mem>>) src(%dma_wait3A_21 : memref<625x48xf32, #tpu.memory_space<vmem_shared>>) dst(%dma_wait3A_19 : memref<625x48xf32, #tpu.memory_space<hbm>>)
        tpu.yield
      }) : () -> ()
    } else {
    }
    return
  }
}

#map = affine_map<(d0, d1) -> (0, 0)>
#map1 = affine_map<(d0, d1) -> (0, 0, 0)>
module attributes {stable_mosaic.version = 14 : i64} {
  func.func @spmm(%arg0: i32, %arg1: i32, %arg2: memref<10000x48xf32, #tpu.memory_space<hbm>>, %arg3: memref<2528x128xi32, #tpu.memory_space<hbm>>, %arg4: memref<2528x128xi32, #tpu.memory_space<hbm>>, %arg5: memref<2x10240x48xf32, #tpu.memory_space<hbm>>, %arg6: memref<160x48xf32, #tpu.memory_space<vmem>>, %arg7: memref<82x128xi32, #tpu.memory_space<vmem>>, %arg8: memref<82x128xi32, #tpu.memory_space<vmem>>, %arg9: memref<128x48xf32, #tpu.memory_space<vmem>>, %arg10: memref<128x48xf32, #tpu.memory_space<vmem>>, %arg11: memref<10240x48xf32, #tpu.memory_space<vmem_shared>>, %arg12: memref<10000x48xf32, #tpu.memory_space<vmem_shared>>, %arg13: memref<!tpu.dma_semaphore, #tpu.memory_space<semaphore_mem>>, %arg14: memref<!tpu.dma_semaphore, #tpu.memory_space<semaphore_mem>>) attributes {dimension_semantics = [#tpu.dimension_semantics<core_parallel>, #tpu.dimension_semantics<subcore_parallel>], iteration_bounds = array<i64: 2, 16>, scalar_prefetch = 0 : i64, scratch_operands = 9 : i64, tpu.core_type = #tpu.core_type<sc_vector_subcore>, window_params = [{transform_indices = #map}, {transform_indices = #map}, {transform_indices = #map}, {transform_indices = #map1}]} {
    %mul3A = arith.constant 625 : i32
    %mul3A_0 = arith.muli %arg1, %mul3A : i32
    %mul3A_1 = arith.constant 625 : i32
    %mul3A_2 = arith.muli %arg1, %mul3A_1 : i32
    "tpu.region"() ({
      %run_scoped3A = tpu.sem_alloc : memref<!tpu.dma_semaphore, #tpu.memory_space<semaphore_mem>>
      %dma_start3A = arith.constant 0 : i32
      %dma_start3A_24 = tpu.memref_slice %arg12[%mul3A_2, %dma_start3A] : memref<10000x48xf32, #tpu.memory_space<vmem_shared>> -> memref<625x48xf32, #tpu.memory_space<vmem_shared>>
      %dma_start3A_25 = arith.constant 0 : i32
      %dma_start3A_26 = tpu.memref_slice %arg2[%mul3A_0, %dma_start3A_25] : memref<10000x48xf32, #tpu.memory_space<hbm>> -> memref<625x48xf32, #tpu.memory_space<hbm>>
      tpu.enqueue_dma source(%dma_start3A_26 : memref<625x48xf32, #tpu.memory_space<hbm>>) target(%dma_start3A_24 : memref<625x48xf32, #tpu.memory_space<vmem_shared>>) target_semaphore(%run_scoped3A : memref<!tpu.dma_semaphore, #tpu.memory_space<semaphore_mem>>)
      %dma_wait3A = arith.constant 0 : i32
      %dma_wait3A_27 = tpu.memref_slice %arg12[%mul3A_2, %dma_wait3A] : memref<10000x48xf32, #tpu.memory_space<vmem_shared>> -> memref<625x48xf32, #tpu.memory_space<vmem_shared>>
      %dma_wait3A_28 = arith.constant 0 : i32
      %dma_wait3A_29 = tpu.memref_slice %arg2[%mul3A_0, %dma_wait3A_28] : memref<10000x48xf32, #tpu.memory_space<hbm>> -> memref<625x48xf32, #tpu.memory_space<hbm>>
      tpu.wait_dma2 semaphore(%run_scoped3A : memref<!tpu.dma_semaphore, #tpu.memory_space<semaphore_mem>>) src(%dma_wait3A_29 : memref<625x48xf32, #tpu.memory_space<hbm>>) dst(%dma_wait3A_27 : memref<625x48xf32, #tpu.memory_space<vmem_shared>>)
      tpu.yield
    }) : () -> ()
    %broadcast_in_dim3A = arith.constant 0.000000e+00 : f32
    %broadcast_in_dim3A_3 = vector.broadcast %broadcast_in_dim3A : f32 to vector<16xf32>
    %scan3A = arith.constant 0 : i32
    %scan3A_4 = arith.constant 0 : i32
    %scan3A_5 = arith.constant 160 : i32
    %scan3A_6 = arith.addi %scan3A_4, %scan3A_5 : i32
    %scan3A_7 = arith.constant 1 : i32
    scf.for %scan3A_24 = %scan3A_4 to %scan3A_6 step %scan3A_7  : i32 {
      %swap3A = arith.index_cast %scan3A_24 : i32 to index
      %swap3A_25 = arith.constant 0 : index
      %swap3A_26 = tpu.vector_load %arg6[%swap3A, %swap3A_25] {strides = array<i32>} : memref<160x48xf32, #tpu.memory_space<vmem>>, vector<1x16xf32>,
      %swap3A_27 = vector.shape_cast %swap3A_26 : vector<1x16xf32> to vector<16xf32>
      %swap3A_28 = vector.shape_cast %broadcast_in_dim3A_3 : vector<16xf32> to vector<1x16xf32>
      tpu.vector_store %arg6[%swap3A, %swap3A_25], %swap3A_28 {strides = array<i32>} : memref<160x48xf32, #tpu.memory_space<vmem>>, vector<1x16xf32>,
      %swap3A_29 = arith.index_cast %scan3A_24 : i32 to index
      %swap3A_30 = arith.constant 16 : index
      %swap3A_31 = tpu.vector_load %arg6[%swap3A_29, %swap3A_30] {strides = array<i32>} : memref<160x48xf32, #tpu.memory_space<vmem>>, vector<1x16xf32>,
      %swap3A_32 = vector.shape_cast %swap3A_31 : vector<1x16xf32> to vector<16xf32>
      %swap3A_33 = vector.shape_cast %broadcast_in_dim3A_3 : vector<16xf32> to vector<1x16xf32>
      tpu.vector_store %arg6[%swap3A_29, %swap3A_30], %swap3A_33 {strides = array<i32>} : memref<160x48xf32, #tpu.memory_space<vmem>>, vector<1x16xf32>,
      %swap3A_34 = arith.index_cast %scan3A_24 : i32 to index
      %swap3A_35 = arith.constant 32 : index
      %swap3A_36 = tpu.vector_load %arg6[%swap3A_34, %swap3A_35] {strides = array<i32>} : memref<160x48xf32, #tpu.memory_space<vmem>>, vector<1x16xf32>,
      %swap3A_37 = vector.shape_cast %swap3A_36 : vector<1x16xf32> to vector<16xf32>
      %swap3A_38 = vector.shape_cast %broadcast_in_dim3A_3 : vector<16xf32> to vector<1x16xf32>
      tpu.vector_store %arg6[%swap3A_34, %swap3A_35], %swap3A_38 {strides = array<i32>} : memref<160x48xf32, #tpu.memory_space<vmem>>, vector<1x16xf32>,
    }
    %scan3A_8 = arith.constant 160 : i32
    %mul3A_9 = arith.constant 640 : i32
    %mul3A_10 = arith.muli %arg1, %mul3A_9 : i32
    %scan3A_11 = arith.constant 0 : i32
    %scan3A_12 = arith.constant 0 : i32
    %scan3A_13 = arith.constant 4 : i32
    %scan3A_14 = arith.addi %scan3A_12, %scan3A_13 : i32
    %scan3A_15 = arith.constant 1 : i32
    scf.for %scan3A_24 = %scan3A_12 to %scan3A_14 step %scan3A_15  : i32 {
      %mul3A_25 = arith.constant 160 : i32
      %mul3A_26 = arith.muli %scan3A_24, %mul3A_25 : i32
      %add3A = arith.addi %mul3A_10, %mul3A_26 : i32
      "tpu.region"() ({
        %run_scoped3A = tpu.sem_alloc : memref<!tpu.dma_semaphore, #tpu.memory_space<semaphore_mem>>
        %dma_start3A = arith.constant 0 : i32
        %dma_start3A_27 = tpu.memref_slice %arg11[%add3A, %dma_start3A] : memref<10240x48xf32, #tpu.memory_space<vmem_shared>> -> memref<160x48xf32, #tpu.memory_space<vmem_shared>>
        %dma_start3A_28 = arith.constant 0 : i32
        %dma_start3A_29 = tpu.memref_slice %arg11[%add3A, %dma_start3A_28] : memref<10240x48xf32, #tpu.memory_space<vmem_shared>> -> memref<160x48xf32, #tpu.memory_space<vmem_shared>>
        tpu.enqueue_dma source(%arg6 : memref<160x48xf32, #tpu.memory_space<vmem>>) target(%dma_start3A_29 : memref<160x48xf32, #tpu.memory_space<vmem_shared>>) target_semaphore(%run_scoped3A : memref<!tpu.dma_semaphore, #tpu.memory_space<semaphore_mem>>)
        %dma_wait3A = arith.constant 0 : i32
        %dma_wait3A_30 = tpu.memref_slice %arg11[%add3A, %dma_wait3A] : memref<10240x48xf32, #tpu.memory_space<vmem_shared>> -> memref<160x48xf32, #tpu.memory_space<vmem_shared>>
        %dma_wait3A_31 = arith.constant 0 : i32
        %dma_wait3A_32 = tpu.memref_slice %arg11[%add3A, %dma_wait3A_31] : memref<10240x48xf32, #tpu.memory_space<vmem_shared>> -> memref<160x48xf32, #tpu.memory_space<vmem_shared>>
        tpu.wait_dma2 semaphore(%run_scoped3A : memref<!tpu.dma_semaphore, #tpu.memory_space<semaphore_mem>>) src(%arg6 : memref<160x48xf32, #tpu.memory_space<vmem>>) dst(%dma_wait3A_32 : memref<160x48xf32, #tpu.memory_space<vmem_shared>>)
        tpu.yield
      }) : () -> ()
    }
    %scan3A_16 = arith.constant 4 : i32
    %eq3A = arith.constant 0 : i32
    %eq3A_17 = arith.cmpi eq, %arg0, %eq3A : i32
    %convert_element_type3A = arith.extui %eq3A_17 : i1 to i32
    %cond3A = arith.constant 0 : i32
    %cond3A_18 = arith.cmpi ne, %convert_element_type3A, %cond3A : i32
    scf.if %cond3A_18 {
      %mul3A_24 = arith.constant 82 : i32
      %mul3A_25 = arith.muli %arg1, %mul3A_24 : i32
      "tpu.region"() ({
        %run_scoped3A = tpu.sem_alloc : memref<!tpu.dma_semaphore, #tpu.memory_space<semaphore_mem>>
        %dma_start3A = arith.constant 0 : i32
        %dma_start3A_33 = arith.constant 0 : i32
        %dma_start3A_34 = tpu.memref_slice %arg7[%dma_start3A, %dma_start3A_33] : memref<82x128xi32, #tpu.memory_space<vmem>> -> memref<82x128xi32, #tpu.memory_space<vmem>>
        %dma_start3A_35 = arith.constant 0 : i32
        %dma_start3A_36 = tpu.memref_slice %arg3[%mul3A_25, %dma_start3A_35] : memref<2528x128xi32, #tpu.memory_space<hbm>> -> memref<82x128xi32, #tpu.memory_space<hbm>>
        %dma_start3A_37 = arith.constant 0 : i32
        %dma_start3A_38 = arith.constant 0 : i32
        %dma_start3A_39 = tpu.memref_slice %arg7[%dma_start3A_37, %dma_start3A_38] : memref<82x128xi32, #tpu.memory_space<vmem>> -> memref<82x128xi32, #tpu.memory_space<vmem>>
        %dma_start3A_40 = arith.constant 0 : i32
        %dma_start3A_41 = tpu.memref_slice %arg3[%mul3A_25, %dma_start3A_40] : memref<2528x128xi32, #tpu.memory_space<hbm>> -> memref<82x128xi32, #tpu.memory_space<hbm>>
        tpu.enqueue_dma source(%dma_start3A_41 : memref<82x128xi32, #tpu.memory_space<hbm>>) target(%dma_start3A_39 : memref<82x128xi32, #tpu.memory_space<vmem>>) target_semaphore(%run_scoped3A : memref<!tpu.dma_semaphore, #tpu.memory_space<semaphore_mem>>)
        %dma_wait3A = arith.constant 0 : i32
        %dma_wait3A_42 = arith.constant 0 : i32
        %dma_wait3A_43 = tpu.memref_slice %arg7[%dma_wait3A, %dma_wait3A_42] : memref<82x128xi32, #tpu.memory_space<vmem>> -> memref<82x128xi32, #tpu.memory_space<vmem>>
        %dma_wait3A_44 = arith.constant 0 : i32
        %dma_wait3A_45 = tpu.memref_slice %arg3[%mul3A_25, %dma_wait3A_44] : memref<2528x128xi32, #tpu.memory_space<hbm>> -> memref<82x128xi32, #tpu.memory_space<hbm>>
        %dma_wait3A_46 = arith.constant 0 : i32
        %dma_wait3A_47 = arith.constant 0 : i32
        %dma_wait3A_48 = tpu.memref_slice %arg7[%dma_wait3A_46, %dma_wait3A_47] : memref<82x128xi32, #tpu.memory_space<vmem>> -> memref<82x128xi32, #tpu.memory_space<vmem>>
        %dma_wait3A_49 = arith.constant 0 : i32
        %dma_wait3A_50 = tpu.memref_slice %arg3[%mul3A_25, %dma_wait3A_49] : memref<2528x128xi32, #tpu.memory_space<hbm>> -> memref<82x128xi32, #tpu.memory_space<hbm>>
        tpu.wait_dma2 semaphore(%run_scoped3A : memref<!tpu.dma_semaphore, #tpu.memory_space<semaphore_mem>>) src(%dma_wait3A_50 : memref<82x128xi32, #tpu.memory_space<hbm>>) dst(%dma_wait3A_48 : memref<82x128xi32, #tpu.memory_space<vmem>>)
        tpu.yield
      }) : () -> ()
      "tpu.region"() ({
        %run_scoped3A = tpu.sem_alloc : memref<!tpu.dma_semaphore, #tpu.memory_space<semaphore_mem>>
        %dma_start3A = arith.constant 0 : i32
        %dma_start3A_33 = arith.constant 0 : i32
        %dma_start3A_34 = tpu.memref_slice %arg8[%dma_start3A, %dma_start3A_33] : memref<82x128xi32, #tpu.memory_space<vmem>> -> memref<82x128xi32, #tpu.memory_space<vmem>>
        %dma_start3A_35 = arith.constant 0 : i32
        %dma_start3A_36 = tpu.memref_slice %arg4[%mul3A_25, %dma_start3A_35] : memref<2528x128xi32, #tpu.memory_space<hbm>> -> memref<82x128xi32, #tpu.memory_space<hbm>>
        %dma_start3A_37 = arith.constant 0 : i32
        %dma_start3A_38 = arith.constant 0 : i32
        %dma_start3A_39 = tpu.memref_slice %arg8[%dma_start3A_37, %dma_start3A_38] : memref<82x128xi32, #tpu.memory_space<vmem>> -> memref<82x128xi32, #tpu.memory_space<vmem>>
        %dma_start3A_40 = arith.constant 0 : i32
        %dma_start3A_41 = tpu.memref_slice %arg4[%mul3A_25, %dma_start3A_40] : memref<2528x128xi32, #tpu.memory_space<hbm>> -> memref<82x128xi32, #tpu.memory_space<hbm>>
        tpu.enqueue_dma source(%dma_start3A_41 : memref<82x128xi32, #tpu.memory_space<hbm>>) target(%dma_start3A_39 : memref<82x128xi32, #tpu.memory_space<vmem>>) target_semaphore(%run_scoped3A : memref<!tpu.dma_semaphore, #tpu.memory_space<semaphore_mem>>)
        %dma_wait3A = arith.constant 0 : i32
        %dma_wait3A_42 = arith.constant 0 : i32
        %dma_wait3A_43 = tpu.memref_slice %arg8[%dma_wait3A, %dma_wait3A_42] : memref<82x128xi32, #tpu.memory_space<vmem>> -> memref<82x128xi32, #tpu.memory_space<vmem>>
        %dma_wait3A_44 = arith.constant 0 : i32
        %dma_wait3A_45 = tpu.memref_slice %arg4[%mul3A_25, %dma_wait3A_44] : memref<2528x128xi32, #tpu.memory_space<hbm>> -> memref<82x128xi32, #tpu.memory_space<hbm>>
        %dma_wait3A_46 = arith.constant 0 : i32
        %dma_wait3A_47 = arith.constant 0 : i32
        %dma_wait3A_48 = tpu.memref_slice %arg8[%dma_wait3A_46, %dma_wait3A_47] : memref<82x128xi32, #tpu.memory_space<vmem>> -> memref<82x128xi32, #tpu.memory_space<vmem>>
        %dma_wait3A_49 = arith.constant 0 : i32
        %dma_wait3A_50 = tpu.memref_slice %arg4[%mul3A_25, %dma_wait3A_49] : memref<2528x128xi32, #tpu.memory_space<hbm>> -> memref<82x128xi32, #tpu.memory_space<hbm>>
        tpu.wait_dma2 semaphore(%run_scoped3A : memref<!tpu.dma_semaphore, #tpu.memory_space<semaphore_mem>>) src(%dma_wait3A_50 : memref<82x128xi32, #tpu.memory_space<hbm>>) dst(%dma_wait3A_48 : memref<82x128xi32, #tpu.memory_space<vmem>>)
        tpu.yield
      }) : () -> ()
      %barrier3A_26 = arith.constant 0 : index
      tpu.barrier barrier_id(%barrier3A_26)
      %scan3A_27 = arith.constant 0 : i32
      %scan3A_28 = arith.constant 0 : i32
      %scan3A_29 = arith.constant 41 : i32
      %scan3A_30 = arith.addi %scan3A_28, %scan3A_29 : i32
      %scan3A_31 = arith.constant 1 : i32
      scf.for %scan3A_33 = %scan3A_28 to %scan3A_30 step %scan3A_31  : i32 {
        %mul3A_34 = arith.constant 2 : i32
        %mul3A_35 = arith.muli %mul3A_34, %scan3A_33 : i32
        %dma_start3A = arith.constant 0 : i32
        %dma_start3A_36 = tpu.memref_slice %arg7[%mul3A_35, %dma_start3A] : memref<82x128xi32, #tpu.memory_space<vmem>> -> memref<1x128xi32, #tpu.memory_space<vmem>>
        %dma_start3A_37 = tpu.memref_squeeze %dma_start3A_36 : memref<1x128xi32, #tpu.memory_space<vmem>> -> memref<128xi32, #tpu.memory_space<vmem>>
        %dma_start3A_38 = arith.constant 0 : i32
        %dma_start3A_39 = arith.constant 0 : i32
        %dma_start3A_40 = tpu.memref_slice %arg12[%dma_start3A_38, %dma_start3A_39] : memref<10000x48xf32, #tpu.memory_space<vmem_shared>> -> memref<10000x48xf32, #tpu.memory_space<vmem_shared>>
        tpu.enqueue_indirect_dma source(%dma_start3A_40 : memref<10000x48xf32, #tpu.memory_space<vmem_shared>>) target(%arg9 : memref<128x48xf32, #tpu.memory_space<vmem>>) offsets(%dma_start3A_37 : memref<128xi32, #tpu.memory_space<vmem>>) semaphore(%arg13 : memref<!tpu.dma_semaphore, #tpu.memory_space<semaphore_mem>>)
        %add3A = arith.constant 1 : i32
        %add3A_41 = arith.addi %mul3A_35, %add3A : i32
        %dma_start3A_42 = arith.constant 0 : i32
        %dma_start3A_43 = tpu.memref_slice %arg7[%add3A_41, %dma_start3A_42] : memref<82x128xi32, #tpu.memory_space<vmem>> -> memref<1x128xi32, #tpu.memory_space<vmem>>
        %dma_start3A_44 = tpu.memref_squeeze %dma_start3A_43 : memref<1x128xi32, #tpu.memory_space<vmem>> -> memref<128xi32, #tpu.memory_space<vmem>>
        %dma_start3A_45 = arith.constant 0 : i32
        %dma_start3A_46 = arith.constant 0 : i32
        %dma_start3A_47 = tpu.memref_slice %arg12[%dma_start3A_45, %dma_start3A_46] : memref<10000x48xf32, #tpu.memory_space<vmem_shared>> -> memref<10000x48xf32, #tpu.memory_space<vmem_shared>>
        tpu.enqueue_indirect_dma source(%dma_start3A_47 : memref<10000x48xf32, #tpu.memory_space<vmem_shared>>) target(%arg10 : memref<128x48xf32, #tpu.memory_space<vmem>>) offsets(%dma_start3A_44 : memref<128xi32, #tpu.memory_space<vmem>>) semaphore(%arg14 : memref<!tpu.dma_semaphore, #tpu.memory_space<semaphore_mem>>)
        %dma_wait3A = arith.constant 0 : i32
        %dma_wait3A_48 = tpu.memref_slice %arg7[%mul3A_35, %dma_wait3A] : memref<82x128xi32, #tpu.memory_space<vmem>> -> memref<1x128xi32, #tpu.memory_space<vmem>>
        %dma_wait3A_49 = tpu.memref_squeeze %dma_wait3A_48 : memref<1x128xi32, #tpu.memory_space<vmem>> -> memref<128xi32, #tpu.memory_space<vmem>>
        %dma_wait3A_50 = arith.constant 0 : i32
        %dma_wait3A_51 = arith.constant 0 : i32
        %dma_wait3A_52 = tpu.memref_slice %arg12[%dma_wait3A_50, %dma_wait3A_51] : memref<10000x48xf32, #tpu.memory_space<vmem_shared>> -> memref<10000x48xf32, #tpu.memory_space<vmem_shared>>
        tpu.wait_indirect_dma semaphore(%arg13 : memref<!tpu.dma_semaphore, #tpu.memory_space<semaphore_mem>>) src(%dma_wait3A_52 : memref<10000x48xf32, #tpu.memory_space<vmem_shared>>) dst(%arg9 : memref<128x48xf32, #tpu.memory_space<vmem>>)
        "tpu.region"() ({
          %run_scoped3A = tpu.sem_alloc : memref<!tpu.dma_semaphore, #tpu.memory_space<semaphore_mem>>
          %dma_start3A_61 = arith.constant 0 : i32
          %dma_start3A_62 = tpu.memref_slice %arg8[%mul3A_35, %dma_start3A_61] : memref<82x128xi32, #tpu.memory_space<vmem>> -> memref<1x128xi32, #tpu.memory_space<vmem>>
          %dma_start3A_63 = tpu.memref_squeeze %dma_start3A_62 : memref<1x128xi32, #tpu.memory_space<vmem>> -> memref<128xi32, #tpu.memory_space<vmem>>
          %dma_start3A_64 = arith.constant 0 : i32
          %dma_start3A_65 = arith.constant 0 : i32
          %dma_start3A_66 = tpu.memref_slice %arg11[%dma_start3A_64, %dma_start3A_65] : memref<10240x48xf32, #tpu.memory_space<vmem_shared>> -> memref<10240x48xf32, #tpu.memory_space<vmem_shared>>
          tpu.enqueue_indirect_dma source(%arg9 : memref<128x48xf32, #tpu.memory_space<vmem>>) target(%dma_start3A_66 : memref<10240x48xf32, #tpu.memory_space<vmem_shared>>) offsets(%dma_start3A_63 : memref<128xi32, #tpu.memory_space<vmem>>) semaphore(%run_scoped3A : memref<!tpu.dma_semaphore, #tpu.memory_space<semaphore_mem>>) {add = true}
          %dma_wait3A_67 = arith.constant 0 : i32
          %dma_wait3A_68 = tpu.memref_slice %arg8[%mul3A_35, %dma_wait3A_67] : memref<82x128xi32, #tpu.memory_space<vmem>> -> memref<1x128xi32, #tpu.memory_space<vmem>>
          %dma_wait3A_69 = tpu.memref_squeeze %dma_wait3A_68 : memref<1x128xi32, #tpu.memory_space<vmem>> -> memref<128xi32, #tpu.memory_space<vmem>>
          %dma_wait3A_70 = arith.constant 0 : i32
          %dma_wait3A_71 = arith.constant 0 : i32
          %dma_wait3A_72 = tpu.memref_slice %arg11[%dma_wait3A_70, %dma_wait3A_71] : memref<10240x48xf32, #tpu.memory_space<vmem_shared>> -> memref<10240x48xf32, #tpu.memory_space<vmem_shared>>
          tpu.wait_indirect_dma semaphore(%run_scoped3A : memref<!tpu.dma_semaphore, #tpu.memory_space<semaphore_mem>>) src(%arg9 : memref<128x48xf32, #tpu.memory_space<vmem>>) dst(%dma_wait3A_72 : memref<10240x48xf32, #tpu.memory_space<vmem_shared>>)
          tpu.yield
        }) : () -> ()
        %dma_wait3A_53 = arith.constant 0 : i32
        %dma_wait3A_54 = tpu.memref_slice %arg7[%add3A_41, %dma_wait3A_53] : memref<82x128xi32, #tpu.memory_space<vmem>> -> memref<1x128xi32, #tpu.memory_space<vmem>>
        %dma_wait3A_55 = tpu.memref_squeeze %dma_wait3A_54 : memref<1x128xi32, #tpu.memory_space<vmem>> -> memref<128xi32, #tpu.memory_space<vmem>>
        %dma_wait3A_56 = arith.constant 0 : i32
        %dma_wait3A_57 = arith.constant 0 : i32
        %dma_wait3A_58 = tpu.memref_slice %arg12[%dma_wait3A_56, %dma_wait3A_57] : memref<10000x48xf32, #tpu.memory_space<vmem_shared>> -> memref<10000x48xf32, #tpu.memory_space<vmem_shared>>
        tpu.wait_indirect_dma semaphore(%arg14 : memref<!tpu.dma_semaphore, #tpu.memory_space<semaphore_mem>>) src(%dma_wait3A_58 : memref<10000x48xf32, #tpu.memory_space<vmem_shared>>) dst(%arg10 : memref<128x48xf32, #tpu.memory_space<vmem>>)
        %add3A_59 = arith.constant 1 : i32
        %add3A_60 = arith.addi %mul3A_35, %add3A_59 : i32
        "tpu.region"() ({
          %run_scoped3A = tpu.sem_alloc : memref<!tpu.dma_semaphore, #tpu.memory_space<semaphore_mem>>
          %dma_start3A_61 = arith.constant 0 : i32
          %dma_start3A_62 = tpu.memref_slice %arg8[%add3A_60, %dma_start3A_61] : memref<82x128xi32, #tpu.memory_space<vmem>> -> memref<1x128xi32, #tpu.memory_space<vmem>>
          %dma_start3A_63 = tpu.memref_squeeze %dma_start3A_62 : memref<1x128xi32, #tpu.memory_space<vmem>> -> memref<128xi32, #tpu.memory_space<vmem>>
          %dma_start3A_64 = arith.constant 0 : i32
          %dma_start3A_65 = arith.constant 0 : i32
          %dma_start3A_66 = tpu.memref_slice %arg11[%dma_start3A_64, %dma_start3A_65] : memref<10240x48xf32, #tpu.memory_space<vmem_shared>> -> memref<10240x48xf32, #tpu.memory_space<vmem_shared>>
          tpu.enqueue_indirect_dma source(%arg10 : memref<128x48xf32, #tpu.memory_space<vmem>>) target(%dma_start3A_66 : memref<10240x48xf32, #tpu.memory_space<vmem_shared>>) offsets(%dma_start3A_63 : memref<128xi32, #tpu.memory_space<vmem>>) semaphore(%run_scoped3A : memref<!tpu.dma_semaphore, #tpu.memory_space<semaphore_mem>>) {add = true}
          %dma_wait3A_67 = arith.constant 0 : i32
          %dma_wait3A_68 = tpu.memref_slice %arg8[%add3A_60, %dma_wait3A_67] : memref<82x128xi32, #tpu.memory_space<vmem>> -> memref<1x128xi32, #tpu.memory_space<vmem>>
          %dma_wait3A_69 = tpu.memref_squeeze %dma_wait3A_68 : memref<1x128xi32, #tpu.memory_space<vmem>> -> memref<128xi32, #tpu.memory_space<vmem>>
          %dma_wait3A_70 = arith.constant 0 : i32
          %dma_wait3A_71 = arith.constant 0 : i32
          %dma_wait3A_72 = tpu.memref_slice %arg11[%dma_wait3A_70, %dma_wait3A_71] : memref<10240x48xf32, #tpu.memory_space<vmem_shared>> -> memref<10240x48xf32, #tpu.memory_space<vmem_shared>>
          tpu.wait_indirect_dma semaphore(%run_scoped3A : memref<!tpu.dma_semaphore, #tpu.memory_space<semaphore_mem>>) src(%arg10 : memref<128x48xf32, #tpu.memory_space<vmem>>) dst(%dma_wait3A_72 : memref<10240x48xf32, #tpu.memory_space<vmem_shared>>)
          tpu.yield
        }) : () -> ()
      }
      %scan3A_32 = arith.constant 41 : i32
    } else {
    }
    %eq3A_19 = arith.constant 1 : i32
    %eq3A_20 = arith.cmpi eq, %arg0, %eq3A_19 : i32
    %convert_element_type3A_21 = arith.extui %eq3A_20 : i1 to i32
    %cond3A_22 = arith.constant 0 : i32
    %cond3A_23 = arith.cmpi ne, %convert_element_type3A_21, %cond3A_22 : i32
    scf.if %cond3A_23 {
      %mul3A_24 = arith.constant 76 : i32
      %mul3A_25 = arith.muli %arg1, %mul3A_24 : i32
      %add3A = arith.constant 1312 : i32
      %add3A_26 = arith.addi %add3A, %mul3A_25 : i32
      "tpu.region"() ({
        %run_scoped3A = tpu.sem_alloc : memref<!tpu.dma_semaphore, #tpu.memory_space<semaphore_mem>>
        %dma_start3A = arith.constant 0 : i32
        %dma_start3A_34 = arith.constant 0 : i32
        %dma_start3A_35 = tpu.memref_slice %arg7[%dma_start3A, %dma_start3A_34] : memref<82x128xi32, #tpu.memory_space<vmem>> -> memref<76x128xi32, #tpu.memory_space<vmem>>
        %dma_start3A_36 = arith.constant 0 : i32
        %dma_start3A_37 = tpu.memref_slice %arg3[%add3A_26, %dma_start3A_36] : memref<2528x128xi32, #tpu.memory_space<hbm>> -> memref<76x128xi32, #tpu.memory_space<hbm>>
        %dma_start3A_38 = arith.constant 0 : i32
        %dma_start3A_39 = arith.constant 0 : i32
        %dma_start3A_40 = tpu.memref_slice %arg7[%dma_start3A_38, %dma_start3A_39] : memref<82x128xi32, #tpu.memory_space<vmem>> -> memref<76x128xi32, #tpu.memory_space<vmem>>
        %dma_start3A_41 = arith.constant 0 : i32
        %dma_start3A_42 = tpu.memref_slice %arg3[%add3A_26, %dma_start3A_41] : memref<2528x128xi32, #tpu.memory_space<hbm>> -> memref<76x128xi32, #tpu.memory_space<hbm>>
        tpu.enqueue_dma source(%dma_start3A_42 : memref<76x128xi32, #tpu.memory_space<hbm>>) target(%dma_start3A_40 : memref<76x128xi32, #tpu.memory_space<vmem>>) target_semaphore(%run_scoped3A : memref<!tpu.dma_semaphore, #tpu.memory_space<semaphore_mem>>)
        %dma_wait3A = arith.constant 0 : i32
        %dma_wait3A_43 = arith.constant 0 : i32
        %dma_wait3A_44 = tpu.memref_slice %arg7[%dma_wait3A, %dma_wait3A_43] : memref<82x128xi32, #tpu.memory_space<vmem>> -> memref<76x128xi32, #tpu.memory_space<vmem>>
        %dma_wait3A_45 = arith.constant 0 : i32
        %dma_wait3A_46 = tpu.memref_slice %arg3[%add3A_26, %dma_wait3A_45] : memref<2528x128xi32, #tpu.memory_space<hbm>> -> memref<76x128xi32, #tpu.memory_space<hbm>>
        %dma_wait3A_47 = arith.constant 0 : i32
        %dma_wait3A_48 = arith.constant 0 : i32
        %dma_wait3A_49 = tpu.memref_slice %arg7[%dma_wait3A_47, %dma_wait3A_48] : memref<82x128xi32, #tpu.memory_space<vmem>> -> memref<76x128xi32, #tpu.memory_space<vmem>>
        %dma_wait3A_50 = arith.constant 0 : i32
        %dma_wait3A_51 = tpu.memref_slice %arg3[%add3A_26, %dma_wait3A_50] : memref<2528x128xi32, #tpu.memory_space<hbm>> -> memref<76x128xi32, #tpu.memory_space<hbm>>
        tpu.wait_dma2 semaphore(%run_scoped3A : memref<!tpu.dma_semaphore, #tpu.memory_space<semaphore_mem>>) src(%dma_wait3A_51 : memref<76x128xi32, #tpu.memory_space<hbm>>) dst(%dma_wait3A_49 : memref<76x128xi32, #tpu.memory_space<vmem>>)
        tpu.yield
      }) : () -> ()
      "tpu.region"() ({
        %run_scoped3A = tpu.sem_alloc : memref<!tpu.dma_semaphore, #tpu.memory_space<semaphore_mem>>
        %dma_start3A = arith.constant 0 : i32
        %dma_start3A_34 = arith.constant 0 : i32
        %dma_start3A_35 = tpu.memref_slice %arg8[%dma_start3A, %dma_start3A_34] : memref<82x128xi32, #tpu.memory_space<vmem>> -> memref<76x128xi32, #tpu.memory_space<vmem>>
        %dma_start3A_36 = arith.constant 0 : i32
        %dma_start3A_37 = tpu.memref_slice %arg4[%add3A_26, %dma_start3A_36] : memref<2528x128xi32, #tpu.memory_space<hbm>> -> memref<76x128xi32, #tpu.memory_space<hbm>>
        %dma_start3A_38 = arith.constant 0 : i32
        %dma_start3A_39 = arith.constant 0 : i32
        %dma_start3A_40 = tpu.memref_slice %arg8[%dma_start3A_38, %dma_start3A_39] : memref<82x128xi32, #tpu.memory_space<vmem>> -> memref<76x128xi32, #tpu.memory_space<vmem>>
        %dma_start3A_41 = arith.constant 0 : i32
        %dma_start3A_42 = tpu.memref_slice %arg4[%add3A_26, %dma_start3A_41] : memref<2528x128xi32, #tpu.memory_space<hbm>> -> memref<76x128xi32, #tpu.memory_space<hbm>>
        tpu.enqueue_dma source(%dma_start3A_42 : memref<76x128xi32, #tpu.memory_space<hbm>>) target(%dma_start3A_40 : memref<76x128xi32, #tpu.memory_space<vmem>>) target_semaphore(%run_scoped3A : memref<!tpu.dma_semaphore, #tpu.memory_space<semaphore_mem>>)
        %dma_wait3A = arith.constant 0 : i32
        %dma_wait3A_43 = arith.constant 0 : i32
        %dma_wait3A_44 = tpu.memref_slice %arg8[%dma_wait3A, %dma_wait3A_43] : memref<82x128xi32, #tpu.memory_space<vmem>> -> memref<76x128xi32, #tpu.memory_space<vmem>>
        %dma_wait3A_45 = arith.constant 0 : i32
        %dma_wait3A_46 = tpu.memref_slice %arg4[%add3A_26, %dma_wait3A_45] : memref<2528x128xi32, #tpu.memory_space<hbm>> -> memref<76x128xi32, #tpu.memory_space<hbm>>
        %dma_wait3A_47 = arith.constant 0 : i32
        %dma_wait3A_48 = arith.constant 0 : i32
        %dma_wait3A_49 = tpu.memref_slice %arg8[%dma_wait3A_47, %dma_wait3A_48] : memref<82x128xi32, #tpu.memory_space<vmem>> -> memref<76x128xi32, #tpu.memory_space<vmem>>
        %dma_wait3A_50 = arith.constant 0 : i32
        %dma_wait3A_51 = tpu.memref_slice %arg4[%add3A_26, %dma_wait3A_50] : memref<2528x128xi32, #tpu.memory_space<hbm>> -> memref<76x128xi32, #tpu.memory_space<hbm>>
        tpu.wait_dma2 semaphore(%run_scoped3A : memref<!tpu.dma_semaphore, #tpu.memory_space<semaphore_mem>>) src(%dma_wait3A_51 : memref<76x128xi32, #tpu.memory_space<hbm>>) dst(%dma_wait3A_49 : memref<76x128xi32, #tpu.memory_space<vmem>>)
        tpu.yield
      }) : () -> ()
      %barrier3A_27 = arith.constant 0 : index
      tpu.barrier barrier_id(%barrier3A_27)
      %scan3A_28 = arith.constant 0 : i32
      %scan3A_29 = arith.constant 0 : i32
      %scan3A_30 = arith.constant 38 : i32
      %scan3A_31 = arith.addi %scan3A_29, %scan3A_30 : i32
      %scan3A_32 = arith.constant 1 : i32
      scf.for %scan3A_34 = %scan3A_29 to %scan3A_31 step %scan3A_32  : i32 {
        %mul3A_35 = arith.constant 2 : i32
        %mul3A_36 = arith.muli %mul3A_35, %scan3A_34 : i32
        %dma_start3A = arith.constant 0 : i32
        %dma_start3A_37 = tpu.memref_slice %arg7[%mul3A_36, %dma_start3A] : memref<82x128xi32, #tpu.memory_space<vmem>> -> memref<1x128xi32, #tpu.memory_space<vmem>>
        %dma_start3A_38 = tpu.memref_squeeze %dma_start3A_37 : memref<1x128xi32, #tpu.memory_space<vmem>> -> memref<128xi32, #tpu.memory_space<vmem>>
        %dma_start3A_39 = arith.constant 0 : i32
        %dma_start3A_40 = arith.constant 0 : i32
        %dma_start3A_41 = tpu.memref_slice %arg12[%dma_start3A_39, %dma_start3A_40] : memref<10000x48xf32, #tpu.memory_space<vmem_shared>> -> memref<10000x48xf32, #tpu.memory_space<vmem_shared>>
        tpu.enqueue_indirect_dma source(%dma_start3A_41 : memref<10000x48xf32, #tpu.memory_space<vmem_shared>>) target(%arg9 : memref<128x48xf32, #tpu.memory_space<vmem>>) offsets(%dma_start3A_38 : memref<128xi32, #tpu.memory_space<vmem>>) semaphore(%arg13 : memref<!tpu.dma_semaphore, #tpu.memory_space<semaphore_mem>>)
        %add3A_42 = arith.constant 1 : i32
        %add3A_43 = arith.addi %mul3A_36, %add3A_42 : i32
        %dma_start3A_44 = arith.constant 0 : i32
        %dma_start3A_45 = tpu.memref_slice %arg7[%add3A_43, %dma_start3A_44] : memref<82x128xi32, #tpu.memory_space<vmem>> -> memref<1x128xi32, #tpu.memory_space<vmem>>
        %dma_start3A_46 = tpu.memref_squeeze %dma_start3A_45 : memref<1x128xi32, #tpu.memory_space<vmem>> -> memref<128xi32, #tpu.memory_space<vmem>>
        %dma_start3A_47 = arith.constant 0 : i32
        %dma_start3A_48 = arith.constant 0 : i32
        %dma_start3A_49 = tpu.memref_slice %arg12[%dma_start3A_47, %dma_start3A_48] : memref<10000x48xf32, #tpu.memory_space<vmem_shared>> -> memref<10000x48xf32, #tpu.memory_space<vmem_shared>>
        tpu.enqueue_indirect_dma source(%dma_start3A_49 : memref<10000x48xf32, #tpu.memory_space<vmem_shared>>) target(%arg10 : memref<128x48xf32, #tpu.memory_space<vmem>>) offsets(%dma_start3A_46 : memref<128xi32, #tpu.memory_space<vmem>>) semaphore(%arg14 : memref<!tpu.dma_semaphore, #tpu.memory_space<semaphore_mem>>)
        %dma_wait3A = arith.constant 0 : i32
        %dma_wait3A_50 = tpu.memref_slice %arg7[%mul3A_36, %dma_wait3A] : memref<82x128xi32, #tpu.memory_space<vmem>> -> memref<1x128xi32, #tpu.memory_space<vmem>>
        %dma_wait3A_51 = tpu.memref_squeeze %dma_wait3A_50 : memref<1x128xi32, #tpu.memory_space<vmem>> -> memref<128xi32, #tpu.memory_space<vmem>>
        %dma_wait3A_52 = arith.constant 0 : i32
        %dma_wait3A_53 = arith.constant 0 : i32
        %dma_wait3A_54 = tpu.memref_slice %arg12[%dma_wait3A_52, %dma_wait3A_53] : memref<10000x48xf32, #tpu.memory_space<vmem_shared>> -> memref<10000x48xf32, #tpu.memory_space<vmem_shared>>
        tpu.wait_indirect_dma semaphore(%arg13 : memref<!tpu.dma_semaphore, #tpu.memory_space<semaphore_mem>>) src(%dma_wait3A_54 : memref<10000x48xf32, #tpu.memory_space<vmem_shared>>) dst(%arg9 : memref<128x48xf32, #tpu.memory_space<vmem>>)
        "tpu.region"() ({
          %run_scoped3A = tpu.sem_alloc : memref<!tpu.dma_semaphore, #tpu.memory_space<semaphore_mem>>
          %dma_start3A_63 = arith.constant 0 : i32
          %dma_start3A_64 = tpu.memref_slice %arg8[%mul3A_36, %dma_start3A_63] : memref<82x128xi32, #tpu.memory_space<vmem>> -> memref<1x128xi32, #tpu.memory_space<vmem>>
          %dma_start3A_65 = tpu.memref_squeeze %dma_start3A_64 : memref<1x128xi32, #tpu.memory_space<vmem>> -> memref<128xi32, #tpu.memory_space<vmem>>
          %dma_start3A_66 = arith.constant 0 : i32
          %dma_start3A_67 = arith.constant 0 : i32
          %dma_start3A_68 = tpu.memref_slice %arg11[%dma_start3A_66, %dma_start3A_67] : memref<10240x48xf32, #tpu.memory_space<vmem_shared>> -> memref<10240x48xf32, #tpu.memory_space<vmem_shared>>
          tpu.enqueue_indirect_dma source(%arg9 : memref<128x48xf32, #tpu.memory_space<vmem>>) target(%dma_start3A_68 : memref<10240x48xf32, #tpu.memory_space<vmem_shared>>) offsets(%dma_start3A_65 : memref<128xi32, #tpu.memory_space<vmem>>) semaphore(%run_scoped3A : memref<!tpu.dma_semaphore, #tpu.memory_space<semaphore_mem>>) {add = true}
          %dma_wait3A_69 = arith.constant 0 : i32
          %dma_wait3A_70 = tpu.memref_slice %arg8[%mul3A_36, %dma_wait3A_69] : memref<82x128xi32, #tpu.memory_space<vmem>> -> memref<1x128xi32, #tpu.memory_space<vmem>>
          %dma_wait3A_71 = tpu.memref_squeeze %dma_wait3A_70 : memref<1x128xi32, #tpu.memory_space<vmem>> -> memref<128xi32, #tpu.memory_space<vmem>>
          %dma_wait3A_72 = arith.constant 0 : i32
          %dma_wait3A_73 = arith.constant 0 : i32
          %dma_wait3A_74 = tpu.memref_slice %arg11[%dma_wait3A_72, %dma_wait3A_73] : memref<10240x48xf32, #tpu.memory_space<vmem_shared>> -> memref<10240x48xf32, #tpu.memory_space<vmem_shared>>
          tpu.wait_indirect_dma semaphore(%run_scoped3A : memref<!tpu.dma_semaphore, #tpu.memory_space<semaphore_mem>>) src(%arg9 : memref<128x48xf32, #tpu.memory_space<vmem>>) dst(%dma_wait3A_74 : memref<10240x48xf32, #tpu.memory_space<vmem_shared>>)
          tpu.yield
        }) : () -> ()
        %dma_wait3A_55 = arith.constant 0 : i32
        %dma_wait3A_56 = tpu.memref_slice %arg7[%add3A_43, %dma_wait3A_55] : memref<82x128xi32, #tpu.memory_space<vmem>> -> memref<1x128xi32, #tpu.memory_space<vmem>>
        %dma_wait3A_57 = tpu.memref_squeeze %dma_wait3A_56 : memref<1x128xi32, #tpu.memory_space<vmem>> -> memref<128xi32, #tpu.memory_space<vmem>>
        %dma_wait3A_58 = arith.constant 0 : i32
        %dma_wait3A_59 = arith.constant 0 : i32
        %dma_wait3A_60 = tpu.memref_slice %arg12[%dma_wait3A_58, %dma_wait3A_59] : memref<10000x48xf32, #tpu.memory_space<vmem_shared>> -> memref<10000x48xf32, #tpu.memory_space<vmem_shared>>
        tpu.wait_indirect_dma semaphore(%arg14 : memref<!tpu.dma_semaphore, #tpu.memory_space<semaphore_mem>>) src(%dma_wait3A_60 : memref<10000x48xf32, #tpu.memory_space<vmem_shared>>) dst(%arg10 : memref<128x48xf32, #tpu.memory_space<vmem>>)
        %add3A_61 = arith.constant 1 : i32
        %add3A_62 = arith.addi %mul3A_36, %add3A_61 : i32
        "tpu.region"() ({
          %run_scoped3A = tpu.sem_alloc : memref<!tpu.dma_semaphore, #tpu.memory_space<semaphore_mem>>
          %dma_start3A_63 = arith.constant 0 : i32
          %dma_start3A_64 = tpu.memref_slice %arg8[%add3A_62, %dma_start3A_63] : memref<82x128xi32, #tpu.memory_space<vmem>> -> memref<1x128xi32, #tpu.memory_space<vmem>>
          %dma_start3A_65 = tpu.memref_squeeze %dma_start3A_64 : memref<1x128xi32, #tpu.memory_space<vmem>> -> memref<128xi32, #tpu.memory_space<vmem>>
          %dma_start3A_66 = arith.constant 0 : i32
          %dma_start3A_67 = arith.constant 0 : i32
          %dma_start3A_68 = tpu.memref_slice %arg11[%dma_start3A_66, %dma_start3A_67] : memref<10240x48xf32, #tpu.memory_space<vmem_shared>> -> memref<10240x48xf32, #tpu.memory_space<vmem_shared>>
          tpu.enqueue_indirect_dma source(%arg10 : memref<128x48xf32, #tpu.memory_space<vmem>>) target(%dma_start3A_68 : memref<10240x48xf32, #tpu.memory_space<vmem_shared>>) offsets(%dma_start3A_65 : memref<128xi32, #tpu.memory_space<vmem>>) semaphore(%run_scoped3A : memref<!tpu.dma_semaphore, #tpu.memory_space<semaphore_mem>>) {add = true}
          %dma_wait3A_69 = arith.constant 0 : i32
          %dma_wait3A_70 = tpu.memref_slice %arg8[%add3A_62, %dma_wait3A_69] : memref<82x128xi32, #tpu.memory_space<vmem>> -> memref<1x128xi32, #tpu.memory_space<vmem>>
          %dma_wait3A_71 = tpu.memref_squeeze %dma_wait3A_70 : memref<1x128xi32, #tpu.memory_space<vmem>> -> memref<128xi32, #tpu.memory_space<vmem>>
          %dma_wait3A_72 = arith.constant 0 : i32
          %dma_wait3A_73 = arith.constant 0 : i32
          %dma_wait3A_74 = tpu.memref_slice %arg11[%dma_wait3A_72, %dma_wait3A_73] : memref<10240x48xf32, #tpu.memory_space<vmem_shared>> -> memref<10240x48xf32, #tpu.memory_space<vmem_shared>>
          tpu.wait_indirect_dma semaphore(%run_scoped3A : memref<!tpu.dma_semaphore, #tpu.memory_space<semaphore_mem>>) src(%arg10 : memref<128x48xf32, #tpu.memory_space<vmem>>) dst(%dma_wait3A_74 : memref<10240x48xf32, #tpu.memory_space<vmem_shared>>)
          tpu.yield
        }) : () -> ()
      }
      %scan3A_33 = arith.constant 38 : i32
    } else {
    }
    %barrier3A = arith.constant 0 : index
    tpu.barrier barrier_id(%barrier3A)
    "tpu.region"() ({
      %run_scoped3A = tpu.sem_alloc : memref<!tpu.dma_semaphore, #tpu.memory_space<semaphore_mem>>
      %dma_start3A = arith.constant 0 : i32
      %dma_start3A_24 = tpu.memref_slice %arg5[%arg0, %mul3A_10, %dma_start3A] : memref<2x10240x48xf32, #tpu.memory_space<hbm>> -> memref<1x640x48xf32, #tpu.memory_space<hbm>>
      %dma_start3A_25 = tpu.memref_squeeze %dma_start3A_24 : memref<1x640x48xf32, #tpu.memory_space<hbm>> -> memref<640x48xf32, #tpu.memory_space<hbm>>
      %dma_start3A_26 = arith.constant 0 : i32
      %dma_start3A_27 = tpu.memref_slice %arg11[%mul3A_10, %dma_start3A_26] : memref<10240x48xf32, #tpu.memory_space<vmem_shared>> -> memref<640x48xf32, #tpu.memory_space<vmem_shared>>
      tpu.enqueue_dma source(%dma_start3A_27 : memref<640x48xf32, #tpu.memory_space<vmem_shared>>) target(%dma_start3A_25 : memref<640x48xf32, #tpu.memory_space<hbm>>) target_semaphore(%run_scoped3A : memref<!tpu.dma_semaphore, #tpu.memory_space<semaphore_mem>>)
      %dma_wait3A = arith.constant 0 : i32
      %dma_wait3A_28 = tpu.memref_slice %arg5[%arg0, %mul3A_10, %dma_wait3A] : memref<2x10240x48xf32, #tpu.memory_space<hbm>> -> memref<1x640x48xf32, #tpu.memory_space<hbm>>
      %dma_wait3A_29 = tpu.memref_squeeze %dma_wait3A_28 : memref<1x640x48xf32, #tpu.memory_space<hbm>> -> memref<640x48xf32, #tpu.memory_space<hbm>>
      %dma_wait3A_30 = arith.constant 0 : i32
      %dma_wait3A_31 = tpu.memref_slice %arg11[%mul3A_10, %dma_wait3A_30] : memref<10240x48xf32, #tpu.memory_space<vmem_shared>> -> memref<640x48xf32, #tpu.memory_space<vmem_shared>>
      tpu.wait_dma2 semaphore(%run_scoped3A : memref<!tpu.dma_semaphore, #tpu.memory_space<semaphore_mem>>) src(%dma_wait3A_31 : memref<640x48xf32, #tpu.memory_space<vmem_shared>>) dst(%dma_wait3A_29 : memref<640x48xf32, #tpu.memory_space<hbm>>)
      tpu.yield
    }) : () -> ()
    return
  }
}

#map = affine_map<(d0, d1) -> (0, 0)>
#map1 = affine_map<(d0, d1) -> (0, 0, 0)>
module attributes {stable_mosaic.version = 14 : i64} {
  func.func @spmm(%arg0: i32, %arg1: i32, %arg2: memref<10000x40xf32, #tpu.memory_space<hbm>>, %arg3: memref<2528x128xi32, #tpu.memory_space<hbm>>, %arg4: memref<2528x128xi32, #tpu.memory_space<hbm>>, %arg5: memref<2x10240x40xf32, #tpu.memory_space<hbm>>, %arg6: memref<160x40xf32, #tpu.memory_space<vmem>>, %arg7: memref<82x128xi32, #tpu.memory_space<vmem>>, %arg8: memref<82x128xi32, #tpu.memory_space<vmem>>, %arg9: memref<128x40xf32, #tpu.memory_space<vmem>>, %arg10: memref<128x40xf32, #tpu.memory_space<vmem>>, %arg11: memref<10240x40xf32, #tpu.memory_space<vmem_shared>>, %arg12: memref<10000x40xf32, #tpu.memory_space<vmem_shared>>, %arg13: memref<!tpu.dma_semaphore, #tpu.memory_space<semaphore_mem>>, %arg14: memref<!tpu.dma_semaphore, #tpu.memory_space<semaphore_mem>>) attributes {dimension_semantics = [#tpu.dimension_semantics<core_parallel>, #tpu.dimension_semantics<subcore_parallel>], iteration_bounds = array<i64: 2, 16>, scalar_prefetch = 0 : i64, scratch_operands = 9 : i64, tpu.core_type = #tpu.core_type<sc_vector_subcore>, window_params = [{transform_indices = #map}, {transform_indices = #map}, {transform_indices = #map}, {transform_indices = #map1}]} {
    %mul3A = arith.constant 625 : i32
    %mul3A_0 = arith.muli %arg1, %mul3A : i32
    %mul3A_1 = arith.constant 625 : i32
    %mul3A_2 = arith.muli %arg1, %mul3A_1 : i32
    "tpu.region"() ({
      %run_scoped3A = tpu.sem_alloc : memref<!tpu.dma_semaphore, #tpu.memory_space<semaphore_mem>>
      %dma_start3A = arith.constant 0 : i32
      %dma_start3A_24 = tpu.memref_slice %arg12[%mul3A_2, %dma_start3A] : memref<10000x40xf32, #tpu.memory_space<vmem_shared>> -> memref<625x40xf32, #tpu.memory_space<vmem_shared>>
      %dma_start3A_25 = arith.constant 0 : i32
      %dma_start3A_26 = tpu.memref_slice %arg2[%mul3A_0, %dma_start3A_25] : memref<10000x40xf32, #tpu.memory_space<hbm>> -> memref<625x40xf32, #tpu.memory_space<hbm>>
      tpu.enqueue_dma source(%dma_start3A_26 : memref<625x40xf32, #tpu.memory_space<hbm>>) target(%dma_start3A_24 : memref<625x40xf32, #tpu.memory_space<vmem_shared>>) target_semaphore(%run_scoped3A : memref<!tpu.dma_semaphore, #tpu.memory_space<semaphore_mem>>)
      %dma_wait3A = arith.constant 0 : i32
      %dma_wait3A_27 = tpu.memref_slice %arg12[%mul3A_2, %dma_wait3A] : memref<10000x40xf32, #tpu.memory_space<vmem_shared>> -> memref<625x40xf32, #tpu.memory_space<vmem_shared>>
      %dma_wait3A_28 = arith.constant 0 : i32
      %dma_wait3A_29 = tpu.memref_slice %arg2[%mul3A_0, %dma_wait3A_28] : memref<10000x40xf32, #tpu.memory_space<hbm>> -> memref<625x40xf32, #tpu.memory_space<hbm>>
      tpu.wait_dma2 semaphore(%run_scoped3A : memref<!tpu.dma_semaphore, #tpu.memory_space<semaphore_mem>>) src(%dma_wait3A_29 : memref<625x40xf32, #tpu.memory_space<hbm>>) dst(%dma_wait3A_27 : memref<625x40xf32, #tpu.memory_space<vmem_shared>>)
      tpu.yield
    }) : () -> ()
    %broadcast_in_dim3A = arith.constant 0.000000e+00 : f32
    %broadcast_in_dim3A_3 = vector.broadcast %broadcast_in_dim3A : f32 to vector<16xf32>
    %scan3A = arith.constant 0 : i32
    %scan3A_4 = arith.constant 0 : i32
    %scan3A_5 = arith.constant 160 : i32
    %scan3A_6 = arith.addi %scan3A_4, %scan3A_5 : i32
    %scan3A_7 = arith.constant 1 : i32
    scf.for %scan3A_24 = %scan3A_4 to %scan3A_6 step %scan3A_7  : i32 {
      %swap3A = arith.index_cast %scan3A_24 : i32 to index
      %swap3A_25 = arith.constant 0 : index
      %swap3A_26 = tpu.vector_load %arg6[%swap3A, %swap3A_25] {strides = array<i32>} : memref<160x40xf32, #tpu.memory_space<vmem>>, vector<1x16xf32>,
      %swap3A_27 = vector.shape_cast %swap3A_26 : vector<1x16xf32> to vector<16xf32>
      %swap3A_28 = vector.shape_cast %broadcast_in_dim3A_3 : vector<16xf32> to vector<1x16xf32>
      tpu.vector_store %arg6[%swap3A, %swap3A_25], %swap3A_28 {strides = array<i32>} : memref<160x40xf32, #tpu.memory_space<vmem>>, vector<1x16xf32>,
      %swap3A_29 = arith.index_cast %scan3A_24 : i32 to index
      %swap3A_30 = arith.constant 16 : index
      %swap3A_31 = tpu.vector_load %arg6[%swap3A_29, %swap3A_30] {strides = array<i32>} : memref<160x40xf32, #tpu.memory_space<vmem>>, vector<1x16xf32>,
      %swap3A_32 = vector.shape_cast %swap3A_31 : vector<1x16xf32> to vector<16xf32>
      %swap3A_33 = vector.shape_cast %broadcast_in_dim3A_3 : vector<16xf32> to vector<1x16xf32>
      tpu.vector_store %arg6[%swap3A_29, %swap3A_30], %swap3A_33 {strides = array<i32>} : memref<160x40xf32, #tpu.memory_space<vmem>>, vector<1x16xf32>,
    }
    %scan3A_8 = arith.constant 160 : i32
    %mul3A_9 = arith.constant 640 : i32
    %mul3A_10 = arith.muli %arg1, %mul3A_9 : i32
    %scan3A_11 = arith.constant 0 : i32
    %scan3A_12 = arith.constant 0 : i32
    %scan3A_13 = arith.constant 4 : i32
    %scan3A_14 = arith.addi %scan3A_12, %scan3A_13 : i32
    %scan3A_15 = arith.constant 1 : i32
    scf.for %scan3A_24 = %scan3A_12 to %scan3A_14 step %scan3A_15  : i32 {
      %mul3A_25 = arith.constant 160 : i32
      %mul3A_26 = arith.muli %scan3A_24, %mul3A_25 : i32
      %add3A = arith.addi %mul3A_10, %mul3A_26 : i32
      "tpu.region"() ({
        %run_scoped3A = tpu.sem_alloc : memref<!tpu.dma_semaphore, #tpu.memory_space<semaphore_mem>>
        %dma_start3A = arith.constant 0 : i32
        %dma_start3A_27 = tpu.memref_slice %arg11[%add3A, %dma_start3A] : memref<10240x40xf32, #tpu.memory_space<vmem_shared>> -> memref<160x40xf32, #tpu.memory_space<vmem_shared>>
        %dma_start3A_28 = arith.constant 0 : i32
        %dma_start3A_29 = tpu.memref_slice %arg11[%add3A, %dma_start3A_28] : memref<10240x40xf32, #tpu.memory_space<vmem_shared>> -> memref<160x40xf32, #tpu.memory_space<vmem_shared>>
        tpu.enqueue_dma source(%arg6 : memref<160x40xf32, #tpu.memory_space<vmem>>) target(%dma_start3A_29 : memref<160x40xf32, #tpu.memory_space<vmem_shared>>) target_semaphore(%run_scoped3A : memref<!tpu.dma_semaphore, #tpu.memory_space<semaphore_mem>>)
        %dma_wait3A = arith.constant 0 : i32
        %dma_wait3A_30 = tpu.memref_slice %arg11[%add3A, %dma_wait3A] : memref<10240x40xf32, #tpu.memory_space<vmem_shared>> -> memref<160x40xf32, #tpu.memory_space<vmem_shared>>
        %dma_wait3A_31 = arith.constant 0 : i32
        %dma_wait3A_32 = tpu.memref_slice %arg11[%add3A, %dma_wait3A_31] : memref<10240x40xf32, #tpu.memory_space<vmem_shared>> -> memref<160x40xf32, #tpu.memory_space<vmem_shared>>
        tpu.wait_dma2 semaphore(%run_scoped3A : memref<!tpu.dma_semaphore, #tpu.memory_space<semaphore_mem>>) src(%arg6 : memref<160x40xf32, #tpu.memory_space<vmem>>) dst(%dma_wait3A_32 : memref<160x40xf32, #tpu.memory_space<vmem_shared>>)
        tpu.yield
      }) : () -> ()
    }
    %scan3A_16 = arith.constant 4 : i32
    %eq3A = arith.constant 0 : i32
    %eq3A_17 = arith.cmpi eq, %arg0, %eq3A : i32
    %convert_element_type3A = arith.extui %eq3A_17 : i1 to i32
    %cond3A = arith.constant 0 : i32
    %cond3A_18 = arith.cmpi ne, %convert_element_type3A, %cond3A : i32
    scf.if %cond3A_18 {
      %mul3A_24 = arith.constant 82 : i32
      %mul3A_25 = arith.muli %arg1, %mul3A_24 : i32
      "tpu.region"() ({
        %run_scoped3A = tpu.sem_alloc : memref<!tpu.dma_semaphore, #tpu.memory_space<semaphore_mem>>
        %dma_start3A = arith.constant 0 : i32
        %dma_start3A_33 = arith.constant 0 : i32
        %dma_start3A_34 = tpu.memref_slice %arg7[%dma_start3A, %dma_start3A_33] : memref<82x128xi32, #tpu.memory_space<vmem>> -> memref<82x128xi32, #tpu.memory_space<vmem>>
        %dma_start3A_35 = arith.constant 0 : i32
        %dma_start3A_36 = tpu.memref_slice %arg3[%mul3A_25, %dma_start3A_35] : memref<2528x128xi32, #tpu.memory_space<hbm>> -> memref<82x128xi32, #tpu.memory_space<hbm>>
        %dma_start3A_37 = arith.constant 0 : i32
        %dma_start3A_38 = arith.constant 0 : i32
        %dma_start3A_39 = tpu.memref_slice %arg7[%dma_start3A_37, %dma_start3A_38] : memref<82x128xi32, #tpu.memory_space<vmem>> -> memref<82x128xi32, #tpu.memory_space<vmem>>
        %dma_start3A_40 = arith.constant 0 : i32
        %dma_start3A_41 = tpu.memref_slice %arg3[%mul3A_25, %dma_start3A_40] : memref<2528x128xi32, #tpu.memory_space<hbm>> -> memref<82x128xi32, #tpu.memory_space<hbm>>
        tpu.enqueue_dma source(%dma_start3A_41 : memref<82x128xi32, #tpu.memory_space<hbm>>) target(%dma_start3A_39 : memref<82x128xi32, #tpu.memory_space<vmem>>) target_semaphore(%run_scoped3A : memref<!tpu.dma_semaphore, #tpu.memory_space<semaphore_mem>>)
        %dma_wait3A = arith.constant 0 : i32
        %dma_wait3A_42 = arith.constant 0 : i32
        %dma_wait3A_43 = tpu.memref_slice %arg7[%dma_wait3A, %dma_wait3A_42] : memref<82x128xi32, #tpu.memory_space<vmem>> -> memref<82x128xi32, #tpu.memory_space<vmem>>
        %dma_wait3A_44 = arith.constant 0 : i32
        %dma_wait3A_45 = tpu.memref_slice %arg3[%mul3A_25, %dma_wait3A_44] : memref<2528x128xi32, #tpu.memory_space<hbm>> -> memref<82x128xi32, #tpu.memory_space<hbm>>
        %dma_wait3A_46 = arith.constant 0 : i32
        %dma_wait3A_47 = arith.constant 0 : i32
        %dma_wait3A_48 = tpu.memref_slice %arg7[%dma_wait3A_46, %dma_wait3A_47] : memref<82x128xi32, #tpu.memory_space<vmem>> -> memref<82x128xi32, #tpu.memory_space<vmem>>
        %dma_wait3A_49 = arith.constant 0 : i32
        %dma_wait3A_50 = tpu.memref_slice %arg3[%mul3A_25, %dma_wait3A_49] : memref<2528x128xi32, #tpu.memory_space<hbm>> -> memref<82x128xi32, #tpu.memory_space<hbm>>
        tpu.wait_dma2 semaphore(%run_scoped3A : memref<!tpu.dma_semaphore, #tpu.memory_space<semaphore_mem>>) src(%dma_wait3A_50 : memref<82x128xi32, #tpu.memory_space<hbm>>) dst(%dma_wait3A_48 : memref<82x128xi32, #tpu.memory_space<vmem>>)
        tpu.yield
      }) : () -> ()
      "tpu.region"() ({
        %run_scoped3A = tpu.sem_alloc : memref<!tpu.dma_semaphore, #tpu.memory_space<semaphore_mem>>
        %dma_start3A = arith.constant 0 : i32
        %dma_start3A_33 = arith.constant 0 : i32
        %dma_start3A_34 = tpu.memref_slice %arg8[%dma_start3A, %dma_start3A_33] : memref<82x128xi32, #tpu.memory_space<vmem>> -> memref<82x128xi32, #tpu.memory_space<vmem>>
        %dma_start3A_35 = arith.constant 0 : i32
        %dma_start3A_36 = tpu.memref_slice %arg4[%mul3A_25, %dma_start3A_35] : memref<2528x128xi32, #tpu.memory_space<hbm>> -> memref<82x128xi32, #tpu.memory_space<hbm>>
        %dma_start3A_37 = arith.constant 0 : i32
        %dma_start3A_38 = arith.constant 0 : i32
        %dma_start3A_39 = tpu.memref_slice %arg8[%dma_start3A_37, %dma_start3A_38] : memref<82x128xi32, #tpu.memory_space<vmem>> -> memref<82x128xi32, #tpu.memory_space<vmem>>
        %dma_start3A_40 = arith.constant 0 : i32
        %dma_start3A_41 = tpu.memref_slice %arg4[%mul3A_25, %dma_start3A_40] : memref<2528x128xi32, #tpu.memory_space<hbm>> -> memref<82x128xi32, #tpu.memory_space<hbm>>
        tpu.enqueue_dma source(%dma_start3A_41 : memref<82x128xi32, #tpu.memory_space<hbm>>) target(%dma_start3A_39 : memref<82x128xi32, #tpu.memory_space<vmem>>) target_semaphore(%run_scoped3A : memref<!tpu.dma_semaphore, #tpu.memory_space<semaphore_mem>>)
        %dma_wait3A = arith.constant 0 : i32
        %dma_wait3A_42 = arith.constant 0 : i32
        %dma_wait3A_43 = tpu.memref_slice %arg8[%dma_wait3A, %dma_wait3A_42] : memref<82x128xi32, #tpu.memory_space<vmem>> -> memref<82x128xi32, #tpu.memory_space<vmem>>
        %dma_wait3A_44 = arith.constant 0 : i32
        %dma_wait3A_45 = tpu.memref_slice %arg4[%mul3A_25, %dma_wait3A_44] : memref<2528x128xi32, #tpu.memory_space<hbm>> -> memref<82x128xi32, #tpu.memory_space<hbm>>
        %dma_wait3A_46 = arith.constant 0 : i32
        %dma_wait3A_47 = arith.constant 0 : i32
        %dma_wait3A_48 = tpu.memref_slice %arg8[%dma_wait3A_46, %dma_wait3A_47] : memref<82x128xi32, #tpu.memory_space<vmem>> -> memref<82x128xi32, #tpu.memory_space<vmem>>
        %dma_wait3A_49 = arith.constant 0 : i32
        %dma_wait3A_50 = tpu.memref_slice %arg4[%mul3A_25, %dma_wait3A_49] : memref<2528x128xi32, #tpu.memory_space<hbm>> -> memref<82x128xi32, #tpu.memory_space<hbm>>
        tpu.wait_dma2 semaphore(%run_scoped3A : memref<!tpu.dma_semaphore, #tpu.memory_space<semaphore_mem>>) src(%dma_wait3A_50 : memref<82x128xi32, #tpu.memory_space<hbm>>) dst(%dma_wait3A_48 : memref<82x128xi32, #tpu.memory_space<vmem>>)
        tpu.yield
      }) : () -> ()
      %barrier3A_26 = arith.constant 0 : index
      tpu.barrier barrier_id(%barrier3A_26)
      %scan3A_27 = arith.constant 0 : i32
      %scan3A_28 = arith.constant 0 : i32
      %scan3A_29 = arith.constant 41 : i32
      %scan3A_30 = arith.addi %scan3A_28, %scan3A_29 : i32
      %scan3A_31 = arith.constant 1 : i32
      scf.for %scan3A_33 = %scan3A_28 to %scan3A_30 step %scan3A_31  : i32 {
        %mul3A_34 = arith.constant 2 : i32
        %mul3A_35 = arith.muli %mul3A_34, %scan3A_33 : i32
        %dma_start3A = arith.constant 0 : i32
        %dma_start3A_36 = tpu.memref_slice %arg7[%mul3A_35, %dma_start3A] : memref<82x128xi32, #tpu.memory_space<vmem>> -> memref<1x128xi32, #tpu.memory_space<vmem>>
        %dma_start3A_37 = tpu.memref_squeeze %dma_start3A_36 : memref<1x128xi32, #tpu.memory_space<vmem>> -> memref<128xi32, #tpu.memory_space<vmem>>
        %dma_start3A_38 = arith.constant 0 : i32
        %dma_start3A_39 = arith.constant 0 : i32
        %dma_start3A_40 = tpu.memref_slice %arg12[%dma_start3A_38, %dma_start3A_39] : memref<10000x40xf32, #tpu.memory_space<vmem_shared>> -> memref<10000x40xf32, #tpu.memory_space<vmem_shared>>
        tpu.enqueue_indirect_dma source(%dma_start3A_40 : memref<10000x40xf32, #tpu.memory_space<vmem_shared>>) target(%arg9 : memref<128x40xf32, #tpu.memory_space<vmem>>) offsets(%dma_start3A_37 : memref<128xi32, #tpu.memory_space<vmem>>) semaphore(%arg13 : memref<!tpu.dma_semaphore, #tpu.memory_space<semaphore_mem>>)
        %add3A = arith.constant 1 : i32
        %add3A_41 = arith.addi %mul3A_35, %add3A : i32
        %dma_start3A_42 = arith.constant 0 : i32
        %dma_start3A_43 = tpu.memref_slice %arg7[%add3A_41, %dma_start3A_42] : memref<82x128xi32, #tpu.memory_space<vmem>> -> memref<1x128xi32, #tpu.memory_space<vmem>>
        %dma_start3A_44 = tpu.memref_squeeze %dma_start3A_43 : memref<1x128xi32, #tpu.memory_space<vmem>> -> memref<128xi32, #tpu.memory_space<vmem>>
        %dma_start3A_45 = arith.constant 0 : i32
        %dma_start3A_46 = arith.constant 0 : i32
        %dma_start3A_47 = tpu.memref_slice %arg12[%dma_start3A_45, %dma_start3A_46] : memref<10000x40xf32, #tpu.memory_space<vmem_shared>> -> memref<10000x40xf32, #tpu.memory_space<vmem_shared>>
        tpu.enqueue_indirect_dma source(%dma_start3A_47 : memref<10000x40xf32, #tpu.memory_space<vmem_shared>>) target(%arg10 : memref<128x40xf32, #tpu.memory_space<vmem>>) offsets(%dma_start3A_44 : memref<128xi32, #tpu.memory_space<vmem>>) semaphore(%arg14 : memref<!tpu.dma_semaphore, #tpu.memory_space<semaphore_mem>>)
        %dma_wait3A = arith.constant 0 : i32
        %dma_wait3A_48 = tpu.memref_slice %arg7[%mul3A_35, %dma_wait3A] : memref<82x128xi32, #tpu.memory_space<vmem>> -> memref<1x128xi32, #tpu.memory_space<vmem>>
        %dma_wait3A_49 = tpu.memref_squeeze %dma_wait3A_48 : memref<1x128xi32, #tpu.memory_space<vmem>> -> memref<128xi32, #tpu.memory_space<vmem>>
        %dma_wait3A_50 = arith.constant 0 : i32
        %dma_wait3A_51 = arith.constant 0 : i32
        %dma_wait3A_52 = tpu.memref_slice %arg12[%dma_wait3A_50, %dma_wait3A_51] : memref<10000x40xf32, #tpu.memory_space<vmem_shared>> -> memref<10000x40xf32, #tpu.memory_space<vmem_shared>>
        tpu.wait_indirect_dma semaphore(%arg13 : memref<!tpu.dma_semaphore, #tpu.memory_space<semaphore_mem>>) src(%dma_wait3A_52 : memref<10000x40xf32, #tpu.memory_space<vmem_shared>>) dst(%arg9 : memref<128x40xf32, #tpu.memory_space<vmem>>)
        "tpu.region"() ({
          %run_scoped3A = tpu.sem_alloc : memref<!tpu.dma_semaphore, #tpu.memory_space<semaphore_mem>>
          %dma_start3A_61 = arith.constant 0 : i32
          %dma_start3A_62 = tpu.memref_slice %arg8[%mul3A_35, %dma_start3A_61] : memref<82x128xi32, #tpu.memory_space<vmem>> -> memref<1x128xi32, #tpu.memory_space<vmem>>
          %dma_start3A_63 = tpu.memref_squeeze %dma_start3A_62 : memref<1x128xi32, #tpu.memory_space<vmem>> -> memref<128xi32, #tpu.memory_space<vmem>>
          %dma_start3A_64 = arith.constant 0 : i32
          %dma_start3A_65 = arith.constant 0 : i32
          %dma_start3A_66 = tpu.memref_slice %arg11[%dma_start3A_64, %dma_start3A_65] : memref<10240x40xf32, #tpu.memory_space<vmem_shared>> -> memref<10240x40xf32, #tpu.memory_space<vmem_shared>>
          tpu.enqueue_indirect_dma source(%arg9 : memref<128x40xf32, #tpu.memory_space<vmem>>) target(%dma_start3A_66 : memref<10240x40xf32, #tpu.memory_space<vmem_shared>>) offsets(%dma_start3A_63 : memref<128xi32, #tpu.memory_space<vmem>>) semaphore(%run_scoped3A : memref<!tpu.dma_semaphore, #tpu.memory_space<semaphore_mem>>) {add = true}
          %dma_wait3A_67 = arith.constant 0 : i32
          %dma_wait3A_68 = tpu.memref_slice %arg8[%mul3A_35, %dma_wait3A_67] : memref<82x128xi32, #tpu.memory_space<vmem>> -> memref<1x128xi32, #tpu.memory_space<vmem>>
          %dma_wait3A_69 = tpu.memref_squeeze %dma_wait3A_68 : memref<1x128xi32, #tpu.memory_space<vmem>> -> memref<128xi32, #tpu.memory_space<vmem>>
          %dma_wait3A_70 = arith.constant 0 : i32
          %dma_wait3A_71 = arith.constant 0 : i32
          %dma_wait3A_72 = tpu.memref_slice %arg11[%dma_wait3A_70, %dma_wait3A_71] : memref<10240x40xf32, #tpu.memory_space<vmem_shared>> -> memref<10240x40xf32, #tpu.memory_space<vmem_shared>>
          tpu.wait_indirect_dma semaphore(%run_scoped3A : memref<!tpu.dma_semaphore, #tpu.memory_space<semaphore_mem>>) src(%arg9 : memref<128x40xf32, #tpu.memory_space<vmem>>) dst(%dma_wait3A_72 : memref<10240x40xf32, #tpu.memory_space<vmem_shared>>)
          tpu.yield
        }) : () -> ()
        %dma_wait3A_53 = arith.constant 0 : i32
        %dma_wait3A_54 = tpu.memref_slice %arg7[%add3A_41, %dma_wait3A_53] : memref<82x128xi32, #tpu.memory_space<vmem>> -> memref<1x128xi32, #tpu.memory_space<vmem>>
        %dma_wait3A_55 = tpu.memref_squeeze %dma_wait3A_54 : memref<1x128xi32, #tpu.memory_space<vmem>> -> memref<128xi32, #tpu.memory_space<vmem>>
        %dma_wait3A_56 = arith.constant 0 : i32
        %dma_wait3A_57 = arith.constant 0 : i32
        %dma_wait3A_58 = tpu.memref_slice %arg12[%dma_wait3A_56, %dma_wait3A_57] : memref<10000x40xf32, #tpu.memory_space<vmem_shared>> -> memref<10000x40xf32, #tpu.memory_space<vmem_shared>>
        tpu.wait_indirect_dma semaphore(%arg14 : memref<!tpu.dma_semaphore, #tpu.memory_space<semaphore_mem>>) src(%dma_wait3A_58 : memref<10000x40xf32, #tpu.memory_space<vmem_shared>>) dst(%arg10 : memref<128x40xf32, #tpu.memory_space<vmem>>)
        %add3A_59 = arith.constant 1 : i32
        %add3A_60 = arith.addi %mul3A_35, %add3A_59 : i32
        "tpu.region"() ({
          %run_scoped3A = tpu.sem_alloc : memref<!tpu.dma_semaphore, #tpu.memory_space<semaphore_mem>>
          %dma_start3A_61 = arith.constant 0 : i32
          %dma_start3A_62 = tpu.memref_slice %arg8[%add3A_60, %dma_start3A_61] : memref<82x128xi32, #tpu.memory_space<vmem>> -> memref<1x128xi32, #tpu.memory_space<vmem>>
          %dma_start3A_63 = tpu.memref_squeeze %dma_start3A_62 : memref<1x128xi32, #tpu.memory_space<vmem>> -> memref<128xi32, #tpu.memory_space<vmem>>
          %dma_start3A_64 = arith.constant 0 : i32
          %dma_start3A_65 = arith.constant 0 : i32
          %dma_start3A_66 = tpu.memref_slice %arg11[%dma_start3A_64, %dma_start3A_65] : memref<10240x40xf32, #tpu.memory_space<vmem_shared>> -> memref<10240x40xf32, #tpu.memory_space<vmem_shared>>
          tpu.enqueue_indirect_dma source(%arg10 : memref<128x40xf32, #tpu.memory_space<vmem>>) target(%dma_start3A_66 : memref<10240x40xf32, #tpu.memory_space<vmem_shared>>) offsets(%dma_start3A_63 : memref<128xi32, #tpu.memory_space<vmem>>) semaphore(%run_scoped3A : memref<!tpu.dma_semaphore, #tpu.memory_space<semaphore_mem>>) {add = true}
          %dma_wait3A_67 = arith.constant 0 : i32
          %dma_wait3A_68 = tpu.memref_slice %arg8[%add3A_60, %dma_wait3A_67] : memref<82x128xi32, #tpu.memory_space<vmem>> -> memref<1x128xi32, #tpu.memory_space<vmem>>
          %dma_wait3A_69 = tpu.memref_squeeze %dma_wait3A_68 : memref<1x128xi32, #tpu.memory_space<vmem>> -> memref<128xi32, #tpu.memory_space<vmem>>
          %dma_wait3A_70 = arith.constant 0 : i32
          %dma_wait3A_71 = arith.constant 0 : i32
          %dma_wait3A_72 = tpu.memref_slice %arg11[%dma_wait3A_70, %dma_wait3A_71] : memref<10240x40xf32, #tpu.memory_space<vmem_shared>> -> memref<10240x40xf32, #tpu.memory_space<vmem_shared>>
          tpu.wait_indirect_dma semaphore(%run_scoped3A : memref<!tpu.dma_semaphore, #tpu.memory_space<semaphore_mem>>) src(%arg10 : memref<128x40xf32, #tpu.memory_space<vmem>>) dst(%dma_wait3A_72 : memref<10240x40xf32, #tpu.memory_space<vmem_shared>>)
          tpu.yield
        }) : () -> ()
      }
      %scan3A_32 = arith.constant 41 : i32
    } else {
    }
    %eq3A_19 = arith.constant 1 : i32
    %eq3A_20 = arith.cmpi eq, %arg0, %eq3A_19 : i32
    %convert_element_type3A_21 = arith.extui %eq3A_20 : i1 to i32
    %cond3A_22 = arith.constant 0 : i32
    %cond3A_23 = arith.cmpi ne, %convert_element_type3A_21, %cond3A_22 : i32
    scf.if %cond3A_23 {
      %mul3A_24 = arith.constant 76 : i32
      %mul3A_25 = arith.muli %arg1, %mul3A_24 : i32
      %add3A = arith.constant 1312 : i32
      %add3A_26 = arith.addi %add3A, %mul3A_25 : i32
      "tpu.region"() ({
        %run_scoped3A = tpu.sem_alloc : memref<!tpu.dma_semaphore, #tpu.memory_space<semaphore_mem>>
        %dma_start3A = arith.constant 0 : i32
        %dma_start3A_34 = arith.constant 0 : i32
        %dma_start3A_35 = tpu.memref_slice %arg7[%dma_start3A, %dma_start3A_34] : memref<82x128xi32, #tpu.memory_space<vmem>> -> memref<76x128xi32, #tpu.memory_space<vmem>>
        %dma_start3A_36 = arith.constant 0 : i32
        %dma_start3A_37 = tpu.memref_slice %arg3[%add3A_26, %dma_start3A_36] : memref<2528x128xi32, #tpu.memory_space<hbm>> -> memref<76x128xi32, #tpu.memory_space<hbm>>
        %dma_start3A_38 = arith.constant 0 : i32
        %dma_start3A_39 = arith.constant 0 : i32
        %dma_start3A_40 = tpu.memref_slice %arg7[%dma_start3A_38, %dma_start3A_39] : memref<82x128xi32, #tpu.memory_space<vmem>> -> memref<76x128xi32, #tpu.memory_space<vmem>>
        %dma_start3A_41 = arith.constant 0 : i32
        %dma_start3A_42 = tpu.memref_slice %arg3[%add3A_26, %dma_start3A_41] : memref<2528x128xi32, #tpu.memory_space<hbm>> -> memref<76x128xi32, #tpu.memory_space<hbm>>
        tpu.enqueue_dma source(%dma_start3A_42 : memref<76x128xi32, #tpu.memory_space<hbm>>) target(%dma_start3A_40 : memref<76x128xi32, #tpu.memory_space<vmem>>) target_semaphore(%run_scoped3A : memref<!tpu.dma_semaphore, #tpu.memory_space<semaphore_mem>>)
        %dma_wait3A = arith.constant 0 : i32
        %dma_wait3A_43 = arith.constant 0 : i32
        %dma_wait3A_44 = tpu.memref_slice %arg7[%dma_wait3A, %dma_wait3A_43] : memref<82x128xi32, #tpu.memory_space<vmem>> -> memref<76x128xi32, #tpu.memory_space<vmem>>
        %dma_wait3A_45 = arith.constant 0 : i32
        %dma_wait3A_46 = tpu.memref_slice %arg3[%add3A_26, %dma_wait3A_45] : memref<2528x128xi32, #tpu.memory_space<hbm>> -> memref<76x128xi32, #tpu.memory_space<hbm>>
        %dma_wait3A_47 = arith.constant 0 : i32
        %dma_wait3A_48 = arith.constant 0 : i32
        %dma_wait3A_49 = tpu.memref_slice %arg7[%dma_wait3A_47, %dma_wait3A_48] : memref<82x128xi32, #tpu.memory_space<vmem>> -> memref<76x128xi32, #tpu.memory_space<vmem>>
        %dma_wait3A_50 = arith.constant 0 : i32
        %dma_wait3A_51 = tpu.memref_slice %arg3[%add3A_26, %dma_wait3A_50] : memref<2528x128xi32, #tpu.memory_space<hbm>> -> memref<76x128xi32, #tpu.memory_space<hbm>>
        tpu.wait_dma2 semaphore(%run_scoped3A : memref<!tpu.dma_semaphore, #tpu.memory_space<semaphore_mem>>) src(%dma_wait3A_51 : memref<76x128xi32, #tpu.memory_space<hbm>>) dst(%dma_wait3A_49 : memref<76x128xi32, #tpu.memory_space<vmem>>)
        tpu.yield
      }) : () -> ()
      "tpu.region"() ({
        %run_scoped3A = tpu.sem_alloc : memref<!tpu.dma_semaphore, #tpu.memory_space<semaphore_mem>>
        %dma_start3A = arith.constant 0 : i32
        %dma_start3A_34 = arith.constant 0 : i32
        %dma_start3A_35 = tpu.memref_slice %arg8[%dma_start3A, %dma_start3A_34] : memref<82x128xi32, #tpu.memory_space<vmem>> -> memref<76x128xi32, #tpu.memory_space<vmem>>
        %dma_start3A_36 = arith.constant 0 : i32
        %dma_start3A_37 = tpu.memref_slice %arg4[%add3A_26, %dma_start3A_36] : memref<2528x128xi32, #tpu.memory_space<hbm>> -> memref<76x128xi32, #tpu.memory_space<hbm>>
        %dma_start3A_38 = arith.constant 0 : i32
        %dma_start3A_39 = arith.constant 0 : i32
        %dma_start3A_40 = tpu.memref_slice %arg8[%dma_start3A_38, %dma_start3A_39] : memref<82x128xi32, #tpu.memory_space<vmem>> -> memref<76x128xi32, #tpu.memory_space<vmem>>
        %dma_start3A_41 = arith.constant 0 : i32
        %dma_start3A_42 = tpu.memref_slice %arg4[%add3A_26, %dma_start3A_41] : memref<2528x128xi32, #tpu.memory_space<hbm>> -> memref<76x128xi32, #tpu.memory_space<hbm>>
        tpu.enqueue_dma source(%dma_start3A_42 : memref<76x128xi32, #tpu.memory_space<hbm>>) target(%dma_start3A_40 : memref<76x128xi32, #tpu.memory_space<vmem>>) target_semaphore(%run_scoped3A : memref<!tpu.dma_semaphore, #tpu.memory_space<semaphore_mem>>)
        %dma_wait3A = arith.constant 0 : i32
        %dma_wait3A_43 = arith.constant 0 : i32
        %dma_wait3A_44 = tpu.memref_slice %arg8[%dma_wait3A, %dma_wait3A_43] : memref<82x128xi32, #tpu.memory_space<vmem>> -> memref<76x128xi32, #tpu.memory_space<vmem>>
        %dma_wait3A_45 = arith.constant 0 : i32
        %dma_wait3A_46 = tpu.memref_slice %arg4[%add3A_26, %dma_wait3A_45] : memref<2528x128xi32, #tpu.memory_space<hbm>> -> memref<76x128xi32, #tpu.memory_space<hbm>>
        %dma_wait3A_47 = arith.constant 0 : i32
        %dma_wait3A_48 = arith.constant 0 : i32
        %dma_wait3A_49 = tpu.memref_slice %arg8[%dma_wait3A_47, %dma_wait3A_48] : memref<82x128xi32, #tpu.memory_space<vmem>> -> memref<76x128xi32, #tpu.memory_space<vmem>>
        %dma_wait3A_50 = arith.constant 0 : i32
        %dma_wait3A_51 = tpu.memref_slice %arg4[%add3A_26, %dma_wait3A_50] : memref<2528x128xi32, #tpu.memory_space<hbm>> -> memref<76x128xi32, #tpu.memory_space<hbm>>
        tpu.wait_dma2 semaphore(%run_scoped3A : memref<!tpu.dma_semaphore, #tpu.memory_space<semaphore_mem>>) src(%dma_wait3A_51 : memref<76x128xi32, #tpu.memory_space<hbm>>) dst(%dma_wait3A_49 : memref<76x128xi32, #tpu.memory_space<vmem>>)
        tpu.yield
      }) : () -> ()
      %barrier3A_27 = arith.constant 0 : index
      tpu.barrier barrier_id(%barrier3A_27)
      %scan3A_28 = arith.constant 0 : i32
      %scan3A_29 = arith.constant 0 : i32
      %scan3A_30 = arith.constant 38 : i32
      %scan3A_31 = arith.addi %scan3A_29, %scan3A_30 : i32
      %scan3A_32 = arith.constant 1 : i32
      scf.for %scan3A_34 = %scan3A_29 to %scan3A_31 step %scan3A_32  : i32 {
        %mul3A_35 = arith.constant 2 : i32
        %mul3A_36 = arith.muli %mul3A_35, %scan3A_34 : i32
        %dma_start3A = arith.constant 0 : i32
        %dma_start3A_37 = tpu.memref_slice %arg7[%mul3A_36, %dma_start3A] : memref<82x128xi32, #tpu.memory_space<vmem>> -> memref<1x128xi32, #tpu.memory_space<vmem>>
        %dma_start3A_38 = tpu.memref_squeeze %dma_start3A_37 : memref<1x128xi32, #tpu.memory_space<vmem>> -> memref<128xi32, #tpu.memory_space<vmem>>
        %dma_start3A_39 = arith.constant 0 : i32
        %dma_start3A_40 = arith.constant 0 : i32
        %dma_start3A_41 = tpu.memref_slice %arg12[%dma_start3A_39, %dma_start3A_40] : memref<10000x40xf32, #tpu.memory_space<vmem_shared>> -> memref<10000x40xf32, #tpu.memory_space<vmem_shared>>
        tpu.enqueue_indirect_dma source(%dma_start3A_41 : memref<10000x40xf32, #tpu.memory_space<vmem_shared>>) target(%arg9 : memref<128x40xf32, #tpu.memory_space<vmem>>) offsets(%dma_start3A_38 : memref<128xi32, #tpu.memory_space<vmem>>) semaphore(%arg13 : memref<!tpu.dma_semaphore, #tpu.memory_space<semaphore_mem>>)
        %add3A_42 = arith.constant 1 : i32
        %add3A_43 = arith.addi %mul3A_36, %add3A_42 : i32
        %dma_start3A_44 = arith.constant 0 : i32
        %dma_start3A_45 = tpu.memref_slice %arg7[%add3A_43, %dma_start3A_44] : memref<82x128xi32, #tpu.memory_space<vmem>> -> memref<1x128xi32, #tpu.memory_space<vmem>>
        %dma_start3A_46 = tpu.memref_squeeze %dma_start3A_45 : memref<1x128xi32, #tpu.memory_space<vmem>> -> memref<128xi32, #tpu.memory_space<vmem>>
        %dma_start3A_47 = arith.constant 0 : i32
        %dma_start3A_48 = arith.constant 0 : i32
        %dma_start3A_49 = tpu.memref_slice %arg12[%dma_start3A_47, %dma_start3A_48] : memref<10000x40xf32, #tpu.memory_space<vmem_shared>> -> memref<10000x40xf32, #tpu.memory_space<vmem_shared>>
        tpu.enqueue_indirect_dma source(%dma_start3A_49 : memref<10000x40xf32, #tpu.memory_space<vmem_shared>>) target(%arg10 : memref<128x40xf32, #tpu.memory_space<vmem>>) offsets(%dma_start3A_46 : memref<128xi32, #tpu.memory_space<vmem>>) semaphore(%arg14 : memref<!tpu.dma_semaphore, #tpu.memory_space<semaphore_mem>>)
        %dma_wait3A = arith.constant 0 : i32
        %dma_wait3A_50 = tpu.memref_slice %arg7[%mul3A_36, %dma_wait3A] : memref<82x128xi32, #tpu.memory_space<vmem>> -> memref<1x128xi32, #tpu.memory_space<vmem>>
        %dma_wait3A_51 = tpu.memref_squeeze %dma_wait3A_50 : memref<1x128xi32, #tpu.memory_space<vmem>> -> memref<128xi32, #tpu.memory_space<vmem>>
        %dma_wait3A_52 = arith.constant 0 : i32
        %dma_wait3A_53 = arith.constant 0 : i32
        %dma_wait3A_54 = tpu.memref_slice %arg12[%dma_wait3A_52, %dma_wait3A_53] : memref<10000x40xf32, #tpu.memory_space<vmem_shared>> -> memref<10000x40xf32, #tpu.memory_space<vmem_shared>>
        tpu.wait_indirect_dma semaphore(%arg13 : memref<!tpu.dma_semaphore, #tpu.memory_space<semaphore_mem>>) src(%dma_wait3A_54 : memref<10000x40xf32, #tpu.memory_space<vmem_shared>>) dst(%arg9 : memref<128x40xf32, #tpu.memory_space<vmem>>)
        "tpu.region"() ({
          %run_scoped3A = tpu.sem_alloc : memref<!tpu.dma_semaphore, #tpu.memory_space<semaphore_mem>>
          %dma_start3A_63 = arith.constant 0 : i32
          %dma_start3A_64 = tpu.memref_slice %arg8[%mul3A_36, %dma_start3A_63] : memref<82x128xi32, #tpu.memory_space<vmem>> -> memref<1x128xi32, #tpu.memory_space<vmem>>
          %dma_start3A_65 = tpu.memref_squeeze %dma_start3A_64 : memref<1x128xi32, #tpu.memory_space<vmem>> -> memref<128xi32, #tpu.memory_space<vmem>>
          %dma_start3A_66 = arith.constant 0 : i32
          %dma_start3A_67 = arith.constant 0 : i32
          %dma_start3A_68 = tpu.memref_slice %arg11[%dma_start3A_66, %dma_start3A_67] : memref<10240x40xf32, #tpu.memory_space<vmem_shared>> -> memref<10240x40xf32, #tpu.memory_space<vmem_shared>>
          tpu.enqueue_indirect_dma source(%arg9 : memref<128x40xf32, #tpu.memory_space<vmem>>) target(%dma_start3A_68 : memref<10240x40xf32, #tpu.memory_space<vmem_shared>>) offsets(%dma_start3A_65 : memref<128xi32, #tpu.memory_space<vmem>>) semaphore(%run_scoped3A : memref<!tpu.dma_semaphore, #tpu.memory_space<semaphore_mem>>) {add = true}
          %dma_wait3A_69 = arith.constant 0 : i32
          %dma_wait3A_70 = tpu.memref_slice %arg8[%mul3A_36, %dma_wait3A_69] : memref<82x128xi32, #tpu.memory_space<vmem>> -> memref<1x128xi32, #tpu.memory_space<vmem>>
          %dma_wait3A_71 = tpu.memref_squeeze %dma_wait3A_70 : memref<1x128xi32, #tpu.memory_space<vmem>> -> memref<128xi32, #tpu.memory_space<vmem>>
          %dma_wait3A_72 = arith.constant 0 : i32
          %dma_wait3A_73 = arith.constant 0 : i32
          %dma_wait3A_74 = tpu.memref_slice %arg11[%dma_wait3A_72, %dma_wait3A_73] : memref<10240x40xf32, #tpu.memory_space<vmem_shared>> -> memref<10240x40xf32, #tpu.memory_space<vmem_shared>>
          tpu.wait_indirect_dma semaphore(%run_scoped3A : memref<!tpu.dma_semaphore, #tpu.memory_space<semaphore_mem>>) src(%arg9 : memref<128x40xf32, #tpu.memory_space<vmem>>) dst(%dma_wait3A_74 : memref<10240x40xf32, #tpu.memory_space<vmem_shared>>)
          tpu.yield
        }) : () -> ()
        %dma_wait3A_55 = arith.constant 0 : i32
        %dma_wait3A_56 = tpu.memref_slice %arg7[%add3A_43, %dma_wait3A_55] : memref<82x128xi32, #tpu.memory_space<vmem>> -> memref<1x128xi32, #tpu.memory_space<vmem>>
        %dma_wait3A_57 = tpu.memref_squeeze %dma_wait3A_56 : memref<1x128xi32, #tpu.memory_space<vmem>> -> memref<128xi32, #tpu.memory_space<vmem>>
        %dma_wait3A_58 = arith.constant 0 : i32
        %dma_wait3A_59 = arith.constant 0 : i32
        %dma_wait3A_60 = tpu.memref_slice %arg12[%dma_wait3A_58, %dma_wait3A_59] : memref<10000x40xf32, #tpu.memory_space<vmem_shared>> -> memref<10000x40xf32, #tpu.memory_space<vmem_shared>>
        tpu.wait_indirect_dma semaphore(%arg14 : memref<!tpu.dma_semaphore, #tpu.memory_space<semaphore_mem>>) src(%dma_wait3A_60 : memref<10000x40xf32, #tpu.memory_space<vmem_shared>>) dst(%arg10 : memref<128x40xf32, #tpu.memory_space<vmem>>)
        %add3A_61 = arith.constant 1 : i32
        %add3A_62 = arith.addi %mul3A_36, %add3A_61 : i32
        "tpu.region"() ({
          %run_scoped3A = tpu.sem_alloc : memref<!tpu.dma_semaphore, #tpu.memory_space<semaphore_mem>>
          %dma_start3A_63 = arith.constant 0 : i32
          %dma_start3A_64 = tpu.memref_slice %arg8[%add3A_62, %dma_start3A_63] : memref<82x128xi32, #tpu.memory_space<vmem>> -> memref<1x128xi32, #tpu.memory_space<vmem>>
          %dma_start3A_65 = tpu.memref_squeeze %dma_start3A_64 : memref<1x128xi32, #tpu.memory_space<vmem>> -> memref<128xi32, #tpu.memory_space<vmem>>
          %dma_start3A_66 = arith.constant 0 : i32
          %dma_start3A_67 = arith.constant 0 : i32
          %dma_start3A_68 = tpu.memref_slice %arg11[%dma_start3A_66, %dma_start3A_67] : memref<10240x40xf32, #tpu.memory_space<vmem_shared>> -> memref<10240x40xf32, #tpu.memory_space<vmem_shared>>
          tpu.enqueue_indirect_dma source(%arg10 : memref<128x40xf32, #tpu.memory_space<vmem>>) target(%dma_start3A_68 : memref<10240x40xf32, #tpu.memory_space<vmem_shared>>) offsets(%dma_start3A_65 : memref<128xi32, #tpu.memory_space<vmem>>) semaphore(%run_scoped3A : memref<!tpu.dma_semaphore, #tpu.memory_space<semaphore_mem>>) {add = true}
          %dma_wait3A_69 = arith.constant 0 : i32
          %dma_wait3A_70 = tpu.memref_slice %arg8[%add3A_62, %dma_wait3A_69] : memref<82x128xi32, #tpu.memory_space<vmem>> -> memref<1x128xi32, #tpu.memory_space<vmem>>
          %dma_wait3A_71 = tpu.memref_squeeze %dma_wait3A_70 : memref<1x128xi32, #tpu.memory_space<vmem>> -> memref<128xi32, #tpu.memory_space<vmem>>
          %dma_wait3A_72 = arith.constant 0 : i32
          %dma_wait3A_73 = arith.constant 0 : i32
          %dma_wait3A_74 = tpu.memref_slice %arg11[%dma_wait3A_72, %dma_wait3A_73] : memref<10240x40xf32, #tpu.memory_space<vmem_shared>> -> memref<10240x40xf32, #tpu.memory_space<vmem_shared>>
          tpu.wait_indirect_dma semaphore(%run_scoped3A : memref<!tpu.dma_semaphore, #tpu.memory_space<semaphore_mem>>) src(%arg10 : memref<128x40xf32, #tpu.memory_space<vmem>>) dst(%dma_wait3A_74 : memref<10240x40xf32, #tpu.memory_space<vmem_shared>>)
          tpu.yield
        }) : () -> ()
      }
      %scan3A_33 = arith.constant 38 : i32
    } else {
    }
    %barrier3A = arith.constant 0 : index
    tpu.barrier barrier_id(%barrier3A)
    "tpu.region"() ({
      %run_scoped3A = tpu.sem_alloc : memref<!tpu.dma_semaphore, #tpu.memory_space<semaphore_mem>>
      %dma_start3A = arith.constant 0 : i32
      %dma_start3A_24 = tpu.memref_slice %arg5[%arg0, %mul3A_10, %dma_start3A] : memref<2x10240x40xf32, #tpu.memory_space<hbm>> -> memref<1x640x40xf32, #tpu.memory_space<hbm>>
      %dma_start3A_25 = tpu.memref_squeeze %dma_start3A_24 : memref<1x640x40xf32, #tpu.memory_space<hbm>> -> memref<640x40xf32, #tpu.memory_space<hbm>>
      %dma_start3A_26 = arith.constant 0 : i32
      %dma_start3A_27 = tpu.memref_slice %arg11[%mul3A_10, %dma_start3A_26] : memref<10240x40xf32, #tpu.memory_space<vmem_shared>> -> memref<640x40xf32, #tpu.memory_space<vmem_shared>>
      tpu.enqueue_dma source(%dma_start3A_27 : memref<640x40xf32, #tpu.memory_space<vmem_shared>>) target(%dma_start3A_25 : memref<640x40xf32, #tpu.memory_space<hbm>>) target_semaphore(%run_scoped3A : memref<!tpu.dma_semaphore, #tpu.memory_space<semaphore_mem>>)
      %dma_wait3A = arith.constant 0 : i32
      %dma_wait3A_28 = tpu.memref_slice %arg5[%arg0, %mul3A_10, %dma_wait3A] : memref<2x10240x40xf32, #tpu.memory_space<hbm>> -> memref<1x640x40xf32, #tpu.memory_space<hbm>>
      %dma_wait3A_29 = tpu.memref_squeeze %dma_wait3A_28 : memref<1x640x40xf32, #tpu.memory_space<hbm>> -> memref<640x40xf32, #tpu.memory_space<hbm>>
      %dma_wait3A_30 = arith.constant 0 : i32
      %dma_wait3A_31 = tpu.memref_slice %arg11[%mul3A_10, %dma_wait3A_30] : memref<10240x40xf32, #tpu.memory_space<vmem_shared>> -> memref<640x40xf32, #tpu.memory_space<vmem_shared>>
      tpu.wait_dma2 semaphore(%run_scoped3A : memref<!tpu.dma_semaphore, #tpu.memory_space<semaphore_mem>>) src(%dma_wait3A_31 : memref<640x40xf32, #tpu.memory_space<vmem_shared>>) dst(%dma_wait3A_29 : memref<640x40xf32, #tpu.memory_space<hbm>>)
      tpu.yield
    }) : () -> ()
    return
  }
}

module attributes {stable_mosaic.version = 14 : i64} {
  func.func @_prep_body(%arg0: i32, %arg1: memref<2000x128xf32, #tpu.memory_space<vmem>>, %arg2: memref<168x40xf32, #tpu.memory_space<vmem>>, %arg3: memref<2000x1xi32, #tpu.memory_space<vmem>>, %arg4: memref<2000x48xf32, #tpu.memory_space<vmem>>, %arg5: memref<2000x48xf32, #tpu.memory_space<vmem>>) attributes {dimension_semantics = [#tpu.dimension_semantics<arbitrary>], iteration_bounds = array<i64: 5>, scalar_prefetch = 0 : i64, scratch_operands = 0 : i64, tpu.core_type = #tpu.core_type<tc>, window_params = [{transform_indices = @transform_0, window_bounds = array<i64: 2000, 128>}, {pipeline_mode = #tpu.pipeline_mode<synchronous>, transform_indices = @transform_1, window_bounds = array<i64: 168, 40>}, {transform_indices = @transform_2, window_bounds = array<i64: 2000, 1>}, {transform_indices = @transform_3, window_bounds = array<i64: 2000, 48>}, {transform_indices = @transform_4, window_bounds = array<i64: 2000, 48>}]} {
    %get3A = arith.constant 0 : index
    %get3A_0 = arith.constant 0 : index
    %get3A_1 = vector.load %arg2[%get3A, %get3A_0] : memref<168x40xf32, #tpu.memory_space<vmem>>, vector<128x40xf32>
    %get3A_2 = arith.constant 0 : index
    %get3A_3 = arith.constant 0 : index
    %get3A_4 = vector.load %arg1[%get3A_2, %get3A_3] : memref<2000x128xf32, #tpu.memory_space<vmem>>, vector<2000x128xf32>
    %dot_general3A = arith.constant dense<0.000000e+00> : vector<2000x40xf32>
    %dot_general3A_5 = tpu.matmul %get3A_4, %get3A_1, %dot_general3A {dimension_numbers = #tpu.dot_dimension_numbers<[1], [0], [0], [1], [0, 0, 1, 1], [], []>, transpose_lhs_hint = false} : vector<2000x128xf32>, vector<128x40xf32>, vector<2000x40xf32> -> vector<2000x40xf32>
    %broadcast_in_dim3A = arith.constant 1.000000e+00 : f32
    %broadcast_in_dim3A_6 = vector.broadcast %broadcast_in_dim3A : f32 to vector<2000x1xf32>
    %broadcast_in_dim3A_7 = arith.constant 0.000000e+00 : f32
    %broadcast_in_dim3A_8 = vector.broadcast %broadcast_in_dim3A_7 : f32 to vector<2000x7xf32>
    %concatenate3A = tpu.concatenate %dot_general3A_5, %broadcast_in_dim3A_6, %broadcast_in_dim3A_8 in 1 : vector<2000x40xf32>, vector<2000x1xf32>, vector<2000x7xf32> -> vector<2000x48xf32>
    %swap3A = arith.constant 0 : index
    %swap3A_9 = arith.constant 0 : index
    %swap3A_10 = vector.load %arg4[%swap3A, %swap3A_9] : memref<2000x48xf32, #tpu.memory_space<vmem>>, vector<2000x48xf32>
    tpu.vector_store %arg4[%swap3A, %swap3A_9], %concatenate3A {strides = array<i32>} : memref<2000x48xf32, #tpu.memory_space<vmem>>, vector<2000x48xf32>,
    %get3A_11 = arith.constant 0 : index
    %get3A_12 = arith.constant 0 : index
    %get3A_13 = vector.load %arg3[%get3A_11, %get3A_12] : memref<2000x1xi32, #tpu.memory_space<vmem>>, vector<2000x1xi32>
    %iota3A = tpu.iota {dimensions = array<i32: 1>} : vector<2000x40xi32>
    %eq3A = vector.broadcast %get3A_13 : vector<2000x1xi32> to vector<2000x40xi32>
    %eq3A_14 = arith.cmpi eq, %eq3A, %iota3A : vector<2000x40xi32>
    %convert_element_type3A = arith.extui %eq3A_14 : vector<2000x40xi1> to vector<2000x40xi32>
    %convert_element_type3A_15 = arith.sitofp %convert_element_type3A : vector<2000x40xi32> to vector<2000x40xf32>
    %get3A_16 = arith.constant 128 : index
    %get3A_17 = arith.constant 0 : index
    %get3A_18 = vector.load %arg2[%get3A_16, %get3A_17] : memref<168x40xf32, #tpu.memory_space<vmem>>, vector<40x40xf32>
    %dot_general3A_19 = arith.constant dense<0.000000e+00> : vector<2000x40xf32>
    %dot_general3A_20 = tpu.matmul %convert_element_type3A_15, %get3A_18, %dot_general3A_19 {dimension_numbers = #tpu.dot_dimension_numbers<[1], [0], [0], [1], [0, 0, 1, 1], [], []>, transpose_lhs_hint = false} : vector<2000x40xf32>, vector<40x40xf32>, vector<2000x40xf32> -> vector<2000x40xf32>
    %broadcast_in_dim3A_21 = arith.constant 0.000000e+00 : f32
    %broadcast_in_dim3A_22 = vector.broadcast %broadcast_in_dim3A_21 : f32 to vector<2000x1xf32>
    %broadcast_in_dim3A_23 = arith.constant 0.000000e+00 : f32
    %broadcast_in_dim3A_24 = vector.broadcast %broadcast_in_dim3A_23 : f32 to vector<2000x6xf32>
    %concatenate3A_25 = tpu.concatenate %dot_general3A_20, %broadcast_in_dim3A_22, %broadcast_in_dim3A_6, %broadcast_in_dim3A_24 in 1 : vector<2000x40xf32>, vector<2000x1xf32>, vector<2000x1xf32>, vector<2000x6xf32> -> vector<2000x48xf32>
    %swap3A_26 = arith.constant 0 : index
    %swap3A_27 = arith.constant 0 : index
    %swap3A_28 = vector.load %arg5[%swap3A_26, %swap3A_27] : memref<2000x48xf32, #tpu.memory_space<vmem>>, vector<2000x48xf32>
    tpu.vector_store %arg5[%swap3A_26, %swap3A_27], %concatenate3A_25 {strides = array<i32>} : memref<2000x48xf32, #tpu.memory_space<vmem>>, vector<2000x48xf32>,
    return
  }
  func.func @transform_0(%arg0: i32) -> (i32, i32) {
    %c0_i32 = arith.constant 0 : i32
    %c0_i32_0 = arith.constant 0 : i32
    return %arg0, %c0_i32 : i32, i32
  }
  func.func @transform_1(%arg0: i32) -> (i32, i32) {
    %c0_i32 = arith.constant 0 : i32
    %c0_i32_0 = arith.constant 0 : i32
    %c0_i32_1 = arith.constant 0 : i32
    return %c0_i32, %c0_i32_0 : i32, i32
  }
  func.func @transform_2(%arg0: i32) -> (i32, i32) {
    %c0_i32 = arith.constant 0 : i32
    %c0_i32_0 = arith.constant 0 : i32
    return %arg0, %c0_i32 : i32, i32
  }
  func.func @transform_3(%arg0: i32) -> (i32, i32) {
    %c0_i32 = arith.constant 0 : i32
    %c0_i32_0 = arith.constant 0 : i32
    return %arg0, %c0_i32 : i32, i32
  }
  func.func @transform_4(%arg0: i32) -> (i32, i32) {
    %c0_i32 = arith.constant 0 : i32
    %c0_i32_0 = arith.constant 0 : i32
    return %arg0, %c0_i32 : i32, i32
  }
}

module attributes {stable_mosaic.version = 14 : i64} {
  func.func @_update1_body(%arg0: i32, %arg1: memref<2000x48xf32, #tpu.memory_space<vmem>>, %arg2: memref<2000x48xf32, #tpu.memory_space<vmem>>, %arg3: memref<2000x48xf32, #tpu.memory_space<vmem>>, %arg4: memref<2000x48xf32, #tpu.memory_space<vmem>>, %arg5: memref<168x40xf32, #tpu.memory_space<vmem>>, %arg6: memref<2000x40xf32, #tpu.memory_space<vmem>>, %arg7: memref<2000x1xf32, #tpu.memory_space<vmem>>) attributes {dimension_semantics = [#tpu.dimension_semantics<arbitrary>], iteration_bounds = array<i64: 5>, scalar_prefetch = 0 : i64, scratch_operands = 0 : i64, tpu.core_type = #tpu.core_type<tc>, window_params = [{transform_indices = @transform_0, window_bounds = array<i64: 2000, 48>}, {transform_indices = @transform_1, window_bounds = array<i64: 2000, 48>}, {transform_indices = @transform_2, window_bounds = array<i64: 2000, 48>}, {transform_indices = @transform_3, window_bounds = array<i64: 2000, 48>}, {pipeline_mode = #tpu.pipeline_mode<synchronous>, transform_indices = @transform_4, window_bounds = array<i64: 168, 40>}, {transform_indices = @transform_5, window_bounds = array<i64: 2000, 40>}, {transform_indices = @transform_6, window_bounds = array<i64: 2000, 1>}]} {
    %get3A = arith.constant 0 : index
    %get3A_0 = arith.constant 0 : index
    %get3A_1 = vector.load %arg1[%get3A, %get3A_0] : memref<2000x48xf32, #tpu.memory_space<vmem>>, vector<2000x48xf32>
    %get3A_2 = arith.constant 0 : index
    %get3A_3 = arith.constant 0 : index
    %get3A_4 = vector.load %arg2[%get3A_2, %get3A_3] : memref<2000x48xf32, #tpu.memory_space<vmem>>, vector<2000x48xf32>
    %add3A = arith.addf %get3A_1, %get3A_4 : vector<2000x48xf32>
    %slice3A = vector.extract_strided_slice %add3A {offsets = [0, 40], sizes = [2000, 1], strides = [1, 1]} : vector<2000x48xf32> to vector<2000x1xf32>
    %max3A = arith.constant 1.000000e+00 : f32
    %max3A_5 = vector.broadcast %max3A : f32 to vector<2000x1xf32>
    %max3A_6 = arith.maximumf %slice3A, %max3A_5 : vector<2000x1xf32>
    %swap3A = arith.constant 0 : index
    %swap3A_7 = arith.constant 0 : index
    %swap3A_8 = vector.load %arg7[%swap3A, %swap3A_7] : memref<2000x1xf32, #tpu.memory_space<vmem>>, vector<2000x1xf32>
    tpu.vector_store %arg7[%swap3A, %swap3A_7], %max3A_6 {strides = array<i32>} : memref<2000x1xf32, #tpu.memory_space<vmem>>, vector<2000x1xf32>,
    %slice3A_9 = vector.extract_strided_slice %add3A {offsets = [0, 0], sizes = [2000, 40], strides = [1, 1]} : vector<2000x48xf32> to vector<2000x40xf32>
    %div3A = vector.broadcast %max3A_6 : vector<2000x1xf32> to vector<2000x40xf32>
    %div3A_10 = arith.divf %slice3A_9, %div3A : vector<2000x40xf32>
    %reduce_max3A = arith.constant dense<0xFF800000> : vector<2000xf32>
    %reduce_max3A_11 = vector.multi_reduction <maximumf>, %div3A_10, %reduce_max3A [1] : vector<2000x40xf32> to vector<2000xf32>
    %broadcast_in_dim3A = vector.shape_cast %reduce_max3A_11 : vector<2000xf32> to vector<2000x1xf32>
    %sub3A = vector.broadcast %broadcast_in_dim3A : vector<2000x1xf32> to vector<2000x40xf32>
    %sub3A_12 = arith.subf %div3A_10, %sub3A : vector<2000x40xf32>
    %exp3A = math.exp %sub3A_12 : vector<2000x40xf32>
    %reduce_sum3A = arith.constant dense<0.000000e+00> : vector<2000xf32>
    %reduce_sum3A_13 = vector.multi_reduction <add>, %exp3A, %reduce_sum3A [1] : vector<2000x40xf32> to vector<2000xf32>
    %broadcast_in_dim3A_14 = vector.shape_cast %reduce_sum3A_13 : vector<2000xf32> to vector<2000x1xf32>
    %div3A_15 = vector.broadcast %broadcast_in_dim3A_14 : vector<2000x1xf32> to vector<2000x40xf32>
    %div3A_16 = arith.divf %exp3A, %div3A_15 : vector<2000x40xf32>
    %get3A_17 = arith.constant 128 : index
    %get3A_18 = arith.constant 0 : index
    %get3A_19 = vector.load %arg5[%get3A_17, %get3A_18] : memref<168x40xf32, #tpu.memory_space<vmem>>, vector<40x40xf32>
    %dot_general3A = arith.constant dense<0.000000e+00> : vector<2000x40xf32>
    %dot_general3A_20 = tpu.matmul %div3A_16, %get3A_19, %dot_general3A {dimension_numbers = #tpu.dot_dimension_numbers<[1], [0], [0], [1], [0, 0, 1, 1], [], []>, transpose_lhs_hint = false} : vector<2000x40xf32>, vector<40x40xf32>, vector<2000x40xf32> -> vector<2000x40xf32>
    %get3A_21 = arith.constant 0 : index
    %get3A_22 = arith.constant 0 : index
    %get3A_23 = vector.load %arg4[%get3A_21, %get3A_22] : memref<2000x48xf32, #tpu.memory_space<vmem>>, vector<2000x48xf32>
    %slice3A_24 = vector.extract_strided_slice %get3A_23 {offsets = [0, 41], sizes = [2000, 1], strides = [1, 1]} : vector<2000x48xf32> to vector<2000x1xf32>
    %gt3A = arith.constant 5.000000e-01 : f32
    %gt3A_25 = vector.broadcast %gt3A : f32 to vector<2000x1xf32>
    %gt3A_26 = arith.cmpf ogt, %slice3A_24, %gt3A_25 : vector<2000x1xf32>
    %slice3A_27 = vector.extract_strided_slice %get3A_23 {offsets = [0, 0], sizes = [2000, 40], strides = [1, 1]} : vector<2000x48xf32> to vector<2000x40xf32>
    %get3A_28 = arith.constant 0 : index
    %get3A_29 = arith.constant 0 : index
    %get3A_30 = vector.load %arg3[%get3A_28, %get3A_29] : memref<2000x48xf32, #tpu.memory_space<vmem>>, vector<2000x40xf32>
    %add3A_31 = arith.addf %get3A_30, %dot_general3A_20 : vector<2000x40xf32>
    %broadcast_in_dim3A_32 = vector.shape_cast %gt3A_26 : vector<2000x1xi1> to vector<2000x1xi1>
    %broadcast_in_dim3A_33 = vector.broadcast %broadcast_in_dim3A_32 : vector<2000x1xi1> to vector<2000x40xi1>
    %select_n3A = arith.select %broadcast_in_dim3A_33, %slice3A_27, %add3A_31 : vector<2000x40xi1>, vector<2000x40xf32>
    %swap3A_34 = arith.constant 0 : index
    %swap3A_35 = arith.constant 0 : index
    %swap3A_36 = vector.load %arg6[%swap3A_34, %swap3A_35] : memref<2000x40xf32, #tpu.memory_space<vmem>>, vector<2000x40xf32>
    tpu.vector_store %arg6[%swap3A_34, %swap3A_35], %select_n3A {strides = array<i32>} : memref<2000x40xf32, #tpu.memory_space<vmem>>, vector<2000x40xf32>,
    return
  }
  func.func @transform_0(%arg0: i32) -> (i32, i32) {
    %c0_i32 = arith.constant 0 : i32
    %c0_i32_0 = arith.constant 0 : i32
    return %arg0, %c0_i32 : i32, i32
  }
  func.func @transform_1(%arg0: i32) -> (i32, i32) {
    %c0_i32 = arith.constant 0 : i32
    %c0_i32_0 = arith.constant 0 : i32
    return %arg0, %c0_i32 : i32, i32
  }
  func.func @transform_2(%arg0: i32) -> (i32, i32) {
    %c0_i32 = arith.constant 0 : i32
    %c0_i32_0 = arith.constant 0 : i32
    return %arg0, %c0_i32 : i32, i32
  }
  func.func @transform_3(%arg0: i32) -> (i32, i32) {
    %c0_i32 = arith.constant 0 : i32
    %c0_i32_0 = arith.constant 0 : i32
    return %arg0, %c0_i32 : i32, i32
  }
  func.func @transform_4(%arg0: i32) -> (i32, i32) {
    %c0_i32 = arith.constant 0 : i32
    %c0_i32_0 = arith.constant 0 : i32
    %c0_i32_1 = arith.constant 0 : i32
    return %c0_i32, %c0_i32_0 : i32, i32
  }
  func.func @transform_5(%arg0: i32) -> (i32, i32) {
    %c0_i32 = arith.constant 0 : i32
    %c0_i32_0 = arith.constant 0 : i32
    return %arg0, %c0_i32 : i32, i32
  }
  func.func @transform_6(%arg0: i32) -> (i32, i32) {
    %c0_i32 = arith.constant 0 : i32
    %c0_i32_0 = arith.constant 0 : i32
    return %arg0, %c0_i32 : i32, i32
  }
}

module attributes {stable_mosaic.version = 14 : i64} {
  func.func @_update2_body(%arg0: i32, %arg1: memref<2000x40xf32, #tpu.memory_space<vmem>>, %arg2: memref<2000x40xf32, #tpu.memory_space<vmem>>, %arg3: memref<2000x1xf32, #tpu.memory_space<vmem>>, %arg4: memref<2000x48xf32, #tpu.memory_space<vmem>>, %arg5: memref<2000x48xf32, #tpu.memory_space<vmem>>, %arg6: memref<168x40xf32, #tpu.memory_space<vmem>>, %arg7: memref<2000x40xf32, #tpu.memory_space<vmem>>) attributes {dimension_semantics = [#tpu.dimension_semantics<arbitrary>], iteration_bounds = array<i64: 5>, scalar_prefetch = 0 : i64, scratch_operands = 0 : i64, tpu.core_type = #tpu.core_type<tc>, window_params = [{transform_indices = @transform_0, window_bounds = array<i64: 2000, 40>}, {transform_indices = @transform_1, window_bounds = array<i64: 2000, 40>}, {transform_indices = @transform_2, window_bounds = array<i64: 2000, 1>}, {transform_indices = @transform_3, window_bounds = array<i64: 2000, 48>}, {transform_indices = @transform_4, window_bounds = array<i64: 2000, 48>}, {pipeline_mode = #tpu.pipeline_mode<synchronous>, transform_indices = @transform_5, window_bounds = array<i64: 168, 40>}, {transform_indices = @transform_6, window_bounds = array<i64: 2000, 40>}]} {
    %get3A = arith.constant 0 : index
    %get3A_0 = arith.constant 0 : index
    %get3A_1 = vector.load %arg1[%get3A, %get3A_0] : memref<2000x40xf32, #tpu.memory_space<vmem>>, vector<2000x40xf32>
    %get3A_2 = arith.constant 0 : index
    %get3A_3 = arith.constant 0 : index
    %get3A_4 = vector.load %arg2[%get3A_2, %get3A_3] : memref<2000x40xf32, #tpu.memory_space<vmem>>, vector<2000x40xf32>
    %add3A = arith.addf %get3A_1, %get3A_4 : vector<2000x40xf32>
    %get3A_5 = arith.constant 0 : index
    %get3A_6 = arith.constant 0 : index
    %get3A_7 = vector.load %arg3[%get3A_5, %get3A_6] : memref<2000x1xf32, #tpu.memory_space<vmem>>, vector<2000x1xf32>
    %div3A = vector.broadcast %get3A_7 : vector<2000x1xf32> to vector<2000x40xf32>
    %div3A_8 = arith.divf %add3A, %div3A : vector<2000x40xf32>
    %reduce_max3A = arith.constant dense<0xFF800000> : vector<2000xf32>
    %reduce_max3A_9 = vector.multi_reduction <maximumf>, %div3A_8, %reduce_max3A [1] : vector<2000x40xf32> to vector<2000xf32>
    %broadcast_in_dim3A = vector.shape_cast %reduce_max3A_9 : vector<2000xf32> to vector<2000x1xf32>
    %sub3A = vector.broadcast %broadcast_in_dim3A : vector<2000x1xf32> to vector<2000x40xf32>
    %sub3A_10 = arith.subf %div3A_8, %sub3A : vector<2000x40xf32>
    %exp3A = math.exp %sub3A_10 : vector<2000x40xf32>
    %reduce_sum3A = arith.constant dense<0.000000e+00> : vector<2000xf32>
    %reduce_sum3A_11 = vector.multi_reduction <add>, %exp3A, %reduce_sum3A [1] : vector<2000x40xf32> to vector<2000xf32>
    %broadcast_in_dim3A_12 = vector.shape_cast %reduce_sum3A_11 : vector<2000xf32> to vector<2000x1xf32>
    %div3A_13 = vector.broadcast %broadcast_in_dim3A_12 : vector<2000x1xf32> to vector<2000x40xf32>
    %div3A_14 = arith.divf %exp3A, %div3A_13 : vector<2000x40xf32>
    %get3A_15 = arith.constant 128 : index
    %get3A_16 = arith.constant 0 : index
    %get3A_17 = vector.load %arg6[%get3A_15, %get3A_16] : memref<168x40xf32, #tpu.memory_space<vmem>>, vector<40x40xf32>
    %dot_general3A = arith.constant dense<0.000000e+00> : vector<2000x40xf32>
    %dot_general3A_18 = tpu.matmul %div3A_14, %get3A_17, %dot_general3A {dimension_numbers = #tpu.dot_dimension_numbers<[1], [0], [0], [1], [0, 0, 1, 1], [], []>, transpose_lhs_hint = false} : vector<2000x40xf32>, vector<40x40xf32>, vector<2000x40xf32> -> vector<2000x40xf32>
    %get3A_19 = arith.constant 0 : index
    %get3A_20 = arith.constant 0 : index
    %get3A_21 = vector.load %arg5[%get3A_19, %get3A_20] : memref<2000x48xf32, #tpu.memory_space<vmem>>, vector<2000x48xf32>
    %slice3A = vector.extract_strided_slice %get3A_21 {offsets = [0, 41], sizes = [2000, 1], strides = [1, 1]} : vector<2000x48xf32> to vector<2000x1xf32>
    %gt3A = arith.constant 5.000000e-01 : f32
    %gt3A_22 = vector.broadcast %gt3A : f32 to vector<2000x1xf32>
    %gt3A_23 = arith.cmpf ogt, %slice3A, %gt3A_22 : vector<2000x1xf32>
    %slice3A_24 = vector.extract_strided_slice %get3A_21 {offsets = [0, 0], sizes = [2000, 40], strides = [1, 1]} : vector<2000x48xf32> to vector<2000x40xf32>
    %get3A_25 = arith.constant 0 : index
    %get3A_26 = arith.constant 0 : index
    %get3A_27 = vector.load %arg4[%get3A_25, %get3A_26] : memref<2000x48xf32, #tpu.memory_space<vmem>>, vector<2000x40xf32>
    %add3A_28 = arith.addf %get3A_27, %dot_general3A_18 : vector<2000x40xf32>
    %broadcast_in_dim3A_29 = vector.shape_cast %gt3A_23 : vector<2000x1xi1> to vector<2000x1xi1>
    %broadcast_in_dim3A_30 = vector.broadcast %broadcast_in_dim3A_29 : vector<2000x1xi1> to vector<2000x40xi1>
    %select_n3A = arith.select %broadcast_in_dim3A_30, %slice3A_24, %add3A_28 : vector<2000x40xi1>, vector<2000x40xf32>
    %swap3A = arith.constant 0 : index
    %swap3A_31 = arith.constant 0 : index
    %swap3A_32 = vector.load %arg7[%swap3A, %swap3A_31] : memref<2000x40xf32, #tpu.memory_space<vmem>>, vector<2000x40xf32>
    tpu.vector_store %arg7[%swap3A, %swap3A_31], %select_n3A {strides = array<i32>} : memref<2000x40xf32, #tpu.memory_space<vmem>>, vector<2000x40xf32>,
    return
  }
  func.func @transform_0(%arg0: i32) -> (i32, i32) {
    %c0_i32 = arith.constant 0 : i32
    %c0_i32_0 = arith.constant 0 : i32
    return %arg0, %c0_i32 : i32, i32
  }
  func.func @transform_1(%arg0: i32) -> (i32, i32) {
    %c0_i32 = arith.constant 0 : i32
    %c0_i32_0 = arith.constant 0 : i32
    return %arg0, %c0_i32 : i32, i32
  }
  func.func @transform_2(%arg0: i32) -> (i32, i32) {
    %c0_i32 = arith.constant 0 : i32
    %c0_i32_0 = arith.constant 0 : i32
    return %arg0, %c0_i32 : i32, i32
  }
  func.func @transform_3(%arg0: i32) -> (i32, i32) {
    %c0_i32 = arith.constant 0 : i32
    %c0_i32_0 = arith.constant 0 : i32
    return %arg0, %c0_i32 : i32, i32
  }
  func.func @transform_4(%arg0: i32) -> (i32, i32) {
    %c0_i32 = arith.constant 0 : i32
    %c0_i32_0 = arith.constant 0 : i32
    return %arg0, %c0_i32 : i32, i32
  }
  func.func @transform_5(%arg0: i32) -> (i32, i32) {
    %c0_i32 = arith.constant 0 : i32
    %c0_i32_0 = arith.constant 0 : i32
    %c0_i32_1 = arith.constant 0 : i32
    return %c0_i32, %c0_i32_0 : i32, i32
  }
  func.func @transform_6(%arg0: i32) -> (i32, i32) {
    %c0_i32 = arith.constant 0 : i32
    %c0_i32_0 = arith.constant 0 : i32
    return %arg0, %c0_i32 : i32, i32
  }
}

module attributes {stable_mosaic.version = 14 : i64} {
  func.func @_final_body(%arg0: i32, %arg1: memref<2000x40xf32, #tpu.memory_space<vmem>>, %arg2: memref<2000x40xf32, #tpu.memory_space<vmem>>, %arg3: memref<2000x1xf32, #tpu.memory_space<vmem>>, %arg4: memref<2000x40xf32, #tpu.memory_space<vmem>>) attributes {dimension_semantics = [#tpu.dimension_semantics<arbitrary>], iteration_bounds = array<i64: 5>, scalar_prefetch = 0 : i64, scratch_operands = 0 : i64, tpu.core_type = #tpu.core_type<tc>, window_params = [{transform_indices = @transform_0, window_bounds = array<i64: 2000, 40>}, {transform_indices = @transform_1, window_bounds = array<i64: 2000, 40>}, {transform_indices = @transform_2, window_bounds = array<i64: 2000, 1>}, {transform_indices = @transform_3, window_bounds = array<i64: 2000, 40>}]} {
    %get3A = arith.constant 0 : index
    %get3A_0 = arith.constant 0 : index
    %get3A_1 = vector.load %arg1[%get3A, %get3A_0] : memref<2000x40xf32, #tpu.memory_space<vmem>>, vector<2000x40xf32>
    %get3A_2 = arith.constant 0 : index
    %get3A_3 = arith.constant 0 : index
    %get3A_4 = vector.load %arg2[%get3A_2, %get3A_3] : memref<2000x40xf32, #tpu.memory_space<vmem>>, vector<2000x40xf32>
    %add3A = arith.addf %get3A_1, %get3A_4 : vector<2000x40xf32>
    %get3A_5 = arith.constant 0 : index
    %get3A_6 = arith.constant 0 : index
    %get3A_7 = vector.load %arg3[%get3A_5, %get3A_6] : memref<2000x1xf32, #tpu.memory_space<vmem>>, vector<2000x1xf32>
    %div3A = vector.broadcast %get3A_7 : vector<2000x1xf32> to vector<2000x40xf32>
    %div3A_8 = arith.divf %add3A, %div3A : vector<2000x40xf32>
    %swap3A = arith.constant 0 : index
    %swap3A_9 = arith.constant 0 : index
    %swap3A_10 = vector.load %arg4[%swap3A, %swap3A_9] : memref<2000x40xf32, #tpu.memory_space<vmem>>, vector<2000x40xf32>
    tpu.vector_store %arg4[%swap3A, %swap3A_9], %div3A_8 {strides = array<i32>} : memref<2000x40xf32, #tpu.memory_space<vmem>>, vector<2000x40xf32>,
    return
  }
  func.func @transform_0(%arg0: i32) -> (i32, i32) {
    %c0_i32 = arith.constant 0 : i32
    %c0_i32_0 = arith.constant 0 : i32
    return %arg0, %c0_i32 : i32, i32
  }
  func.func @transform_1(%arg0: i32) -> (i32, i32) {
    %c0_i32 = arith.constant 0 : i32
    %c0_i32_0 = arith.constant 0 : i32
    return %arg0, %c0_i32 : i32, i32
  }
  func.func @transform_2(%arg0: i32) -> (i32, i32) {
    %c0_i32 = arith.constant 0 : i32
    %c0_i32_0 = arith.constant 0 : i32
    return %arg0, %c0_i32 : i32, i32
  }
  func.func @transform_3(%arg0: i32) -> (i32, i32) {
    %c0_i32 = arith.constant 0 : i32
    %c0_i32_0 = arith.constant 0 : i32
    return %arg0, %c0_i32 : i32, i32
  }
}

</mosaic_0001>

<sc_bundles>
// kernel: kernel.10.cloned.1.call-start
scs
__scs_entry_jumppad:
0x0: {  	(pc) =	sbr.rel $0x88, $3  }
0x1: {  	(tag) =	ssettag $0x0;
	lr =	simm.s32 $0x1  }
0x2: {  	[smem:$0x3F9C] =	sst lr;
	_ =	strace $0xD0000000  }
0x3: {  	_ = 	snop  }
0x4: {  	_ = 	snop  }
0x5: {  	_ = 	snop  }
0x6: {  	_ = 	snop  }
0x7: {  	_ = 	snop  }
__scs_overlays_trampoline_lowered:
0x8: {  	[smem:$0x3FAB] =	sst s0  }
0x9: {  	[smem:$0x3FAC] =	sst s1  }
0xa: {  	[smem:$0x3FAD] =	sst s2  }
0xb: {  	[smem:$0x3FAE] =	sst s3  }
0xc: {  	[smem:$0x3FAF] =	sst s4  }
0xd: {  	[smem:$0x3FB0] =	sst s5  }
0xe: {  	[smem:$0x3FB1] =	sst s6  }
0xf: {  	[smem:$0x3FB2] =	sst s7  }
0x10: {  	[smem:$0x3FB3] =	sst s8  }
0x11: {  	[smem:$0x3FB4] =	sst s9;
	s0 =	simm.s32 @!p0 $0x0  }
0x12: {  	s1 =	sld [smem:$0x3F9A];
	s0 =	simm.s32 @p0 $0x1  }
0x13: {  	[smem:$0x3FB5] =	sst s0;
	s0 =	simm.s32 @!p1 $0x0  }
0x14: {  	s2 =	sld [smem:$0x3F99];
	s0 =	simm.s32 @p1 $0x1  }
0x15: {  	[smem:$0x3FB6] =	sst s0;
	s0 =	simm.s32 @!p2 $0x0  }
0x16: {  	s3 =	sld [smem:$0x3FDB];
	s0 =	simm.s32 @p2 $0x1  }
0x17: {  	s4 =	simm.s32 $0x1BF5;
	[smem:$0x3FB8] =	sst s0  }
0x18: {  	s0 =	sld [smem:$0x3F9B];
	_ =	swait.ge [sflag:s4], $0x0  }
0x19: {  	s7 =	sld [smem:$0x3F9C]  }
0x1a: {  	s8 =	sadd.s32 $0xFFFFE003, lr  }
0x1b: {  	s9 =	sadd.s32 $0xFFFFFEF7, lr;
	s5 =	simm.s32 $0xFFFFFFFF;
	p2 =	slt.u32 s8, $0xFFFFF086  }
0x1c: {  	p1 =	slt.u32 s9, $0xF7A;
	s5 =	simm.s32 @!p2 $0x0  }
0x1d: {  	s5 =	simm.s32 @p1 $0x1;
	p0 =	seq.s32 s7, s2  }
0x1e: {  	s7 =	smul.u32 @!p0 $0xF7A, s2;
	p2 =	seq.s32 @!p0 s5, $0x0  }
0x1f: {  	s9 =	smul.u32 $0xF7A, s1;
	s8 =	simm.s32 @!p0 $0x1BF5;
	p2 =	por !p2, p0  }
0x20: {  	[sflag:s8] =	ssyncset.s32 @!p0 $0xFFFFF086;
	s6 =	sadd.s32 @!p0 s3, s7;
	s7 =	simm.s32 @!p0 $0x108  }
0x21: {  	s3 =	sadd.s32 s3, s9;
	s6 =	sadd.s32 @!p0 $0x88, s6;
	s7 =	simm.s32 @p2 $0x1082  }
0x22: {  	[simem:s7], [sflag:s8] =	dma.local @!p0 [hbm:s6], $0xF7A  }
0x23: {  	s9 =	sor.u32 $0xD0000000, s2;
	s6 =	simm.s32 $0x108;
	_ =	swait.ge @!p0 [sflag:s8], $0x0  }
0x24: {  	s3 =	sadd.s32 $0x88, s3;
	s6 =	simm.s32 @!p1 $0x1082;
	[sflag:s4] =	ssyncset.s32 $0xFFFFF086  }
0x25: {  	[simem:s6], [sflag:s4] =	dma.local [hbm:s3], $0xF7A  }
0x26: {  	[smem:$0x3F9C] =	sst s1;
	(tag) =	ssettag s2;
	_ =	strace s9  }
0x27: {  	s1 =	sld [smem:$0x3FAC]  }
0x28: {  	s2 =	sld [smem:$0x3FAD]  }
0x29: {  	s4 =	sld [smem:$0x3FAF]  }
0x2a: {  	p0 =	seq.s32 s5, $0x0;
	s5 =	sld [smem:$0x3FB0]  }
0x2b: {  	s6 =	sld [smem:$0x3FB1]  }
0x2c: {  	s7 =	sld [smem:$0x3FB2]  }
0x2d: {  	s3 =	simm.s32 $0x108;
	s8 =	sld [smem:$0x3FB3]  }
0x2e: {  	s3 =	simm.s32 @!p0 $0x1082;
	s9 =	sld [smem:$0x3FB4]  }
0x2f: {  	lr =	sadd.s32 s0, s3;
	s0 =	sld [smem:$0x3FAB]  }
0x30: {  	s3 =	sld [smem:$0x3FAE]  }
0x31: {  	[smem:$0x3FB7] =	sst s10  }
0x32: {  	s10 =	sld [smem:$0x3FB5];
	_ =	sdelay $0x3  }
0x33: {  	p0 =	seq.s32 s10, $0x1;
	s10 =	sld [smem:$0x3FB7];
	_ =	sdelay $0x3  }
0x34: {  	[smem:$0x3FB7] =	sst s10  }
0x35: {  	s10 =	sld [smem:$0x3FB6];
	_ =	sdelay $0x3  }
0x36: {  	p1 =	seq.s32 s10, $0x1;
	s10 =	sld [smem:$0x3FB7];
	_ =	sdelay $0x3  }
0x37: {  	[smem:$0x3FB7] =	sst s10  }
0x38: {  	s10 =	sld [smem:$0x3FB8]  }
0x39: {  	_ = 	snop;
	(pc) =	sbr.ind lr, $3  }
0x3a: {  	_ = 	snop  }
0x3b: {  	_ = 	snop  }
0x3c: {  	p2 =	seq.s32 s10, $0x1;
	s10 =	sld [smem:$0x3FB7]  }
0x3d: {  	_ =	shalt  }
0x3e: {  	_ =	shalt  }
0x3f: {  	_ =	shalt  }
0x40: {  	_ =	shalt  }
0x41: {  	_ =	shalt  }
0x42: {  	_ =	shalt  }
0x43: {  	_ =	shalt  }
0x44: {  	_ =	shalt  }
0x45: {  	_ =	shalt  }
0x46: {  	_ =	shalt  }
0x47: {  	_ =	shalt  }
0x48: {  	_ =	shalt  }
0x49: {  	_ =	shalt  }
0x4a: {  	_ =	shalt  }
0x4b: {  	_ =	shalt  }
0x4c: {  	_ =	shalt  }
0x4d: {  	_ =	shalt  }
0x4e: {  	_ =	shalt  }
0x4f: {  	_ =	shalt  }
0x50: {  	_ =	shalt  }
0x51: {  	_ =	shalt  }
0x52: {  	_ =	shalt  }
0x53: {  	_ =	shalt  }
0x54: {  	_ =	shalt  }
0x55: {  	_ =	shalt  }
0x56: {  	_ =	shalt  }
0x57: {  	_ =	shalt  }
0x58: {  	_ =	shalt  }
0x59: {  	_ =	shalt  }
0x5a: {  	_ =	shalt  }
0x5b: {  	_ =	shalt  }
0x5c: {  	_ =	shalt  }
0x5d: {  	_ =	shalt  }
0x5e: {  	_ =	shalt  }
0x5f: {  	_ =	shalt  }
0x60: {  	_ =	shalt  }
0x61: {  	_ =	shalt  }
0x62: {  	_ =	shalt  }
0x63: {  	_ =	shalt  }
0x64: {  	_ =	shalt  }
0x65: {  	_ =	shalt  }
0x66: {  	_ =	shalt  }
0x67: {  	_ =	shalt  }
0x68: {  	_ =	shalt  }
0x69: {  	_ =	shalt  }
0x6a: {  	_ =	shalt  }
0x6b: {  	_ =	shalt  }
0x6c: {  	_ =	shalt  }
0x6d: {  	_ =	shalt  }
0x6e: {  	_ =	shalt  }
0x6f: {  	_ =	shalt  }
0x70: {  	_ =	shalt  }
0x71: {  	_ =	shalt  }
0x72: {  	_ =	shalt  }
0x73: {  	_ =	shalt  }
0x74: {  	_ =	shalt  }
0x75: {  	_ =	shalt  }
0x76: {  	_ =	shalt  }
0x77: {  	_ =	shalt  }
0x78: {  	_ =	shalt  }
0x79: {  	_ =	shalt  }
0x7a: {  	_ =	shalt  }
0x7b: {  	_ =	shalt  }
0x7c: {  	_ =	shalt  }
0x7d: {  	_ =	shalt  }
0x7e: {  	_ =	shalt  }
0x7f: {  	_ =	shalt  }
0x80: {  	_ =	shalt  }
0x81: {  	_ =	shalt  }
0x82: {  	_ =	shalt  }
0x83: {  	_ =	shalt  }
0x84: {  	_ =	shalt  }
0x85: {  	_ =	shalt  }
0x86: {  	_ =	shalt  }
0x87: {  	_ =	shalt  }
.Lfunc_end0:
.L_simem_size_0:
called_computation_lowered:
.L_overlay_start_0:
0x88: {  	s2 =	sld [smem:$0x3FD9]  }
0x89: {  	s3 =	sld [smem:$0x3FFE];
	_ =	sdelay $0x1  }
0x8a: {  	s1 =	srdreg.scid  }
0x8b: {  	s0 =	sand.u32 $0x1, s1  }
0x8c: {  	s17 =	sshll.u32 s0, $0xA;
	s2 =	sadd.s32 s3, s2  }
0x8d: {  	s2 =	sadd.s32 s2, s17  }
0x8e: {  	[smem:$0x3FC3] =	sst s2  }
0x8f: {  	_ = 	snop  }
0x90: {  	s2 =	sld [smem:$0x3FD0];
	(tm) =	ssettm $0x1  }
0x91: {  	s18 =	sld [smem:$0x3FFB];
	_ =	sdelay $0x3  }
0x92: {  	_ =	strace s18  }
0x93: {  	s3 =	sld [smem:$0x3FFC];
	_ =	sdelay $0x3  }
0x94: {  	_ =	strace s3  }
0x95: {  	s3 =	sld [smem:$0x3FFD];
	_ =	sdelay $0x3  }
0x96: {  	_ =	strace s3  }
0x97: {  	_ =	strace $0x8FFFFFFF  }
0x98: {  	s19 =	sld [smem:$0x3FDB];
	_ =	sdelay $0x1  }
0x99: {  	s4 =	simm.s32 $_scs_section_size  }
0x9a: {  	s5 =	simm.s32 $_size__tile_overlayer_lowered;
	s6 =	simm.s32 $_tile_overlayer_lowered  }
0x9b: {  	s22 =	simm.s32 $0x1BFF;
	s21 =	sshll.u32 s6, $0x1;
	s3 =	sadd.s32 s4, s19  }
0x9c: {  	s7 =	simm.s32 $0x0;
	s20 =	sshll.u32 s5, $0x1;
	s5 =	sadd.s32 s21, s3  }
0x9d: {  	[timem:s7], [sflag:s22] =	dma.local [hbm:s5], s20  }
0x9e: {  	_ =	swait.ge [sflag:s22], s20  }
0x9f: {  	s4 =	ssub.s32 $0x0, s20;
	[sflag:s22] =	ssyncset.done $0x0  }
0xa0: {  	[sflag:s22] =	ssyncadd.s32 s4;
	_ =	sdelay $0x1  }
0xa1: {  	s23 =	simm.s32 $0x1B8B  }
0xa2: {  	_ =	swait.ge [sflag:s23], $0x1  }
0xa3: {  	[sflag:s23] =	ssyncset.done $0x0  }
0xa4: {  	s25 =	simm.s32 $0x1B8E;
	s24 =	sld [smem:$0x3FFE];
	[sflag:s23] =	ssyncadd.s32 $0xFFFFFFFF  }
0xa5: {  	s26 =	simm.s32 $execute0_lowered;
	[smem:$0x3FD2] =	sst s25  }
0xa6: {  	s5 =	sshll.u32 s26, $0x1;
	_ =	strace $0x80000046;
	[dreg:$0x1] =	wrdreg $0xFFFFFFFF  }
0xa7: {  	s28 =	simm.s32 $_size_execute0_lowered;
	s3 =	sadd.s32 s3, s5;
	[dreg:$0x0] =	wrdreg $0x0  }
0xa8: {  	s5 =	sshll.u32 s28, $0x1;
	[dreg:$0x2] =	wrdreg s3  }
0xa9: {  	[dreg:$0x3] =	wrdreg s5  }
0xaa: {  	[dreg:$0x4] =	wrdreg $0xC0  }
0xab: {  	_ =	task [dreg:s7], $0x5FFFF  }
0xac: {  	[dreg:$0x1] =	wrdreg $0xFFFFFFFF  }
0xad: {  	[dreg:$0x0] =	wrdreg $0x60  }
0xae: {  	[dreg:$0x2] =	wrdreg s24  }
0xaf: {  	[dreg:$0x3] =	wrdreg s2  }
0xb0: {  	[dreg:$0x4] =	wrdreg $0x33000  }
0xb1: {  	[dreg:$0x5] =	wrdreg $0x9  }
0xb2: {  	_ =	task.clear_ibuf [dreg:s7], $0x6FFFF;
	_ =	strace $0x90000046  }
0xb3: {  	s29 =	simm.s32 $0x9;
	_ =	strace $0x80000048  }
0xb4: {  	_ =	swait.ge [sflag:s29], $0x1  }
0xb5: {  	[sflag:s29] =	ssyncadd.s32 $0xFFFFFFFF  }
0xb6: {  	_ =	strace $0x90000048  }
0xb7: {  	_ =	sfence  }
0xb8: {  	s30 =	sld [smem:$0x0];
	_ =	sdelay $0x2  }
0xb9: {  	s31 =	sshll.u32 s1, $0xD;
	s1 =	sshrl.u32 s1, $0x2  }
0xba: {  	s3 =	sand.u32 $0x4000, s31;
	s1 =	sadd.s32 s1, s30  }
0xbb: {  	s0 =	sor.u32 s3, s0;
	s1 =	sshll.u32 s1, $0x11  }
0xbc: {  	s0 =	sor.u32 s1, s0  }
0xbd: {  	s0 =	sadd.s32 $0x8F2B, s0  }
0xbe: {  	[sflag:s0] =	ssyncadd.remote.s32 $0x1  }
0xbf: {  	_ =	sfence.sel $0xFFFF  }
0xc0: {  	[dreg:$0x0] =	wrdreg $0xFFFFFFFF;
	(pc) =	sbr.abs _section_cstart, $3  }
0xc1: {  	[dreg:$0x1] =	wrdreg $0xFFFFFFFF  }
0xc2: {  	_ =	task.clear_ibuf [dreg:s7], $0x2FFFF;
	_ =	strace $0x9FFFFFFF  }
0xc3: {  	(tm) =	ssettm $0x7FFFFFFF  }
tec
execute0_lowered:
.L_overlay_start_1:
0x0: {  	(tag) =	ssettag $0x1  }
0x1: {  	s6 =	rddreg [dreg:$0x0]  }
0x2: {  	s8 =	rddreg [dreg:$0x1]  }
0x3: {  	s2 =	rddreg [dreg:$0x2]  }
0x4: {  	s0 =	rddreg [dreg:$0x3]  }
0x5: {  	s3 =	simm.s32 $0x0;
	s1 =	stileid.u32;
	s4 =	srdreg.scid  }
0x6: {  	s16 =	simm.s32 $0x300;
	s17 =	simm.s32 $0x1;
	s18 =	simm.s32 $0x1B00  }
0x7: {  	s19 =	simm.s32 $0x200;
	s20 =	simm.s32 $0x100;
	s9 =	smul.u32 $0x30, s1  }
0x8: {  	s21 =	simm.s32 $0x280;
	[smem:$0x7FF] =	sst s3;
	s7 =	smul.u32 $0x7530, s1  }
0x9: {  	s11 =	sand.u32 $0x1, s4;
	s4 =	sadd.s32 $0x29200, s6;
	s5 =	sadd.s32 $0x37E00, s6  }
0xa: {  	s31 =	sshll.u32 s1, $0x6;
	_ =	strace $0x80000047;
	s12 =	ssub.s32 $0x2, s11  }
0xb: {  	p0 =	sne.s32 s11, $0x0;
	s11 =	sor.u32 $0x1C02, s31;
	s10 =	sadd.s32 s9, s6  }
.Ltmp0:
0xc: {  	s13 =	sshrl.u32 s7, $0x3;
	s14 =	sshrl.u32 s12, $0x1;
	(pc) =	sbr.rel .LBB2_1-.Ltmp0, $4  }
0xd: {  	s30 =	sadd.s32 s7, s2;
	s8 =	sadd.s32 s8, s9;
	s15 =	sadd.s32 s13, s6  }
0xe: {  	s12 =	ssub.s32 s12, s14;
	s6 =	sadd.s32 s5, s13;
	s7 =	sadd.s32 $0x1C00, s10  }
0xf: {  	s13 =	simm.s32 $0x2;
	s14 =	simm.s32 $0x180;
	s9 =	sadd.s32 $0x46A00, s15  }
0x10: {  	s10 =	smax.u32 s12, $0x1;
	s12 =	sshrl.u32 s30, $0x3;
	s15 =	simm.s32 $0x80  }
.LBB2_11:
0x11: {  	[bflag:$0x0] =	sbarrier.arrive $0xFFFF  }
0x12: {  	[bflag:$0x0] =	sbarrier.arrive $0xFFFF  }
.LBB2_9:
0x13: {  	s3 =	sadd.s32 $0x1, s3  }
0x14: {  	p1 =	sne.s32 s3, s10  }
.Ltmp1:
0x15: {  	_ = 	snop;
	(pc) =	sbr.rel @!p1 .LBB2_10-.Ltmp1, $1  }
0x16: {  	_ =	sdelay $0x3  }
.LBB2_1:
.Ltmp2:
0x17: {  	(pc) =	sbr.rel @p0 .LBB2_11-.Ltmp2, $1  }
0x18: {  	_ =	sdelay $0x3  }
0x19: {  	[spmem:s12], [sflag:s11] =	dma.local [hbm:s6], $0xEA6  }
0x1a: {  	_ =	swait.ge [sflag:s13], $0xEA6  }
0x1b: {  	[sflag:s13] =	ssyncset.done $0x0  }
0x1c: {  	[sflag:s13] =	ssyncadd.s32 $0xFFFFF15A  }
0x1d: {  	s22 =	simm.s32 $0x0;
	[bflag:$0x0] =	sbarrier.arrive $0xFFFF  }
0x1e: {  	[tilespmem:s22], [sflag:$0x2] =	stream.linear.gather [hbm4b:s7+s22], $0x180, $0x38;
	[tilespmem:$0xA860] =	vst v63  }
0x1f: {  	_ =	swait.ge [sflag:s13], $0x180  }
0x20: {  	[sflag:s13] =	ssyncset.done $0x0  }
0x21: {  	[sflag:s13] =	ssyncadd.s32 $0xFFFFFE80  }
0x22: {  	[tilespmem:s14], [sflag:$0x2] =	stream.linear.gather [hbm4b:s8+s22], $0x180, $0x38;
	[tilespmem:$0xA860] =	vst v63  }
0x23: {  	_ =	swait.ge [sflag:s13], $0x180  }
0x24: {  	[sflag:s13] =	ssyncset.done $0x0  }
0x25: {  	[sflag:s13] =	ssyncadd.s32 $0xFFFFFE80  }
0x26: {  	[tilespmem:s16], [sflag:$0x1] =	stream.indirect.gather [hbm4b:s4+s15], $0x30, s22, s15, $0xb8;
	[tilespmem:$0xA860] =	vst v63  }
0x27: {  	_ =	swait.ge [sflag:s17], $0x1800  }
0x28: {  	[sflag:s17] =	ssyncset.done $0x0  }
0x29: {  	[sflag:s17] =	ssyncadd.s32 $0xFFFFE800  }
0x2a: {  	[tilespmem:s18], [sflag:$0x1] =	stream.indirect.gather [hbm4b:s5+s15], $0x30, s22, s15, $0xb8;
	[tilespmem:$0xA860] =	vst v63  }
0x2b: {  	_ =	swait.ge [sflag:s17], $0x1800  }
0x2c: {  	[sflag:s17] =	ssyncset.done $0x0  }
0x2d: {  	s22 =	simm.s32 $0x0;
	[sflag:s17] =	ssyncadd.s32 $0xFFFFE800  }
0x2e: {  	v1 =	vld [tilespmem:s22+$0x1B00]  }
0x2f: {  	v2 =	vld [tilespmem:s22+$0x1B10]  }
0x30: {  	v0 =	vld [tilespmem:s22+$0x1B20]  }
0x31: {  	v3 =	vld [tilespmem:s22+$0x300]  }
0x32: {  	s23 =	simm.s32 $0xC0;
	v4 =	vld [tilespmem:s22+$0x310]  }
.LBB2_3:
0x33: {  	p1 =	sne.s32 s23, $0x5F40;
	v5 =	vld [tilespmem:s22+$0x320];
	_ =	sdelay $0x1  }
0x34: {  	s24 =	sshra.s32 s23, $0x2  }
.Ltmp3:
0x35: {  	v3 =	vadd.f32 v1, v3;
	v1 =	vld [tilespmem:s24+$0x1B00];
	(pc) =	sbr.rel @p1 .LBB2_3-.Ltmp3, $4  }
0x36: {  	v4 =	vadd.f32 v2, v4;
	v2 =	vld [tilespmem:s24+$0x1B10]  }
0x37: {  	[tilespmem:s22+$0x300] =	vst v3;
	v5 =	vadd.f32 v0, v5;
	v0 =	vld [tilespmem:s24+$0x1B20]  }
0x38: {  	v3 =	vld [tilespmem:s24+$0x300];
	[tilespmem:s22+$0x310] =	vst v4  }
0x39: {  	s23 =	sadd.s32 $0xC0, s23;
	v4 =	vld [tilespmem:s24+$0x310];
	[tilespmem:s22+$0x320] =	vst v5;
	s22 =	smov.u32 s24  }
0x3a: {  	v5 =	vld [tilespmem:s22+$0x320];
	_ =	sdelay $0x2  }
0x3b: {  	v1 =	vadd.f32 v1, v3  }
0x3c: {  	v2 =	vadd.f32 v2, v4  }
0x3d: {  	[tilespmem:s22+$0x300] =	vst v1;
	v0 =	vadd.f32 v0, v5  }
0x3e: {  	[tilespmem:s22+$0x310] =	vst v2  }
0x3f: {  	[tilespmem:s22+$0x320] =	vst v0  }
0x40: {  	[spmem:s2] =	stream.indirect.scatter [tilespmem:s16], [sflag:$0x2], $0x30, s14, s15, $0xb8;
	[tilespmem:$0xA860] =	vst v63  }
0x41: {  	_ =	swait.ge [sflag:s13], $0x1800  }
0x42: {  	[sflag:s13] =	ssyncset.done $0x0  }
0x43: {  	[sflag:s13] =	ssyncadd.s32 $0xFFFFE800  }
0x44: {  	[tilespmem:s16], [sflag:$0x1] =	stream.indirect.gather [hbm4b:s4+s15], $0x30, s15, s15, $0xb8;
	[tilespmem:$0xA860] =	vst v63  }
0x45: {  	_ =	swait.ge [sflag:s17], $0x1800  }
0x46: {  	[sflag:s17] =	ssyncset.done $0x0  }
0x47: {  	[sflag:s17] =	ssyncadd.s32 $0xFFFFE800  }
0x48: {  	[tilespmem:s18], [sflag:$0x1] =	stream.indirect.gather [hbm4b:s5+s15], $0x30, s15, s15, $0xb8;
	[tilespmem:$0xA860] =	vst v63  }
0x49: {  	_ =	swait.ge [sflag:s17], $0x1800  }
0x4a: {  	[sflag:s17] =	ssyncset.done $0x0  }
0x4b: {  	s22 =	simm.s32 $0x0;
	[sflag:s17] =	ssyncadd.s32 $0xFFFFE800  }
0x4c: {  	v1 =	vld [tilespmem:s22+$0x1B00]  }
0x4d: {  	v2 =	vld [tilespmem:s22+$0x1B10]  }
0x4e: {  	v0 =	vld [tilespmem:s22+$0x1B20]  }
0x4f: {  	v3 =	vld [tilespmem:s22+$0x300]  }
0x50: {  	s23 =	simm.s32 $0xC0;
	v4 =	vld [tilespmem:s22+$0x310]  }
.LBB2_5:
0x51: {  	p1 =	sne.s32 s23, $0x5F40;
	v5 =	vld [tilespmem:s22+$0x320];
	_ =	sdelay $0x1  }
0x52: {  	s24 =	sshra.s32 s23, $0x2  }
.Ltmp4:
0x53: {  	v3 =	vadd.f32 v1, v3;
	v1 =	vld [tilespmem:s24+$0x1B00];
	(pc) =	sbr.rel @p1 .LBB2_5-.Ltmp4, $4  }
0x54: {  	v4 =	vadd.f32 v2, v4;
	v2 =	vld [tilespmem:s24+$0x1B10]  }
0x55: {  	[tilespmem:s22+$0x300] =	vst v3;
	v5 =	vadd.f32 v0, v5;
	v0 =	vld [tilespmem:s24+$0x1B20]  }
0x56: {  	v3 =	vld [tilespmem:s24+$0x300];
	[tilespmem:s22+$0x310] =	vst v4  }
0x57: {  	s23 =	sadd.s32 $0xC0, s23;
	v4 =	vld [tilespmem:s24+$0x310];
	[tilespmem:s22+$0x320] =	vst v5;
	s22 =	smov.u32 s24  }
0x58: {  	v5 =	vld [tilespmem:s22+$0x320];
	_ =	sdelay $0x2  }
0x59: {  	v1 =	vadd.f32 v1, v3  }
0x5a: {  	v2 =	vadd.f32 v2, v4  }
0x5b: {  	[tilespmem:s22+$0x300] =	vst v1;
	v0 =	vadd.f32 v0, v5  }
0x5c: {  	[tilespmem:s22+$0x310] =	vst v2  }
0x5d: {  	[tilespmem:s22+$0x320] =	vst v0  }
0x5e: {  	[spmem:s2] =	stream.indirect.scatter [tilespmem:s16], [sflag:$0x2], $0x30, s19, s15, $0xb8;
	[tilespmem:$0xA860] =	vst v63  }
0x5f: {  	_ =	swait.ge [sflag:s13], $0x1800  }
0x60: {  	[sflag:s13] =	ssyncset.done $0x0  }
0x61: {  	[sflag:s13] =	ssyncadd.s32 $0xFFFFE800  }
0x62: {  	[tilespmem:s16], [sflag:$0x1] =	stream.indirect.gather [hbm4b:s4+s15], $0x30, s20, s15, $0xb8;
	[tilespmem:$0xA860] =	vst v63  }
0x63: {  	_ =	swait.ge [sflag:s17], $0x1800  }
0x64: {  	[sflag:s17] =	ssyncset.done $0x0  }
0x65: {  	[sflag:s17] =	ssyncadd.s32 $0xFFFFE800  }
0x66: {  	[tilespmem:s18], [sflag:$0x1] =	stream.indirect.gather [hbm4b:s5+s15], $0x30, s20, s15, $0xb8;
	[tilespmem:$0xA860] =	vst v63  }
0x67: {  	_ =	swait.ge [sflag:s17], $0x1800  }
0x68: {  	[sflag:s17] =	ssyncset.done $0x0  }
0x69: {  	s22 =	simm.s32 $0x0;
	[sflag:s17] =	ssyncadd.s32 $0xFFFFE800  }
0x6a: {  	v1 =	vld [tilespmem:s22+$0x1B00]  }
0x6b: {  	v2 =	vld [tilespmem:s22+$0x1B10]  }
0x6c: {  	v0 =	vld [tilespmem:s22+$0x1B20]  }
0x6d: {  	v3 =	vld [tilespmem:s22+$0x300]  }
0x6e: {  	s23 =	simm.s32 $0xC0;
	v4 =	vld [tilespmem:s22+$0x310]  }
.LBB2_7:
0x6f: {  	p1 =	seq.s32 s23, $0x5F40;
	v5 =	vld [tilespmem:s22+$0x320];
	_ =	sdelay $0x1  }
0x70: {  	s24 =	sshra.s32 s23, $0x2  }
.Ltmp5:
0x71: {  	v3 =	vadd.f32 v1, v3;
	v1 =	vld [tilespmem:s24+$0x1B00];
	(pc) =	sbr.rel @!p1 .LBB2_7-.Ltmp5, $4  }
0x72: {  	v4 =	vadd.f32 v2, v4;
	v2 =	vld [tilespmem:s24+$0x1B10]  }
0x73: {  	[tilespmem:s22+$0x300] =	vst v3;
	v5 =	vadd.f32 v0, v5;
	v0 =	vld [tilespmem:s24+$0x1B20]  }
0x74: {  	v3 =	vld [tilespmem:s24+$0x300];
	[tilespmem:s22+$0x310] =	vst v4  }
0x75: {  	s23 =	sadd.s32 $0xC0, s23;
	v4 =	vld [tilespmem:s24+$0x310];
	[tilespmem:s22+$0x320] =	vst v5;
	s22 =	smov.u32 s24  }
0x76: {  	v5 =	vld [tilespmem:s22+$0x320];
	_ =	sdelay $0x2  }
0x77: {  	v1 =	vadd.f32 v1, v3  }
0x78: {  	v2 =	vadd.f32 v2, v4  }
0x79: {  	[tilespmem:s22+$0x300] =	vst v1;
	v0 =	vadd.f32 v0, v5  }
0x7a: {  	[tilespmem:s22+$0x310] =	vst v2  }
0x7b: {  	[tilespmem:s22+$0x320] =	vst v0  }
0x7c: {  	[spmem:s2] =	stream.indirect.scatter [tilespmem:s16], [sflag:$0x2], $0x30, s21, s15, $0xb8;
	[tilespmem:$0xA860] =	vst v63  }
0x7d: {  	_ =	swait.ge [sflag:s13], $0x1800  }
0x7e: {  	[sflag:s13] =	ssyncset.done $0x0  }
0x7f: {  	[sflag:s13] =	ssyncadd.s32 $0xFFFFE800  }
.Ltmp6:
0x80: {  	[bflag:$0x0] =	sbarrier.arrive $0xFFFF;
	(pc) =	sbr.rel .LBB2_9-.Ltmp6, $4  }
0x81: {  	[hbm:s9], [sflag:s11] =	dma.local [spmem:s12], $0xEA6  }
0x82: {  	_ =	swait.ge [sflag:s13], $0xEA6  }
0x83: {  	[sflag:s13] =	ssyncset.done $0x0  }
0x84: {  	[sflag:s13] =	ssyncadd.s32 $0xFFFFF15A  }
.LBB2_10:
0x85: {  	_ =	sfence.sel $0x180000  }
0x86: {  	[bflag:$0x0] =	sbarrier.arrive $0xFFFF  }
0x87: {  	p0 =	sne.s32 s1, $0x0;
	_ =	strace $0x90000047  }
0x88: {  	s0 =	sadd.s32 @!p0 $0x100000, s0;
	[bflag:$0x2] =	sbarrier.arrive $0xFFFF  }
0x89: {  	[sflag:s0] =	ssyncadd.tile.s32 @!p0 $0x1;
	_ =	shalt  }
.Lfunc_end2:
_tile_overlayer_lowered:
.L_overlay_start_2:
0x8a: {  	(tag) =	ssettag $0x2  }
0x8b: {  	s0 =	rddreg [dreg:$0x0];
	s2 =	stileid.u32  }
0x8c: {  	s1 =	rddreg [dreg:$0x1];
	p0 =	sne.s32 s2, $0x0  }
0x8d: {  	s3 =	rddreg [dreg:$0x2];
	[bflag:$0x3] =	sbarrier.arrive $0xFFFF;
	s2 =	simm.s32 @!p0 $0x1C02  }
0x8e: {  	[timem:s3], [sflag:s2] =	dma.local @!p0 [hbm:s0], s1  }
0x8f: {  	s0 =	simm.s32 @!p0 $0x2  }
0x90: {  	_ =	swait.ge @!p0 [sflag:s0], s1  }
0x91: {  	s1 =	ssub.s32 @!p0 $0x0, s1;
	[sflag:s0] =	ssyncset.done @!p0 $0x0  }
0x92: {  	[sflag:s0] =	ssyncadd.s32 @!p0 s1  }
0x93: {  	[bflag:$0x3] =	sbarrier.arrive $0xFFFF  }
0x94: {  	_ =	shalt  }

// kernel: kernel.13.cloned.1.call-start
scs
__scs_entry_jumppad:
0x0: {  	(pc) =	sbr.rel $0x88, $3  }
0x1: {  	(tag) =	ssettag $0x0;
	lr =	simm.s32 $0x1  }
0x2: {  	[smem:$0x3F9C] =	sst lr;
	_ =	strace $0xD0000000  }
0x3: {  	_ = 	snop  }
0x4: {  	_ = 	snop  }
0x5: {  	_ = 	snop  }
0x6: {  	_ = 	snop  }
0x7: {  	_ = 	snop  }
__scs_overlays_trampoline_lowered:
0x8: {  	[smem:$0x3FAB] =	sst s0  }
0x9: {  	[smem:$0x3FAC] =	sst s1  }
0xa: {  	[smem:$0x3FAD] =	sst s2  }
0xb: {  	[smem:$0x3FAE] =	sst s3  }
0xc: {  	[smem:$0x3FAF] =	sst s4  }
0xd: {  	[smem:$0x3FB0] =	sst s5  }
0xe: {  	[smem:$0x3FB1] =	sst s6  }
0xf: {  	[smem:$0x3FB2] =	sst s7  }
0x10: {  	[smem:$0x3FB3] =	sst s8  }
0x11: {  	[smem:$0x3FB4] =	sst s9;
	s0 =	simm.s32 @!p0 $0x0  }
0x12: {  	s1 =	sld [smem:$0x3F9A];
	s0 =	simm.s32 @p0 $0x1  }
0x13: {  	[smem:$0x3FB5] =	sst s0;
	s0 =	simm.s32 @!p1 $0x0  }
0x14: {  	s2 =	sld [smem:$0x3F99];
	s0 =	simm.s32 @p1 $0x1  }
0x15: {  	[smem:$0x3FB6] =	sst s0;
	s0 =	simm.s32 @!p2 $0x0  }
0x16: {  	s3 =	sld [smem:$0x3FDB];
	s0 =	simm.s32 @p2 $0x1  }
0x17: {  	s4 =	simm.s32 $0x1BF5;
	[smem:$0x3FB8] =	sst s0  }
0x18: {  	s0 =	sld [smem:$0x3F9B];
	_ =	swait.ge [sflag:s4], $0x0  }
0x19: {  	s7 =	sld [smem:$0x3F9C]  }
0x1a: {  	s8 =	sadd.s32 $0xFFFFE003, lr  }
0x1b: {  	s9 =	sadd.s32 $0xFFFFFEF7, lr;
	s5 =	simm.s32 $0xFFFFFFFF;
	p2 =	slt.u32 s8, $0xFFFFF086  }
0x1c: {  	p1 =	slt.u32 s9, $0xF7A;
	s5 =	simm.s32 @!p2 $0x0  }
0x1d: {  	s5 =	simm.s32 @p1 $0x1;
	p0 =	seq.s32 s7, s2  }
0x1e: {  	s7 =	smul.u32 @!p0 $0xF7A, s2;
	p2 =	seq.s32 @!p0 s5, $0x0  }
0x1f: {  	s9 =	smul.u32 $0xF7A, s1;
	s8 =	simm.s32 @!p0 $0x1BF5;
	p2 =	por !p2, p0  }
0x20: {  	[sflag:s8] =	ssyncset.s32 @!p0 $0xFFFFF086;
	s6 =	sadd.s32 @!p0 s3, s7;
	s7 =	simm.s32 @!p0 $0x108  }
0x21: {  	s3 =	sadd.s32 s3, s9;
	s6 =	sadd.s32 @!p0 $0x88, s6;
	s7 =	simm.s32 @p2 $0x1082  }
0x22: {  	[simem:s7], [sflag:s8] =	dma.local @!p0 [hbm:s6], $0xF7A  }
0x23: {  	s9 =	sor.u32 $0xD0000000, s2;
	s6 =	simm.s32 $0x108;
	_ =	swait.ge @!p0 [sflag:s8], $0x0  }
0x24: {  	s3 =	sadd.s32 $0x88, s3;
	s6 =	simm.s32 @!p1 $0x1082;
	[sflag:s4] =	ssyncset.s32 $0xFFFFF086  }
0x25: {  	[simem:s6], [sflag:s4] =	dma.local [hbm:s3], $0xF7A  }
0x26: {  	[smem:$0x3F9C] =	sst s1;
	(tag) =	ssettag s2;
	_ =	strace s9  }
0x27: {  	s1 =	sld [smem:$0x3FAC]  }
0x28: {  	s2 =	sld [smem:$0x3FAD]  }
0x29: {  	s4 =	sld [smem:$0x3FAF]  }
0x2a: {  	p0 =	seq.s32 s5, $0x0;
	s5 =	sld [smem:$0x3FB0]  }
0x2b: {  	s6 =	sld [smem:$0x3FB1]  }
0x2c: {  	s7 =	sld [smem:$0x3FB2]  }
0x2d: {  	s3 =	simm.s32 $0x108;
	s8 =	sld [smem:$0x3FB3]  }
0x2e: {  	s3 =	simm.s32 @!p0 $0x1082;
	s9 =	sld [smem:$0x3FB4]  }
0x2f: {  	lr =	sadd.s32 s0, s3;
	s0 =	sld [smem:$0x3FAB]  }
0x30: {  	s3 =	sld [smem:$0x3FAE]  }
0x31: {  	[smem:$0x3FB7] =	sst s10  }
0x32: {  	s10 =	sld [smem:$0x3FB5];
	_ =	sdelay $0x3  }
0x33: {  	p0 =	seq.s32 s10, $0x1;
	s10 =	sld [smem:$0x3FB7];
	_ =	sdelay $0x3  }
0x34: {  	[smem:$0x3FB7] =	sst s10  }
0x35: {  	s10 =	sld [smem:$0x3FB6];
	_ =	sdelay $0x3  }
0x36: {  	p1 =	seq.s32 s10, $0x1;
	s10 =	sld [smem:$0x3FB7];
	_ =	sdelay $0x3  }
0x37: {  	[smem:$0x3FB7] =	sst s10  }
0x38: {  	s10 =	sld [smem:$0x3FB8]  }
0x39: {  	_ = 	snop;
	(pc) =	sbr.ind lr, $3  }
0x3a: {  	_ = 	snop  }
0x3b: {  	_ = 	snop  }
0x3c: {  	p2 =	seq.s32 s10, $0x1;
	s10 =	sld [smem:$0x3FB7]  }
0x3d: {  	_ =	shalt  }
0x3e: {  	_ =	shalt  }
0x3f: {  	_ =	shalt  }
0x40: {  	_ =	shalt  }
0x41: {  	_ =	shalt  }
0x42: {  	_ =	shalt  }
0x43: {  	_ =	shalt  }
0x44: {  	_ =	shalt  }
0x45: {  	_ =	shalt  }
0x46: {  	_ =	shalt  }
0x47: {  	_ =	shalt  }
0x48: {  	_ =	shalt  }
0x49: {  	_ =	shalt  }
0x4a: {  	_ =	shalt  }
0x4b: {  	_ =	shalt  }
0x4c: {  	_ =	shalt  }
0x4d: {  	_ =	shalt  }
0x4e: {  	_ =	shalt  }
0x4f: {  	_ =	shalt  }
0x50: {  	_ =	shalt  }
0x51: {  	_ =	shalt  }
0x52: {  	_ =	shalt  }
0x53: {  	_ =	shalt  }
0x54: {  	_ =	shalt  }
0x55: {  	_ =	shalt  }
0x56: {  	_ =	shalt  }
0x57: {  	_ =	shalt  }
0x58: {  	_ =	shalt  }
0x59: {  	_ =	shalt  }
0x5a: {  	_ =	shalt  }
0x5b: {  	_ =	shalt  }
0x5c: {  	_ =	shalt  }
0x5d: {  	_ =	shalt  }
0x5e: {  	_ =	shalt  }
0x5f: {  	_ =	shalt  }
0x60: {  	_ =	shalt  }
0x61: {  	_ =	shalt  }
0x62: {  	_ =	shalt  }
0x63: {  	_ =	shalt  }
0x64: {  	_ =	shalt  }
0x65: {  	_ =	shalt  }
0x66: {  	_ =	shalt  }
0x67: {  	_ =	shalt  }
0x68: {  	_ =	shalt  }
0x69: {  	_ =	shalt  }
0x6a: {  	_ =	shalt  }
0x6b: {  	_ =	shalt  }
0x6c: {  	_ =	shalt  }
0x6d: {  	_ =	shalt  }
0x6e: {  	_ =	shalt  }
0x6f: {  	_ =	shalt  }
0x70: {  	_ =	shalt  }
0x71: {  	_ =	shalt  }
0x72: {  	_ =	shalt  }
0x73: {  	_ =	shalt  }
0x74: {  	_ =	shalt  }
0x75: {  	_ =	shalt  }
0x76: {  	_ =	shalt  }
0x77: {  	_ =	shalt  }
0x78: {  	_ =	shalt  }
0x79: {  	_ =	shalt  }
0x7a: {  	_ =	shalt  }
0x7b: {  	_ =	shalt  }
0x7c: {  	_ =	shalt  }
0x7d: {  	_ =	shalt  }
0x7e: {  	_ =	shalt  }
0x7f: {  	_ =	shalt  }
0x80: {  	_ =	shalt  }
0x81: {  	_ =	shalt  }
0x82: {  	_ =	shalt  }
0x83: {  	_ =	shalt  }
0x84: {  	_ =	shalt  }
0x85: {  	_ =	shalt  }
0x86: {  	_ =	shalt  }
0x87: {  	_ =	shalt  }
.Lfunc_end0:
.L_simem_size_0:
called_computation.1_lowered:
.L_overlay_start_0:
0x88: {  	s2 =	sld [smem:$0x3FD9]  }
0x89: {  	s3 =	sld [smem:$0x3FFE];
	_ =	sdelay $0x1  }
0x8a: {  	s1 =	srdreg.scid  }
0x8b: {  	s0 =	sand.u32 $0x1, s1  }
0x8c: {  	s16 =	sshll.u32 s0, $0xA;
	s2 =	sadd.s32 s3, s2  }
0x8d: {  	s2 =	sadd.s32 s2, s16  }
0x8e: {  	[smem:$0x3FC3] =	sst s2  }
0x8f: {  	_ = 	snop  }
0x90: {  	(tm) =	ssettm $0x1  }
0x91: {  	s17 =	sld [smem:$0x3FFB];
	_ =	sdelay $0x3  }
0x92: {  	_ =	strace s17  }
0x93: {  	s2 =	sld [smem:$0x3FFC];
	_ =	sdelay $0x3  }
0x94: {  	_ =	strace s2  }
0x95: {  	s2 =	sld [smem:$0x3FFD];
	_ =	sdelay $0x3  }
0x96: {  	_ =	strace s2  }
0x97: {  	_ =	strace $0x8FFFFFFF  }
0x98: {  	s18 =	sld [smem:$0x3FDB];
	_ =	sdelay $0x1  }
0x99: {  	s19 =	simm.s32 $_scs_section_size  }
0x9a: {  	s4 =	simm.s32 $_size__tile_overlayer_lowered;
	s5 =	simm.s32 $_tile_overlayer_lowered  }
0x9b: {  	s22 =	simm.s32 $0x1BFF;
	s21 =	sshll.u32 s5, $0x1;
	s2 =	sadd.s32 s19, s18  }
0x9c: {  	s6 =	simm.s32 $0x0;
	s20 =	sshll.u32 s4, $0x1;
	s4 =	sadd.s32 s21, s2  }
0x9d: {  	[timem:s6], [sflag:s22] =	dma.local [hbm:s4], s20  }
0x9e: {  	_ =	swait.ge [sflag:s22], s20  }
0x9f: {  	s3 =	ssub.s32 $0x0, s20;
	[sflag:s22] =	ssyncset.done $0x0  }
0xa0: {  	[sflag:s22] =	ssyncadd.s32 s3;
	_ =	sdelay $0x1  }
0xa1: {  	s23 =	simm.s32 $0x1B8B  }
0xa2: {  	_ =	swait.ge [sflag:s23], $0x1  }
0xa3: {  	[sflag:s23] =	ssyncset.done $0x0  }
0xa4: {  	s25 =	simm.s32 $0x1B8E;
	s24 =	sld [smem:$0x3FFE];
	[sflag:s23] =	ssyncadd.s32 $0xFFFFFFFF  }
0xa5: {  	s26 =	simm.s32 $execute0_lowered;
	[smem:$0x3FD2] =	sst s25  }
0xa6: {  	s4 =	sshll.u32 s26, $0x1;
	_ =	strace $0x80000049;
	[dreg:$0x1] =	wrdreg $0xFFFFFFFF  }
0xa7: {  	s28 =	simm.s32 $_size_execute0_lowered;
	s2 =	sadd.s32 s2, s4;
	[dreg:$0x0] =	wrdreg $0x0  }
0xa8: {  	s4 =	sshll.u32 s28, $0x1;
	[dreg:$0x2] =	wrdreg s2  }
0xa9: {  	[dreg:$0x3] =	wrdreg s4  }
0xaa: {  	[dreg:$0x4] =	wrdreg $0xC0  }
0xab: {  	_ =	task [dreg:s6], $0x5FFFF  }
0xac: {  	[dreg:$0x1] =	wrdreg $0xFFFFFFFF  }
0xad: {  	[dreg:$0x0] =	wrdreg $0x60  }
0xae: {  	[dreg:$0x2] =	wrdreg s24  }
0xaf: {  	[dreg:$0x3] =	wrdreg $0x118000  }
0xb0: {  	[dreg:$0x4] =	wrdreg $0xA0000  }
0xb1: {  	[dreg:$0x5] =	wrdreg $0x9  }
0xb2: {  	_ =	task.clear_ibuf [dreg:s6], $0x6FFFF;
	_ =	strace $0x90000049  }
0xb3: {  	s29 =	simm.s32 $0x9;
	_ =	strace $0x8000004B  }
0xb4: {  	_ =	swait.ge [sflag:s29], $0x1  }
0xb5: {  	[sflag:s29] =	ssyncadd.s32 $0xFFFFFFFF  }
0xb6: {  	_ =	strace $0x9000004B  }
0xb7: {  	_ =	sfence  }
0xb8: {  	s30 =	sld [smem:$0x0];
	_ =	sdelay $0x2  }
0xb9: {  	s31 =	sshll.u32 s1, $0xD;
	s1 =	sshrl.u32 s1, $0x2  }
0xba: {  	s3 =	sand.u32 $0x4000, s31;
	s1 =	sadd.s32 s1, s30  }
0xbb: {  	s0 =	sor.u32 s3, s0;
	s1 =	sshll.u32 s1, $0x11  }
0xbc: {  	s0 =	sor.u32 s1, s0  }
0xbd: {  	s0 =	sadd.s32 $0x8F2B, s0  }
0xbe: {  	[sflag:s0] =	ssyncadd.remote.s32 $0x1  }
0xbf: {  	_ =	sfence.sel $0xFFFF  }
0xc0: {  	[dreg:$0x0] =	wrdreg $0xFFFFFFFF;
	(pc) =	sbr.abs _section_cstart, $3  }
0xc1: {  	[dreg:$0x1] =	wrdreg $0xFFFFFFFF  }
0xc2: {  	_ =	task.clear_ibuf [dreg:s6], $0x2FFFF;
	_ =	strace $0x9FFFFFFF  }
0xc3: {  	(tm) =	ssettm $0x7FFFFFFF  }
tec
execute0_lowered:
.L_overlay_start_1:
0x0: {  	(tag) =	ssettag $0x1  }
0x1: {  	s5 =	rddreg [dreg:$0x0]  }
0x2: {  	s2 =	rddreg [dreg:$0x1];
	s0 =	stileid.u32  }
0x3: {  	s1 =	srdreg.scid;
	s3 =	rddreg [dreg:$0x2]  }
0x4: {  	s4 =	simm.s32 $0x0;
	s18 =	simm.s32 $0x3;
	s19 =	simm.s32 $0x1E00  }
0x5: {  	s20 =	simm.s32 $0x4700;
	s21 =	simm.s32 $0x80;
	s6 =	smul.u32 $0x7530, s0  }
0x6: {  	s22 =	simm.s32 $0x7000;
	s23 =	simm.s32 $0x8800;
	s12 =	smul.u32 $0x7800, s0  }
0x7: {  	s24 =	simm.s32 $0x1;
	s28 =	simm.s32 $0x0;
	s26 =	smul.u32 $0x2600, s0  }
0x8: {  	s7 =	sand.u32 $0x1, s1;
	[smem:$0x7FF] =	sst s4;
	s29 =	smul.u32 $0x520, s0  }
0x9: {  	s11 =	sadd.s32 $0x5F400, s5;
	s14 =	sadd.s32 $0x55600, s5;
	s16 =	smul.u32 $0x1E000, s0  }
0xa: {  	s25 =	sshll.u32 s0, $0x6;
	s8 =	smul.u32 $0x78000, s7;
	_ =	strace $0x8000004A  }
0xb: {  	s10 =	ssub.s32 $0x2, s7;
	p0 =	seq.s32 s7, $0x1;
	s9 =	sshrl.u32 s6, $0x3  }
0xc: {  	s13 =	sshrl.u32 s10, $0x1;
	s17 =	sadd.s32 s6, s2;
	s6 =	sor.u32 $0x1C03, s25  }
0xd: {  	s30 =	sshrl.u32 s26, $0x3;
	s7 =	sadd.s32 s11, s29;
	s31 =	sshrl.u32 s16, $0x2  }
0xe: {  	s25 =	sadd.s32 s12, s3;
	s26 =	simm.s32 $0x2;
	s9 =	sadd.s32 s9, s5  }
0xf: {  	s8 =	sadd.s32 s12, s8;
	s13 =	ssub.s32 s10, s13;
	s10 =	sadd.s32 $0x5200, s30  }
.Ltmp0:
0x10: {  	s12 =	sadd.s32 s31, s3;
	s17 =	sshrl.u32 s17, $0x3;
	(pc) =	sbr.rel .LBB2_1-.Ltmp0, $4  }
0x11: {  	s25 =	sshrl.u32 s25, $0x3;
	s8 =	sshrl.u32 s8, $0x3;
	s13 =	smax.u32 s13, $0x1  }
0x12: {  	s16 =	sadd.s32 $0x5A00, s12;
	s15 =	sadd.s32 s8, s5;
	s5 =	sadd.s32 $0x46A00, s9  }
0x13: {  	s8 =	sadd.s32 s14, s29;
	s9 =	sadd.s32 s11, s10;
	s10 =	sadd.s32 s14, s10  }
0x14: {  	v0 =	vimm.f32 $0.0e+00;
	s14 =	sadd.s32 $0x1E00, s12;
	s11 =	sadd.s32 $0x69200, s15;
	s15 =	sadd.s32 $0x3C00, s12  }
.LBB2_6:
0x15: {  	s0 =	sadd.s32 $0x1E00, s29;
	[sflag:s18] =	ssyncadd.s32 $0xFFFFE800  }
0x16: {  	[tilespmem:s22], [sflag:$0x1] =	stream.indirect.gather [spmem:s2], $0x30, s0, s21, $0xb8;
	[tilespmem:$0x18D30] =	vst v63  }
0x17: {  	s1 =	sadd.s32 $0x1E80, s29  }
0x18: {  	[tilespmem:s23], [sflag:$0x2] =	stream.indirect.gather [spmem:s2], $0x30, s1, s21, $0xb8;
	[tilespmem:$0x18D30] =	vst v63  }
0x19: {  	_ =	swait.ge [sflag:s24], $0x1800  }
0x1a: {  	[sflag:s24] =	ssyncset.done $0x0  }
0x1b: {  	s30 =	sadd.s32 $0x4700, s29;
	[sflag:s24] =	ssyncadd.s32 $0xFFFFE800  }
0x1c: {  	[spmem:s3] =	stream.indirect.scatter.add.f32 [tilespmem:s22], [sflag:$0x3], $0x30, s30, s21, $0xb8;
	[tilespmem:$0x18D30] =	vst v63  }
0x1d: {  	_ =	swait.ge [sflag:s18], $0x1800  }
0x1e: {  	[sflag:s18] =	ssyncset.done $0x0  }
0x1f: {  	[sflag:s18] =	ssyncadd.s32 $0xFFFFE800  }
0x20: {  	_ =	swait.ge [sflag:s26], $0x1800  }
0x21: {  	[sflag:s26] =	ssyncset.done $0x0  }
0x22: {  	s31 =	sadd.s32 $0x4780, s29;
	[sflag:s26] =	ssyncadd.s32 $0xFFFFE800  }
0x23: {  	[spmem:s3] =	stream.indirect.scatter.add.f32 [tilespmem:s23], [sflag:$0x3], $0x30, s31, s21, $0xb8;
	[tilespmem:$0x18D30] =	vst v63  }
0x24: {  	_ =	swait.ge [sflag:s18], $0x1800  }
0x25: {  	[sflag:s18] =	ssyncset.done $0x0  }
0x26: {  	[sflag:s18] =	ssyncadd.s32 $0xFFFFE800  }
.LBB2_10:
0x27: {  	s28 =	sadd.s32 $0x1, s28  }
0x28: {  	p1 =	sne.s32 s28, s13  }
.Ltmp1:
0x29: {  	[bflag:$0x0] =	sbarrier.arrive $0xFFFF;
	(pc) =	sbr.rel @!p1 .LBB2_11-.Ltmp1, $4  }
0x2a: {  	[hbm:s11], [sflag:s6] =	dma.local [spmem:s25], $0xF00  }
0x2b: {  	_ =	swait.ge [sflag:s18], $0xF00  }
0x2c: {  	[sflag:s18] =	ssyncset.done $0x0  }
0x2d: {  	[sflag:s18] =	ssyncadd.s32 $0xFFFFF100  }
.LBB2_1:
0x2e: {  	[spmem:s17], [sflag:s6] =	dma.local [hbm:s5], $0xEA6  }
0x2f: {  	_ =	swait.ge [sflag:s18], $0xEA6  }
0x30: {  	[sflag:s18] =	ssyncset.done $0x0  }
0x31: {  	s29 =	simm.s32 $0xC0;
	s30 =	simm.s32 $0x0;
	[sflag:s18] =	ssyncadd.s32 $0xFFFFF15A  }
.LBB2_2:
0x32: {  	p1 =	sne.s32 s29, $0x7740;
	[tilespmem:s30+$0x20] =	vst v0;
	s31 =	smov.u32 s29;
	s29 =	sadd.s32 $0xC0, s29  }
.Ltmp2:
0x33: {  	[tilespmem:s30+$0x0] =	vst v0;
	(pc) =	sbr.rel @p1 .LBB2_2-.Ltmp2, $2  }
0x34: {  	[tilespmem:s30+$0x10] =	vst v0;
	_ =	sdelay $0x2  }
0x35: {  	s30 =	sshra.s32 s31, $0x2  }
0x36: {  	[tilespmem:s30+$0x20] =	vst v0  }
0x37: {  	[tilespmem:s30+$0x0] =	vst v0  }
0x38: {  	[tilespmem:s30+$0x10] =	vst v0  }
0x39: {  	[spmem:s12] =	stream.linear.scatter [tilespmem:s4], [sflag:$0x3], $0x1E00, $0x38;
	[tilespmem:$0x18D30] =	vst v63  }
0x3a: {  	_ =	swait.ge [sflag:s18], $0x1E00  }
0x3b: {  	[sflag:s18] =	ssyncset.done $0x0  }
0x3c: {  	[sflag:s18] =	ssyncadd.s32 $0xFFFFE200  }
0x3d: {  	[spmem:s14] =	stream.linear.scatter [tilespmem:s4], [sflag:$0x3], $0x1E00, $0x38;
	[tilespmem:$0x18D30] =	vst v63  }
0x3e: {  	_ =	swait.ge [sflag:s18], $0x1E00  }
0x3f: {  	[sflag:s18] =	ssyncset.done $0x0  }
0x40: {  	[sflag:s18] =	ssyncadd.s32 $0xFFFFE200  }
0x41: {  	[spmem:s15] =	stream.linear.scatter [tilespmem:s4], [sflag:$0x3], $0x1E00, $0x38;
	[tilespmem:$0x18D30] =	vst v63  }
0x42: {  	_ =	swait.ge [sflag:s18], $0x1E00  }
0x43: {  	[sflag:s18] =	ssyncset.done $0x0  }
.Ltmp3:
0x44: {  	[sflag:s18] =	ssyncadd.s32 $0xFFFFE200;
	(pc) =	sbr.rel @!p0 .LBB2_4-.Ltmp3, $4  }
0x45: {  	[spmem:s16] =	stream.linear.scatter [tilespmem:s4], [sflag:$0x3], $0x1E00, $0x38;
	[tilespmem:$0x18D30] =	vst v63  }
0x46: {  	_ =	swait.ge [sflag:s18], $0x1E00  }
0x47: {  	[sflag:s18] =	ssyncset.done $0x0  }
0x48: {  	[sflag:s18] =	ssyncadd.s32 $0xFFFFE200  }
0x49: {  	s0 =	simm.s32 $0x0  }
0x4a: {  	[tilespmem:s19], [sflag:$0x3] =	stream.linear.gather [hbm4b:s9+s0], $0x2600, $0x38;
	[tilespmem:$0x18D30] =	vst v63  }
0x4b: {  	_ =	swait.ge [sflag:s18], $0x2600  }
0x4c: {  	[sflag:s18] =	ssyncset.done $0x0  }
0x4d: {  	[sflag:s18] =	ssyncadd.s32 $0xFFFFDA00  }
0x4e: {  	[tilespmem:s20], [sflag:$0x3] =	stream.linear.gather [hbm4b:s10+s0], $0x2600, $0x38;
	[tilespmem:$0x18D30] =	vst v63  }
0x4f: {  	_ =	swait.ge [sflag:s18], $0x2600  }
0x50: {  	[sflag:s18] =	ssyncset.done $0x0  }
0x51: {  	[sflag:s18] =	ssyncadd.s32 $0xFFFFDA00  }
0x52: {  	s1 =	simm.s32 $0x1E00;
	[bflag:$0x0] =	sbarrier.arrive $0xFFFF  }
0x53: {  	[tilespmem:s22], [sflag:$0x1] =	stream.indirect.gather [spmem:s2], $0x30, s1, s21, $0xb8;
	[tilespmem:$0x18D30] =	vst v63  }
0x54: {  	s31 =	simm.s32 $0x1E80  }
0x55: {  	[tilespmem:s23], [sflag:$0x2] =	stream.indirect.gather [spmem:s2], $0x30, s31, s21, $0xb8;
	[tilespmem:$0x18D30] =	vst v63  }
0x56: {  	_ =	swait.ge [sflag:s24], $0x1800  }
0x57: {  	[sflag:s24] =	ssyncset.done $0x0  }
0x58: {  	s1 =	simm.s32 $0x4700;
	[sflag:s24] =	ssyncadd.s32 $0xFFFFE800  }
0x59: {  	[spmem:s3] =	stream.indirect.scatter.add.f32 [tilespmem:s22], [sflag:$0x3], $0x30, s1, s21, $0xb8;
	[tilespmem:$0x18D30] =	vst v63  }
0x5a: {  	_ =	swait.ge [sflag:s18], $0x1800  }
0x5b: {  	[sflag:s18] =	ssyncset.done $0x0  }
0x5c: {  	[sflag:s18] =	ssyncadd.s32 $0xFFFFE800  }
0x5d: {  	_ =	swait.ge [sflag:s26], $0x1800  }
0x5e: {  	[sflag:s26] =	ssyncset.done $0x0  }
0x5f: {  	s31 =	simm.s32 $0x4780;
	[sflag:s26] =	ssyncadd.s32 $0xFFFFE800  }
0x60: {  	[spmem:s3] =	stream.indirect.scatter.add.f32 [tilespmem:s23], [sflag:$0x3], $0x30, s31, s21, $0xb8;
	[tilespmem:$0x18D30] =	vst v63  }
0x61: {  	_ =	swait.ge [sflag:s18], $0x1800  }
0x62: {  	s30 =	simm.s32 $0x800;
	s29 =	simm.s32 $0x100;
	[sflag:s18] =	ssyncset.done $0x0  }
.LBB2_8:
0x63: {  	s0 =	sadd.s32 $0x1E00, s29  }
0x64: {  	[sflag:s18] =	ssyncadd.s32 $0xFFFFE800;
	s1 =	smov.u32 s30;
	s31 =	sadd.s32 $0x400, s30  }
0x65: {  	[tilespmem:s22], [sflag:$0x1] =	stream.indirect.gather [spmem:s2], $0x30, s0, s21, $0xb8;
	[tilespmem:$0x18D30] =	vst v63  }
0x66: {  	p1 =	sne.s32 s30, $0x9400;
	s0 =	sadd.s32 $0x1E80, s29  }
0x67: {  	[tilespmem:s23], [sflag:$0x2] =	stream.indirect.gather [spmem:s2], $0x30, s0, s21, $0xb8;
	[tilespmem:$0x18D30] =	vst v63  }
0x68: {  	_ =	swait.ge [sflag:s24], $0x1800  }
0x69: {  	[sflag:s24] =	ssyncset.done $0x0  }
0x6a: {  	s0 =	sadd.s32 $0x4700, s29;
	[sflag:s24] =	ssyncadd.s32 $0xFFFFE800  }
0x6b: {  	[spmem:s3] =	stream.indirect.scatter.add.f32 [tilespmem:s22], [sflag:$0x3], $0x30, s0, s21, $0xb8;
	[tilespmem:$0x18D30] =	vst v63  }
0x6c: {  	_ =	swait.ge [sflag:s18], $0x1800  }
0x6d: {  	[sflag:s18] =	ssyncset.done $0x0  }
0x6e: {  	[sflag:s18] =	ssyncadd.s32 $0xFFFFE800  }
0x6f: {  	_ =	swait.ge [sflag:s26], $0x1800  }
.Ltmp4:
0x70: {  	[sflag:s26] =	ssyncset.done $0x0;
	(pc) =	sbr.rel @p1 .LBB2_8-.Ltmp4, $4  }
0x71: {  	s0 =	sadd.s32 $0x4780, s29;
	[sflag:s26] =	ssyncadd.s32 $0xFFFFE800  }
0x72: {  	[spmem:s3] =	stream.indirect.scatter.add.f32 [tilespmem:s23], [sflag:$0x3], $0x30, s0, s21, $0xb8;
	[tilespmem:$0x18D30] =	vst v63  }
0x73: {  	_ =	swait.ge [sflag:s18], $0x1800  }
0x74: {  	s30 =	smov.u32 s31;
	s29 =	sshra.s32 s1, $0x2;
	[sflag:s18] =	ssyncset.done $0x0  }
0x75: {  	s0 =	sadd.s32 $0x1E00, s29;
	[sflag:s18] =	ssyncadd.s32 $0xFFFFE800  }
0x76: {  	[tilespmem:s22], [sflag:$0x1] =	stream.indirect.gather [spmem:s2], $0x30, s0, s21, $0xb8;
	[tilespmem:$0x18D30] =	vst v63  }
0x77: {  	s1 =	sadd.s32 $0x1E80, s29  }
0x78: {  	[tilespmem:s23], [sflag:$0x2] =	stream.indirect.gather [spmem:s2], $0x30, s1, s21, $0xb8;
	[tilespmem:$0x18D30] =	vst v63  }
0x79: {  	_ =	swait.ge [sflag:s24], $0x1800  }
0x7a: {  	[sflag:s24] =	ssyncset.done $0x0  }
0x7b: {  	s30 =	sadd.s32 $0x4700, s29;
	[sflag:s24] =	ssyncadd.s32 $0xFFFFE800  }
0x7c: {  	[spmem:s3] =	stream.indirect.scatter.add.f32 [tilespmem:s22], [sflag:$0x3], $0x30, s30, s21, $0xb8;
	[tilespmem:$0x18D30] =	vst v63  }
0x7d: {  	_ =	swait.ge [sflag:s18], $0x1800  }
0x7e: {  	[sflag:s18] =	ssyncset.done $0x0  }
0x7f: {  	[sflag:s18] =	ssyncadd.s32 $0xFFFFE800  }
0x80: {  	_ =	swait.ge [sflag:s26], $0x1800  }
0x81: {  	[sflag:s26] =	ssyncset.done $0x0  }
.Ltmp5:
0x82: {  	s31 =	sadd.s32 $0x4780, s29;
	[sflag:s26] =	ssyncadd.s32 $0xFFFFE800;
	(pc) =	sbr.rel .LBB2_10-.Ltmp5, $4  }
0x83: {  	[spmem:s3] =	stream.indirect.scatter.add.f32 [tilespmem:s23], [sflag:$0x3], $0x30, s31, s21, $0xb8;
	[tilespmem:$0x18D30] =	vst v63  }
0x84: {  	_ =	swait.ge [sflag:s18], $0x1800  }
0x85: {  	[sflag:s18] =	ssyncset.done $0x0  }
0x86: {  	[sflag:s18] =	ssyncadd.s32 $0xFFFFE800  }
.LBB2_4:
0x87: {  	s29 =	simm.s32 $0x0  }
0x88: {  	[tilespmem:s19], [sflag:$0x3] =	stream.linear.gather [hbm4b:s7+s29], $0x2900, $0x38;
	[tilespmem:$0x18D30] =	vst v63  }
0x89: {  	_ =	swait.ge [sflag:s18], $0x2900  }
0x8a: {  	[sflag:s18] =	ssyncset.done $0x0  }
0x8b: {  	[sflag:s18] =	ssyncadd.s32 $0xFFFFD700  }
0x8c: {  	[tilespmem:s20], [sflag:$0x3] =	stream.linear.gather [hbm4b:s8+s29], $0x2900, $0x38;
	[tilespmem:$0x18D30] =	vst v63  }
0x8d: {  	_ =	swait.ge [sflag:s18], $0x2900  }
0x8e: {  	[sflag:s18] =	ssyncset.done $0x0  }
0x8f: {  	[sflag:s18] =	ssyncadd.s32 $0xFFFFD700  }
0x90: {  	s29 =	simm.s32 $0x1E00;
	[bflag:$0x0] =	sbarrier.arrive $0xFFFF  }
0x91: {  	[tilespmem:s22], [sflag:$0x1] =	stream.indirect.gather [spmem:s2], $0x30, s29, s21, $0xb8;
	[tilespmem:$0x18D30] =	vst v63  }
0x92: {  	s29 =	simm.s32 $0x1E80  }
0x93: {  	[tilespmem:s23], [sflag:$0x2] =	stream.indirect.gather [spmem:s2], $0x30, s29, s21, $0xb8;
	[tilespmem:$0x18D30] =	vst v63  }
0x94: {  	_ =	swait.ge [sflag:s24], $0x1800  }
0x95: {  	[sflag:s24] =	ssyncset.done $0x0  }
0x96: {  	s29 =	simm.s32 $0x4700;
	[sflag:s24] =	ssyncadd.s32 $0xFFFFE800  }
0x97: {  	[spmem:s3] =	stream.indirect.scatter.add.f32 [tilespmem:s22], [sflag:$0x3], $0x30, s29, s21, $0xb8;
	[tilespmem:$0x18D30] =	vst v63  }
0x98: {  	_ =	swait.ge [sflag:s18], $0x1800  }
0x99: {  	[sflag:s18] =	ssyncset.done $0x0  }
0x9a: {  	[sflag:s18] =	ssyncadd.s32 $0xFFFFE800  }
0x9b: {  	_ =	swait.ge [sflag:s26], $0x1800  }
0x9c: {  	[sflag:s26] =	ssyncset.done $0x0  }
0x9d: {  	s29 =	simm.s32 $0x4780;
	[sflag:s26] =	ssyncadd.s32 $0xFFFFE800  }
0x9e: {  	[spmem:s3] =	stream.indirect.scatter.add.f32 [tilespmem:s23], [sflag:$0x3], $0x30, s29, s21, $0xb8;
	[tilespmem:$0x18D30] =	vst v63  }
0x9f: {  	_ =	swait.ge [sflag:s18], $0x1800  }
0xa0: {  	s30 =	simm.s32 $0x800;
	s29 =	simm.s32 $0x100;
	[sflag:s18] =	ssyncset.done $0x0  }
.LBB2_5:
0xa1: {  	s31 =	sadd.s32 $0x1E00, s29  }
0xa2: {  	[sflag:s18] =	ssyncadd.s32 $0xFFFFE800;
	s1 =	smov.u32 s30;
	s0 =	sadd.s32 $0x400, s30  }
0xa3: {  	[tilespmem:s22], [sflag:$0x1] =	stream.indirect.gather [spmem:s2], $0x30, s31, s21, $0xb8;
	[tilespmem:$0x18D30] =	vst v63  }
0xa4: {  	p1 =	seq.s32 s30, $0xA000;
	s30 =	sadd.s32 $0x1E80, s29  }
0xa5: {  	[tilespmem:s23], [sflag:$0x2] =	stream.indirect.gather [spmem:s2], $0x30, s30, s21, $0xb8;
	[tilespmem:$0x18D30] =	vst v63  }
0xa6: {  	_ =	swait.ge [sflag:s24], $0x1800  }
0xa7: {  	[sflag:s24] =	ssyncset.done $0x0  }
0xa8: {  	s30 =	sadd.s32 $0x4700, s29;
	[sflag:s24] =	ssyncadd.s32 $0xFFFFE800  }
0xa9: {  	[spmem:s3] =	stream.indirect.scatter.add.f32 [tilespmem:s22], [sflag:$0x3], $0x30, s30, s21, $0xb8;
	[tilespmem:$0x18D30] =	vst v63  }
0xaa: {  	_ =	swait.ge [sflag:s18], $0x1800  }
0xab: {  	[sflag:s18] =	ssyncset.done $0x0  }
0xac: {  	[sflag:s18] =	ssyncadd.s32 $0xFFFFE800  }
0xad: {  	_ =	swait.ge [sflag:s26], $0x1800  }
.Ltmp6:
0xae: {  	[sflag:s26] =	ssyncset.done $0x0;
	(pc) =	sbr.rel @!p1 .LBB2_5-.Ltmp6, $4  }
0xaf: {  	s29 =	sadd.s32 $0x4780, s29;
	[sflag:s26] =	ssyncadd.s32 $0xFFFFE800  }
0xb0: {  	[spmem:s3] =	stream.indirect.scatter.add.f32 [tilespmem:s23], [sflag:$0x3], $0x30, s29, s21, $0xb8;
	[tilespmem:$0x18D30] =	vst v63  }
0xb1: {  	_ =	swait.ge [sflag:s18], $0x1800  }
0xb2: {  	s30 =	smov.u32 s0;
	s29 =	sshra.s32 s1, $0x2;
	[sflag:s18] =	ssyncset.done $0x0  }
.Ltmp7:
0xb3: {  	_ = 	snop;
	(pc) =	sbr.rel .LBB2_6-.Ltmp7, $1  }
0xb4: {  	_ =	sdelay $0x3  }
.LBB2_11:
0xb5: {  	_ =	sfence.sel $0x180000  }
0xb6: {  	[bflag:$0x0] =	sbarrier.arrive $0xFFFF  }
0xb7: {  	_ =	strace $0x9000004A  }
0xb8: {  	s0 =	stileid.u32;
	[bflag:$0x2] =	sbarrier.arrive $0xFFFF  }
0xb9: {  	p0 =	sne.s32 s0, $0x0;
	s0 =	rddreg [dreg:$0x3]  }
0xba: {  	s0 =	sadd.s32 @!p0 $0x100000, s0  }
0xbb: {  	[sflag:s0] =	ssyncadd.tile.s32 @!p0 $0x1;
	_ =	shalt  }
.Lfunc_end2:
_tile_overlayer_lowered:
.L_overlay_start_2:
0xbc: {  	(tag) =	ssettag $0x2  }
0xbd: {  	s0 =	rddreg [dreg:$0x0];
	s2 =	stileid.u32  }
0xbe: {  	s1 =	rddreg [dreg:$0x1];
	p0 =	sne.s32 s2, $0x0  }
0xbf: {  	s3 =	rddreg [dreg:$0x2];
	[bflag:$0x3] =	sbarrier.arrive $0xFFFF;
	s2 =	simm.s32 @!p0 $0x1C03  }
0xc0: {  	[timem:s3], [sflag:s2] =	dma.local @!p0 [hbm:s0], s1  }
0xc1: {  	s0 =	simm.s32 @!p0 $0x3  }
0xc2: {  	_ =	swait.ge @!p0 [sflag:s0], s1  }
0xc3: {  	s1 =	ssub.s32 @!p0 $0x0, s1;
	[sflag:s0] =	ssyncset.done @!p0 $0x0  }
0xc4: {  	[sflag:s0] =	ssyncadd.s32 @!p0 s1  }
0xc5: {  	[bflag:$0x3] =	sbarrier.arrive $0xFFFF  }
0xc6: {  	_ =	shalt  }

// kernel: kernel.16.cloned.1.call-start
scs
__scs_entry_jumppad:
0x0: {  	(pc) =	sbr.rel $0x88, $3  }
0x1: {  	(tag) =	ssettag $0x0;
	lr =	simm.s32 $0x1  }
0x2: {  	[smem:$0x3F9C] =	sst lr;
	_ =	strace $0xD0000000  }
0x3: {  	_ = 	snop  }
0x4: {  	_ = 	snop  }
0x5: {  	_ = 	snop  }
0x6: {  	_ = 	snop  }
0x7: {  	_ = 	snop  }
__scs_overlays_trampoline_lowered:
0x8: {  	[smem:$0x3FAB] =	sst s0  }
0x9: {  	[smem:$0x3FAC] =	sst s1  }
0xa: {  	[smem:$0x3FAD] =	sst s2  }
0xb: {  	[smem:$0x3FAE] =	sst s3  }
0xc: {  	[smem:$0x3FAF] =	sst s4  }
0xd: {  	[smem:$0x3FB0] =	sst s5  }
0xe: {  	[smem:$0x3FB1] =	sst s6  }
0xf: {  	[smem:$0x3FB2] =	sst s7  }
0x10: {  	[smem:$0x3FB3] =	sst s8  }
0x11: {  	[smem:$0x3FB4] =	sst s9;
	s0 =	simm.s32 @!p0 $0x0  }
0x12: {  	s1 =	sld [smem:$0x3F9A];
	s0 =	simm.s32 @p0 $0x1  }
0x13: {  	[smem:$0x3FB5] =	sst s0;
	s0 =	simm.s32 @!p1 $0x0  }
0x14: {  	s2 =	sld [smem:$0x3F99];
	s0 =	simm.s32 @p1 $0x1  }
0x15: {  	[smem:$0x3FB6] =	sst s0;
	s0 =	simm.s32 @!p2 $0x0  }
0x16: {  	s3 =	sld [smem:$0x3FDB];
	s0 =	simm.s32 @p2 $0x1  }
0x17: {  	s4 =	simm.s32 $0x1BF5;
	[smem:$0x3FB8] =	sst s0  }
0x18: {  	s0 =	sld [smem:$0x3F9B];
	_ =	swait.ge [sflag:s4], $0x0  }
0x19: {  	s7 =	sld [smem:$0x3F9C]  }
0x1a: {  	s8 =	sadd.s32 $0xFFFFE003, lr  }
0x1b: {  	s9 =	sadd.s32 $0xFFFFFEF7, lr;
	s5 =	simm.s32 $0xFFFFFFFF;
	p2 =	slt.u32 s8, $0xFFFFF086  }
0x1c: {  	p1 =	slt.u32 s9, $0xF7A;
	s5 =	simm.s32 @!p2 $0x0  }
0x1d: {  	s5 =	simm.s32 @p1 $0x1;
	p0 =	seq.s32 s7, s2  }
0x1e: {  	s7 =	smul.u32 @!p0 $0xF7A, s2;
	p2 =	seq.s32 @!p0 s5, $0x0  }
0x1f: {  	s9 =	smul.u32 $0xF7A, s1;
	s8 =	simm.s32 @!p0 $0x1BF5;
	p2 =	por !p2, p0  }
0x20: {  	[sflag:s8] =	ssyncset.s32 @!p0 $0xFFFFF086;
	s6 =	sadd.s32 @!p0 s3, s7;
	s7 =	simm.s32 @!p0 $0x108  }
0x21: {  	s3 =	sadd.s32 s3, s9;
	s6 =	sadd.s32 @!p0 $0x88, s6;
	s7 =	simm.s32 @p2 $0x1082  }
0x22: {  	[simem:s7], [sflag:s8] =	dma.local @!p0 [hbm:s6], $0xF7A  }
0x23: {  	s9 =	sor.u32 $0xD0000000, s2;
	s6 =	simm.s32 $0x108;
	_ =	swait.ge @!p0 [sflag:s8], $0x0  }
0x24: {  	s3 =	sadd.s32 $0x88, s3;
	s6 =	simm.s32 @!p1 $0x1082;
	[sflag:s4] =	ssyncset.s32 $0xFFFFF086  }
0x25: {  	[simem:s6], [sflag:s4] =	dma.local [hbm:s3], $0xF7A  }
0x26: {  	[smem:$0x3F9C] =	sst s1;
	(tag) =	ssettag s2;
	_ =	strace s9  }
0x27: {  	s1 =	sld [smem:$0x3FAC]  }
0x28: {  	s2 =	sld [smem:$0x3FAD]  }
0x29: {  	s4 =	sld [smem:$0x3FAF]  }
0x2a: {  	p0 =	seq.s32 s5, $0x0;
	s5 =	sld [smem:$0x3FB0]  }
0x2b: {  	s6 =	sld [smem:$0x3FB1]  }
0x2c: {  	s7 =	sld [smem:$0x3FB2]  }
0x2d: {  	s3 =	simm.s32 $0x108;
	s8 =	sld [smem:$0x3FB3]  }
0x2e: {  	s3 =	simm.s32 @!p0 $0x1082;
	s9 =	sld [smem:$0x3FB4]  }
0x2f: {  	lr =	sadd.s32 s0, s3;
	s0 =	sld [smem:$0x3FAB]  }
0x30: {  	s3 =	sld [smem:$0x3FAE]  }
0x31: {  	[smem:$0x3FB7] =	sst s10  }
0x32: {  	s10 =	sld [smem:$0x3FB5];
	_ =	sdelay $0x3  }
0x33: {  	p0 =	seq.s32 s10, $0x1;
	s10 =	sld [smem:$0x3FB7];
	_ =	sdelay $0x3  }
0x34: {  	[smem:$0x3FB7] =	sst s10  }
0x35: {  	s10 =	sld [smem:$0x3FB6];
	_ =	sdelay $0x3  }
0x36: {  	p1 =	seq.s32 s10, $0x1;
	s10 =	sld [smem:$0x3FB7];
	_ =	sdelay $0x3  }
0x37: {  	[smem:$0x3FB7] =	sst s10  }
0x38: {  	s10 =	sld [smem:$0x3FB8]  }
0x39: {  	_ = 	snop;
	(pc) =	sbr.ind lr, $3  }
0x3a: {  	_ = 	snop  }
0x3b: {  	_ = 	snop  }
0x3c: {  	p2 =	seq.s32 s10, $0x1;
	s10 =	sld [smem:$0x3FB7]  }
0x3d: {  	_ =	shalt  }
0x3e: {  	_ =	shalt  }
0x3f: {  	_ =	shalt  }
0x40: {  	_ =	shalt  }
0x41: {  	_ =	shalt  }
0x42: {  	_ =	shalt  }
0x43: {  	_ =	shalt  }
0x44: {  	_ =	shalt  }
0x45: {  	_ =	shalt  }
0x46: {  	_ =	shalt  }
0x47: {  	_ =	shalt  }
0x48: {  	_ =	shalt  }
0x49: {  	_ =	shalt  }
0x4a: {  	_ =	shalt  }
0x4b: {  	_ =	shalt  }
0x4c: {  	_ =	shalt  }
0x4d: {  	_ =	shalt  }
0x4e: {  	_ =	shalt  }
0x4f: {  	_ =	shalt  }
0x50: {  	_ =	shalt  }
0x51: {  	_ =	shalt  }
0x52: {  	_ =	shalt  }
0x53: {  	_ =	shalt  }
0x54: {  	_ =	shalt  }
0x55: {  	_ =	shalt  }
0x56: {  	_ =	shalt  }
0x57: {  	_ =	shalt  }
0x58: {  	_ =	shalt  }
0x59: {  	_ =	shalt  }
0x5a: {  	_ =	shalt  }
0x5b: {  	_ =	shalt  }
0x5c: {  	_ =	shalt  }
0x5d: {  	_ =	shalt  }
0x5e: {  	_ =	shalt  }
0x5f: {  	_ =	shalt  }
0x60: {  	_ =	shalt  }
0x61: {  	_ =	shalt  }
0x62: {  	_ =	shalt  }
0x63: {  	_ =	shalt  }
0x64: {  	_ =	shalt  }
0x65: {  	_ =	shalt  }
0x66: {  	_ =	shalt  }
0x67: {  	_ =	shalt  }
0x68: {  	_ =	shalt  }
0x69: {  	_ =	shalt  }
0x6a: {  	_ =	shalt  }
0x6b: {  	_ =	shalt  }
0x6c: {  	_ =	shalt  }
0x6d: {  	_ =	shalt  }
0x6e: {  	_ =	shalt  }
0x6f: {  	_ =	shalt  }
0x70: {  	_ =	shalt  }
0x71: {  	_ =	shalt  }
0x72: {  	_ =	shalt  }
0x73: {  	_ =	shalt  }
0x74: {  	_ =	shalt  }
0x75: {  	_ =	shalt  }
0x76: {  	_ =	shalt  }
0x77: {  	_ =	shalt  }
0x78: {  	_ =	shalt  }
0x79: {  	_ =	shalt  }
0x7a: {  	_ =	shalt  }
0x7b: {  	_ =	shalt  }
0x7c: {  	_ =	shalt  }
0x7d: {  	_ =	shalt  }
0x7e: {  	_ =	shalt  }
0x7f: {  	_ =	shalt  }
0x80: {  	_ =	shalt  }
0x81: {  	_ =	shalt  }
0x82: {  	_ =	shalt  }
0x83: {  	_ =	shalt  }
0x84: {  	_ =	shalt  }
0x85: {  	_ =	shalt  }
0x86: {  	_ =	shalt  }
0x87: {  	_ =	shalt  }
.Lfunc_end0:
.L_simem_size_0:
called_computation.2_lowered:
.L_overlay_start_0:
0x88: {  	s2 =	sld [smem:$0x3FD9]  }
0x89: {  	s3 =	sld [smem:$0x3FFE];
	_ =	sdelay $0x1  }
0x8a: {  	s1 =	srdreg.scid  }
0x8b: {  	s0 =	sand.u32 $0x1, s1  }
0x8c: {  	s17 =	sshll.u32 s0, $0xA;
	s2 =	sadd.s32 s3, s2  }
0x8d: {  	s2 =	sadd.s32 s2, s17  }
0x8e: {  	[smem:$0x3FC3] =	sst s2  }
0x8f: {  	_ = 	snop  }
0x90: {  	s2 =	sld [smem:$0x3FD0];
	(tm) =	ssettm $0x1  }
0x91: {  	s18 =	sld [smem:$0x3FFB];
	_ =	sdelay $0x3  }
0x92: {  	_ =	strace s18  }
0x93: {  	s3 =	sld [smem:$0x3FFC];
	_ =	sdelay $0x3  }
0x94: {  	_ =	strace s3  }
0x95: {  	s3 =	sld [smem:$0x3FFD];
	_ =	sdelay $0x3  }
0x96: {  	_ =	strace s3  }
0x97: {  	_ =	strace $0x8FFFFFFF  }
0x98: {  	s19 =	sld [smem:$0x3FDB];
	_ =	sdelay $0x1  }
0x99: {  	s4 =	simm.s32 $_scs_section_size  }
0x9a: {  	s5 =	simm.s32 $_size__tile_overlayer_lowered;
	s6 =	simm.s32 $_tile_overlayer_lowered  }
0x9b: {  	s22 =	simm.s32 $0x1BFF;
	s21 =	sshll.u32 s6, $0x1;
	s3 =	sadd.s32 s4, s19  }
0x9c: {  	s7 =	simm.s32 $0x0;
	s20 =	sshll.u32 s5, $0x1;
	s5 =	sadd.s32 s21, s3  }
0x9d: {  	[timem:s7], [sflag:s22] =	dma.local [hbm:s5], s20  }
0x9e: {  	_ =	swait.ge [sflag:s22], s20  }
0x9f: {  	s4 =	ssub.s32 $0x0, s20;
	[sflag:s22] =	ssyncset.done $0x0  }
0xa0: {  	[sflag:s22] =	ssyncadd.s32 s4;
	_ =	sdelay $0x1  }
0xa1: {  	s23 =	simm.s32 $0x1B8B  }
0xa2: {  	_ =	swait.ge [sflag:s23], $0x1  }
0xa3: {  	[sflag:s23] =	ssyncset.done $0x0  }
0xa4: {  	s25 =	simm.s32 $0x1B8E;
	s24 =	sld [smem:$0x3FFE];
	[sflag:s23] =	ssyncadd.s32 $0xFFFFFFFF  }
0xa5: {  	s26 =	simm.s32 $execute0_lowered;
	[smem:$0x3FD2] =	sst s25  }
0xa6: {  	s5 =	sshll.u32 s26, $0x1;
	_ =	strace $0x8000004C;
	[dreg:$0x1] =	wrdreg $0xFFFFFFFF  }
0xa7: {  	s28 =	simm.s32 $_size_execute0_lowered;
	s3 =	sadd.s32 s3, s5;
	[dreg:$0x0] =	wrdreg $0x0  }
0xa8: {  	s5 =	sshll.u32 s28, $0x1;
	[dreg:$0x2] =	wrdreg s3  }
0xa9: {  	[dreg:$0x3] =	wrdreg s5  }
0xaa: {  	[dreg:$0x4] =	wrdreg $0xC0  }
0xab: {  	_ =	task [dreg:s7], $0x5FFFF  }
0xac: {  	[dreg:$0x1] =	wrdreg $0xFFFFFFFF  }
0xad: {  	[dreg:$0x0] =	wrdreg $0x60  }
0xae: {  	[dreg:$0x2] =	wrdreg s2  }
0xaf: {  	[dreg:$0x3] =	wrdreg s24  }
0xb0: {  	[dreg:$0x4] =	wrdreg $0xF7000  }
0xb1: {  	[dreg:$0x5] =	wrdreg $0x93000  }
0xb2: {  	[dreg:$0x6] =	wrdreg $0x9  }
0xb3: {  	_ =	task.clear_ibuf [dreg:s7], $0x7FFFF;
	_ =	strace $0x9000004C  }
0xb4: {  	s29 =	simm.s32 $0x9;
	_ =	strace $0x8000004E  }
0xb5: {  	_ =	swait.ge [sflag:s29], $0x1  }
0xb6: {  	[sflag:s29] =	ssyncadd.s32 $0xFFFFFFFF  }
0xb7: {  	_ =	strace $0x9000004E  }
0xb8: {  	_ =	sfence  }
0xb9: {  	s30 =	sld [smem:$0x0];
	_ =	sdelay $0x2  }
0xba: {  	s31 =	sshll.u32 s1, $0xD;
	s1 =	sshrl.u32 s1, $0x2  }
0xbb: {  	s3 =	sand.u32 $0x4000, s31;
	s1 =	sadd.s32 s1, s30  }
0xbc: {  	s0 =	sor.u32 s3, s0;
	s1 =	sshll.u32 s1, $0x11  }
0xbd: {  	s0 =	sor.u32 s1, s0  }
0xbe: {  	s0 =	sadd.s32 $0x8F2B, s0  }
0xbf: {  	[sflag:s0] =	ssyncadd.remote.s32 $0x1  }
0xc0: {  	_ =	sfence.sel $0xFFFF  }
0xc1: {  	[dreg:$0x0] =	wrdreg $0xFFFFFFFF;
	(pc) =	sbr.abs _section_cstart, $3  }
0xc2: {  	[dreg:$0x1] =	wrdreg $0xFFFFFFFF  }
0xc3: {  	_ =	task.clear_ibuf [dreg:s7], $0x2FFFF;
	_ =	strace $0x9FFFFFFF  }
0xc4: {  	(tm) =	ssettm $0x7FFFFFFF  }
0xc5: {  	_ =	shalt  }
tec
execute0_lowered:
.L_overlay_start_1:
0x0: {  	(tag) =	ssettag $0x1  }
0x1: {  	s5 =	rddreg [dreg:$0x0]  }
0x2: {  	s6 =	rddreg [dreg:$0x1]  }
0x3: {  	s1 =	rddreg [dreg:$0x2]  }
0x4: {  	s2 =	rddreg [dreg:$0x3];
	s3 =	srdreg.scid  }
0x5: {  	s4 =	simm.s32 $0x0;
	s0 =	stileid.u32;
	s18 =	simm.s32 $0x3  }
0x6: {  	s19 =	simm.s32 $0x1900;
	s20 =	simm.s32 $0x4200;
	s12 =	smul.u32 $0x6400, s0  }
0x7: {  	s21 =	simm.s32 $0x80;
	s22 =	simm.s32 $0x6B00;
	s11 =	smul.u32 $0x61A8, s0  }
0x8: {  	s23 =	simm.s32 $0x7F00;
	s28 =	simm.s32 $0x0;
	s26 =	smul.u32 $0x2600, s0  }
0x9: {  	s7 =	sand.u32 $0x1, s3;
	[smem:$0x7FF] =	sst s4;
	s29 =	smul.u32 $0x520, s0  }
0xa: {  	s9 =	sadd.s32 $0x5F400, s6;
	s13 =	sadd.s32 $0x55600, s6;
	s30 =	smul.u32 $0x19000, s0  }
0xb: {  	s25 =	sshll.u32 s0, $0x6;
	s8 =	smul.u32 $0x64000, s7;
	s10 =	ssub.s32 $0x2, s7  }
0xc: {  	_ =	strace $0x8000004D;
	p0 =	seq.s32 s7, $0x1;
	s14 =	sshrl.u32 s10, $0x1  }
0xd: {  	s17 =	sadd.s32 s11, s1;
	s24 =	sshrl.u32 s11, $0x3;
	s7 =	sadd.s32 s9, s29  }
0xe: {  	s31 =	sshrl.u32 s30, $0x2;
	s8 =	sadd.s32 s12, s8;
	s14 =	ssub.s32 s10, s14  }
0xf: {  	s5 =	sadd.s32 s5, s24;
	s10 =	sshrl.u32 s26, $0x3;
	s17 =	sshrl.u32 s17, $0x3  }
0x10: {  	s24 =	simm.s32 $0x1;
	s26 =	simm.s32 $0x2;
	s8 =	sshrl.u32 s8, $0x3  }
.Ltmp0:
0x11: {  	s10 =	sadd.s32 $0x5200, s10;
	s15 =	sadd.s32 s8, s6;
	(pc) =	sbr.rel .LBB2_1-.Ltmp0, $4  }
0x12: {  	s6 =	sor.u32 $0x1C03, s25;
	s8 =	sadd.s32 s13, s29;
	s9 =	sadd.s32 s9, s10  }
0x13: {  	s10 =	sadd.s32 s13, s10;
	s25 =	sadd.s32 s12, s2;
	s12 =	sadd.s32 s31, s2  }
0x14: {  	s13 =	smax.u32 s14, $0x1;
	s11 =	sadd.s32 $0x69200, s15;
	s14 =	sadd.s32 $0x1900, s12  }
0x15: {  	v0 =	vimm.f32 $0.0e+00;
	s15 =	sadd.s32 $0x3200, s12;
	s16 =	sadd.s32 $0x4B00, s12;
	s25 =	sshrl.u32 s25, $0x3  }
.LBB2_6:
0x16: {  	s0 =	sadd.s32 $0x1900, s29;
	[sflag:s18] =	ssyncadd.s32 $0xFFFFEC00  }
0x17: {  	[tilespmem:s22], [sflag:$0x1] =	stream.indirect.gather [spmem:s1], $0x28, s0, s21, $0xb8;
	[tilespmem:$0x158A8] =	vst v63  }
0x18: {  	s3 =	sadd.s32 $0x1980, s29  }
0x19: {  	[tilespmem:s23], [sflag:$0x2] =	stream.indirect.gather [spmem:s1], $0x28, s3, s21, $0xb8;
	[tilespmem:$0x158A8] =	vst v63  }
0x1a: {  	_ =	swait.ge [sflag:s24], $0x1400  }
0x1b: {  	[sflag:s24] =	ssyncset.done $0x0  }
0x1c: {  	s30 =	sadd.s32 $0x4200, s29;
	[sflag:s24] =	ssyncadd.s32 $0xFFFFEC00  }
0x1d: {  	[spmem:s2] =	stream.indirect.scatter.add.f32 [tilespmem:s22], [sflag:$0x3], $0x28, s30, s21, $0xb8;
	[tilespmem:$0x158A8] =	vst v63  }
0x1e: {  	_ =	swait.ge [sflag:s18], $0x1400  }
0x1f: {  	[sflag:s18] =	ssyncset.done $0x0  }
0x20: {  	[sflag:s18] =	ssyncadd.s32 $0xFFFFEC00  }
0x21: {  	_ =	swait.ge [sflag:s26], $0x1400  }
0x22: {  	[sflag:s26] =	ssyncset.done $0x0  }
0x23: {  	s31 =	sadd.s32 $0x4280, s29;
	[sflag:s26] =	ssyncadd.s32 $0xFFFFEC00  }
0x24: {  	[spmem:s2] =	stream.indirect.scatter.add.f32 [tilespmem:s23], [sflag:$0x3], $0x28, s31, s21, $0xb8;
	[tilespmem:$0x158A8] =	vst v63  }
0x25: {  	_ =	swait.ge [sflag:s18], $0x1400  }
0x26: {  	[sflag:s18] =	ssyncset.done $0x0  }
0x27: {  	[sflag:s18] =	ssyncadd.s32 $0xFFFFEC00  }
.LBB2_10:
0x28: {  	s28 =	sadd.s32 $0x1, s28  }
0x29: {  	p1 =	sne.s32 s28, s13  }
.Ltmp1:
0x2a: {  	[bflag:$0x0] =	sbarrier.arrive $0xFFFF;
	(pc) =	sbr.rel @!p1 .LBB2_11-.Ltmp1, $4  }
0x2b: {  	[hbm:s11], [sflag:s6] =	dma.local [spmem:s25], $0xC80  }
0x2c: {  	_ =	swait.ge [sflag:s18], $0xC80  }
0x2d: {  	[sflag:s18] =	ssyncset.done $0x0  }
0x2e: {  	[sflag:s18] =	ssyncadd.s32 $0xFFFFF380  }
.LBB2_1:
0x2f: {  	[spmem:s17], [sflag:s6] =	dma.local [hbm:s5], $0xC35  }
0x30: {  	_ =	swait.ge [sflag:s18], $0xC35  }
0x31: {  	[sflag:s18] =	ssyncset.done $0x0  }
0x32: {  	s29 =	simm.s32 $0xA0;
	s30 =	simm.s32 $0x0;
	[sflag:s18] =	ssyncadd.s32 $0xFFFFF3CB  }
.LBB2_2:
0x33: {  	p1 =	sne.s32 s29, $0x6360;
	[tilespmem:s30+$0x0] =	vst v0;
	s31 =	smov.u32 s29;
	s29 =	sadd.s32 $0xA0, s29  }
.Ltmp2:
0x34: {  	[tilespmem:s30+$0x10] =	vst v0;
	(pc) =	sbr.rel @p1 .LBB2_2-.Ltmp2, $2  }
0x35: {  	_ =	sdelay $0x2  }
0x36: {  	s30 =	sshra.s32 s31, $0x2  }
0x37: {  	[tilespmem:s30+$0x0] =	vst v0  }
0x38: {  	[tilespmem:s30+$0x10] =	vst v0  }
0x39: {  	[spmem:s12] =	stream.linear.scatter [tilespmem:s4], [sflag:$0x3], $0x1900, $0x38;
	[tilespmem:$0x158A8] =	vst v63  }
0x3a: {  	_ =	swait.ge [sflag:s18], $0x1900  }
0x3b: {  	[sflag:s18] =	ssyncset.done $0x0  }
0x3c: {  	[sflag:s18] =	ssyncadd.s32 $0xFFFFE700  }
0x3d: {  	[spmem:s14] =	stream.linear.scatter [tilespmem:s4], [sflag:$0x3], $0x1900, $0x38;
	[tilespmem:$0x158A8] =	vst v63  }
0x3e: {  	_ =	swait.ge [sflag:s18], $0x1900  }
0x3f: {  	[sflag:s18] =	ssyncset.done $0x0  }
0x40: {  	[sflag:s18] =	ssyncadd.s32 $0xFFFFE700  }
0x41: {  	[spmem:s15] =	stream.linear.scatter [tilespmem:s4], [sflag:$0x3], $0x1900, $0x38;
	[tilespmem:$0x158A8] =	vst v63  }
0x42: {  	_ =	swait.ge [sflag:s18], $0x1900  }
0x43: {  	[sflag:s18] =	ssyncset.done $0x0  }
.Ltmp3:
0x44: {  	[sflag:s18] =	ssyncadd.s32 $0xFFFFE700;
	(pc) =	sbr.rel @!p0 .LBB2_4-.Ltmp3, $4  }
0x45: {  	[spmem:s16] =	stream.linear.scatter [tilespmem:s4], [sflag:$0x3], $0x1900, $0x38;
	[tilespmem:$0x158A8] =	vst v63  }
0x46: {  	_ =	swait.ge [sflag:s18], $0x1900  }
0x47: {  	[sflag:s18] =	ssyncset.done $0x0  }
0x48: {  	[sflag:s18] =	ssyncadd.s32 $0xFFFFE700  }
0x49: {  	s0 =	simm.s32 $0x0  }
0x4a: {  	[tilespmem:s19], [sflag:$0x3] =	stream.linear.gather [hbm4b:s9+s0], $0x2600, $0x38;
	[tilespmem:$0x158A8] =	vst v63  }
0x4b: {  	_ =	swait.ge [sflag:s18], $0x2600  }
0x4c: {  	[sflag:s18] =	ssyncset.done $0x0  }
0x4d: {  	[sflag:s18] =	ssyncadd.s32 $0xFFFFDA00  }
0x4e: {  	[tilespmem:s20], [sflag:$0x3] =	stream.linear.gather [hbm4b:s10+s0], $0x2600, $0x38;
	[tilespmem:$0x158A8] =	vst v63  }
0x4f: {  	_ =	swait.ge [sflag:s18], $0x2600  }
0x50: {  	[sflag:s18] =	ssyncset.done $0x0  }
0x51: {  	[sflag:s18] =	ssyncadd.s32 $0xFFFFDA00  }
0x52: {  	s3 =	simm.s32 $0x1900;
	[bflag:$0x0] =	sbarrier.arrive $0xFFFF  }
0x53: {  	[tilespmem:s22], [sflag:$0x1] =	stream.indirect.gather [spmem:s1], $0x28, s3, s21, $0xb8;
	[tilespmem:$0x158A8] =	vst v63  }
0x54: {  	s31 =	simm.s32 $0x1980  }
0x55: {  	[tilespmem:s23], [sflag:$0x2] =	stream.indirect.gather [spmem:s1], $0x28, s31, s21, $0xb8;
	[tilespmem:$0x158A8] =	vst v63  }
0x56: {  	_ =	swait.ge [sflag:s24], $0x1400  }
0x57: {  	[sflag:s24] =	ssyncset.done $0x0  }
0x58: {  	s3 =	simm.s32 $0x4200;
	[sflag:s24] =	ssyncadd.s32 $0xFFFFEC00  }
0x59: {  	[spmem:s2] =	stream.indirect.scatter.add.f32 [tilespmem:s22], [sflag:$0x3], $0x28, s3, s21, $0xb8;
	[tilespmem:$0x158A8] =	vst v63  }
0x5a: {  	_ =	swait.ge [sflag:s18], $0x1400  }
0x5b: {  	[sflag:s18] =	ssyncset.done $0x0  }
0x5c: {  	[sflag:s18] =	ssyncadd.s32 $0xFFFFEC00  }
0x5d: {  	_ =	swait.ge [sflag:s26], $0x1400  }
0x5e: {  	[sflag:s26] =	ssyncset.done $0x0  }
0x5f: {  	s31 =	simm.s32 $0x4280;
	[sflag:s26] =	ssyncadd.s32 $0xFFFFEC00  }
0x60: {  	[spmem:s2] =	stream.indirect.scatter.add.f32 [tilespmem:s23], [sflag:$0x3], $0x28, s31, s21, $0xb8;
	[tilespmem:$0x158A8] =	vst v63  }
0x61: {  	_ =	swait.ge [sflag:s18], $0x1400  }
0x62: {  	s30 =	simm.s32 $0x800;
	s29 =	simm.s32 $0x100;
	[sflag:s18] =	ssyncset.done $0x0  }
.LBB2_8:
0x63: {  	s0 =	sadd.s32 $0x1900, s29  }
0x64: {  	[sflag:s18] =	ssyncadd.s32 $0xFFFFEC00;
	s3 =	smov.u32 s30;
	s31 =	sadd.s32 $0x400, s30  }
0x65: {  	[tilespmem:s22], [sflag:$0x1] =	stream.indirect.gather [spmem:s1], $0x28, s0, s21, $0xb8;
	[tilespmem:$0x158A8] =	vst v63  }
0x66: {  	p1 =	sne.s32 s30, $0x9400;
	s0 =	sadd.s32 $0x1980, s29  }
0x67: {  	[tilespmem:s23], [sflag:$0x2] =	stream.indirect.gather [spmem:s1], $0x28, s0, s21, $0xb8;
	[tilespmem:$0x158A8] =	vst v63  }
0x68: {  	_ =	swait.ge [sflag:s24], $0x1400  }
0x69: {  	[sflag:s24] =	ssyncset.done $0x0  }
0x6a: {  	s0 =	sadd.s32 $0x4200, s29;
	[sflag:s24] =	ssyncadd.s32 $0xFFFFEC00  }
0x6b: {  	[spmem:s2] =	stream.indirect.scatter.add.f32 [tilespmem:s22], [sflag:$0x3], $0x28, s0, s21, $0xb8;
	[tilespmem:$0x158A8] =	vst v63  }
0x6c: {  	_ =	swait.ge [sflag:s18], $0x1400  }
0x6d: {  	[sflag:s18] =	ssyncset.done $0x0  }
0x6e: {  	[sflag:s18] =	ssyncadd.s32 $0xFFFFEC00  }
0x6f: {  	_ =	swait.ge [sflag:s26], $0x1400  }
.Ltmp4:
0x70: {  	[sflag:s26] =	ssyncset.done $0x0;
	(pc) =	sbr.rel @p1 .LBB2_8-.Ltmp4, $4  }
0x71: {  	s0 =	sadd.s32 $0x4280, s29;
	[sflag:s26] =	ssyncadd.s32 $0xFFFFEC00  }
0x72: {  	[spmem:s2] =	stream.indirect.scatter.add.f32 [tilespmem:s23], [sflag:$0x3], $0x28, s0, s21, $0xb8;
	[tilespmem:$0x158A8] =	vst v63  }
0x73: {  	_ =	swait.ge [sflag:s18], $0x1400  }
0x74: {  	s30 =	smov.u32 s31;
	s29 =	sshra.s32 s3, $0x2;
	[sflag:s18] =	ssyncset.done $0x0  }
0x75: {  	s0 =	sadd.s32 $0x1900, s29;
	[sflag:s18] =	ssyncadd.s32 $0xFFFFEC00  }
0x76: {  	[tilespmem:s22], [sflag:$0x1] =	stream.indirect.gather [spmem:s1], $0x28, s0, s21, $0xb8;
	[tilespmem:$0x158A8] =	vst v63  }
0x77: {  	s3 =	sadd.s32 $0x1980, s29  }
0x78: {  	[tilespmem:s23], [sflag:$0x2] =	stream.indirect.gather [spmem:s1], $0x28, s3, s21, $0xb8;
	[tilespmem:$0x158A8] =	vst v63  }
0x79: {  	_ =	swait.ge [sflag:s24], $0x1400  }
0x7a: {  	[sflag:s24] =	ssyncset.done $0x0  }
0x7b: {  	s30 =	sadd.s32 $0x4200, s29;
	[sflag:s24] =	ssyncadd.s32 $0xFFFFEC00  }
0x7c: {  	[spmem:s2] =	stream.indirect.scatter.add.f32 [tilespmem:s22], [sflag:$0x3], $0x28, s30, s21, $0xb8;
	[tilespmem:$0x158A8] =	vst v63  }
0x7d: {  	_ =	swait.ge [sflag:s18], $0x1400  }
0x7e: {  	[sflag:s18] =	ssyncset.done $0x0  }
0x7f: {  	[sflag:s18] =	ssyncadd.s32 $0xFFFFEC00  }
0x80: {  	_ =	swait.ge [sflag:s26], $0x1400  }
0x81: {  	[sflag:s26] =	ssyncset.done $0x0  }
.Ltmp5:
0x82: {  	s31 =	sadd.s32 $0x4280, s29;
	[sflag:s26] =	ssyncadd.s32 $0xFFFFEC00;
	(pc) =	sbr.rel .LBB2_10-.Ltmp5, $4  }
0x83: {  	[spmem:s2] =	stream.indirect.scatter.add.f32 [tilespmem:s23], [sflag:$0x3], $0x28, s31, s21, $0xb8;
	[tilespmem:$0x158A8] =	vst v63  }
0x84: {  	_ =	swait.ge [sflag:s18], $0x1400  }
0x85: {  	[sflag:s18] =	ssyncset.done $0x0  }
0x86: {  	[sflag:s18] =	ssyncadd.s32 $0xFFFFEC00  }
.LBB2_4:
0x87: {  	s29 =	simm.s32 $0x0  }
0x88: {  	[tilespmem:s19], [sflag:$0x3] =	stream.linear.gather [hbm4b:s7+s29], $0x2900, $0x38;
	[tilespmem:$0x158A8] =	vst v63  }
0x89: {  	_ =	swait.ge [sflag:s18], $0x2900  }
0x8a: {  	[sflag:s18] =	ssyncset.done $0x0  }
0x8b: {  	[sflag:s18] =	ssyncadd.s32 $0xFFFFD700  }
0x8c: {  	[tilespmem:s20], [sflag:$0x3] =	stream.linear.gather [hbm4b:s8+s29], $0x2900, $0x38;
	[tilespmem:$0x158A8] =	vst v63  }
0x8d: {  	_ =	swait.ge [sflag:s18], $0x2900  }
0x8e: {  	[sflag:s18] =	ssyncset.done $0x0  }
0x8f: {  	[sflag:s18] =	ssyncadd.s32 $0xFFFFD700  }
0x90: {  	s29 =	simm.s32 $0x1900;
	[bflag:$0x0] =	sbarrier.arrive $0xFFFF  }
0x91: {  	[tilespmem:s22], [sflag:$0x1] =	stream.indirect.gather [spmem:s1], $0x28, s29, s21, $0xb8;
	[tilespmem:$0x158A8] =	vst v63  }
0x92: {  	s29 =	simm.s32 $0x1980  }
0x93: {  	[tilespmem:s23], [sflag:$0x2] =	stream.indirect.gather [spmem:s1], $0x28, s29, s21, $0xb8;
	[tilespmem:$0x158A8] =	vst v63  }
0x94: {  	_ =	swait.ge [sflag:s24], $0x1400  }
0x95: {  	[sflag:s24] =	ssyncset.done $0x0  }
0x96: {  	s29 =	simm.s32 $0x4200;
	[sflag:s24] =	ssyncadd.s32 $0xFFFFEC00  }
0x97: {  	[spmem:s2] =	stream.indirect.scatter.add.f32 [tilespmem:s22], [sflag:$0x3], $0x28, s29, s21, $0xb8;
	[tilespmem:$0x158A8] =	vst v63  }
0x98: {  	_ =	swait.ge [sflag:s18], $0x1400  }
0x99: {  	[sflag:s18] =	ssyncset.done $0x0  }
0x9a: {  	[sflag:s18] =	ssyncadd.s32 $0xFFFFEC00  }
0x9b: {  	_ =	swait.ge [sflag:s26], $0x1400  }
0x9c: {  	[sflag:s26] =	ssyncset.done $0x0  }
0x9d: {  	s29 =	simm.s32 $0x4280;
	[sflag:s26] =	ssyncadd.s32 $0xFFFFEC00  }
0x9e: {  	[spmem:s2] =	stream.indirect.scatter.add.f32 [tilespmem:s23], [sflag:$0x3], $0x28, s29, s21, $0xb8;
	[tilespmem:$0x158A8] =	vst v63  }
0x9f: {  	_ =	swait.ge [sflag:s18], $0x1400  }
0xa0: {  	s30 =	simm.s32 $0x800;
	s29 =	simm.s32 $0x100;
	[sflag:s18] =	ssyncset.done $0x0  }
.LBB2_5:
0xa1: {  	s31 =	sadd.s32 $0x1900, s29  }
0xa2: {  	[sflag:s18] =	ssyncadd.s32 $0xFFFFEC00;
	s0 =	smov.u32 s30;
	s3 =	sadd.s32 $0x400, s30  }
0xa3: {  	[tilespmem:s22], [sflag:$0x1] =	stream.indirect.gather [spmem:s1], $0x28, s31, s21, $0xb8;
	[tilespmem:$0x158A8] =	vst v63  }
0xa4: {  	p1 =	seq.s32 s30, $0xA000;
	s30 =	sadd.s32 $0x1980, s29  }
0xa5: {  	[tilespmem:s23], [sflag:$0x2] =	stream.indirect.gather [spmem:s1], $0x28, s30, s21, $0xb8;
	[tilespmem:$0x158A8] =	vst v63  }
0xa6: {  	_ =	swait.ge [sflag:s24], $0x1400  }
0xa7: {  	[sflag:s24] =	ssyncset.done $0x0  }
0xa8: {  	s30 =	sadd.s32 $0x4200, s29;
	[sflag:s24] =	ssyncadd.s32 $0xFFFFEC00  }
0xa9: {  	[spmem:s2] =	stream.indirect.scatter.add.f32 [tilespmem:s22], [sflag:$0x3], $0x28, s30, s21, $0xb8;
	[tilespmem:$0x158A8] =	vst v63  }
0xaa: {  	_ =	swait.ge [sflag:s18], $0x1400  }
0xab: {  	[sflag:s18] =	ssyncset.done $0x0  }
0xac: {  	[sflag:s18] =	ssyncadd.s32 $0xFFFFEC00  }
0xad: {  	_ =	swait.ge [sflag:s26], $0x1400  }
.Ltmp6:
0xae: {  	[sflag:s26] =	ssyncset.done $0x0;
	(pc) =	sbr.rel @!p1 .LBB2_5-.Ltmp6, $4  }
0xaf: {  	s29 =	sadd.s32 $0x4280, s29;
	[sflag:s26] =	ssyncadd.s32 $0xFFFFEC00  }
0xb0: {  	[spmem:s2] =	stream.indirect.scatter.add.f32 [tilespmem:s23], [sflag:$0x3], $0x28, s29, s21, $0xb8;
	[tilespmem:$0x158A8] =	vst v63  }
0xb1: {  	_ =	swait.ge [sflag:s18], $0x1400  }
0xb2: {  	s30 =	smov.u32 s3;
	s29 =	sshra.s32 s0, $0x2;
	[sflag:s18] =	ssyncset.done $0x0  }
.Ltmp7:
0xb3: {  	_ = 	snop;
	(pc) =	sbr.rel .LBB2_6-.Ltmp7, $1  }
0xb4: {  	_ =	sdelay $0x3  }
.LBB2_11:
0xb5: {  	_ =	sfence.sel $0x180000  }
0xb6: {  	[bflag:$0x0] =	sbarrier.arrive $0xFFFF  }
0xb7: {  	_ =	strace $0x9000004D  }
0xb8: {  	s0 =	stileid.u32;
	[bflag:$0x2] =	sbarrier.arrive $0xFFFF  }
0xb9: {  	p0 =	sne.s32 s0, $0x0;
	s0 =	rddreg [dreg:$0x4]  }
0xba: {  	s0 =	sadd.s32 @!p0 $0x100000, s0  }
0xbb: {  	[sflag:s0] =	ssyncadd.tile.s32 @!p0 $0x1;
	_ =	shalt  }
.Lfunc_end2:
_tile_overlayer_lowered:
.L_overlay_start_2:
0xbc: {  	(tag) =	ssettag $0x2  }
0xbd: {  	s0 =	rddreg [dreg:$0x0];
	s2 =	stileid.u32  }
0xbe: {  	s1 =	rddreg [dreg:$0x1];
	p0 =	sne.s32 s2, $0x0  }
0xbf: {  	s3 =	rddreg [dreg:$0x2];
	[bflag:$0x3] =	sbarrier.arrive $0xFFFF;
	s2 =	simm.s32 @!p0 $0x1C03  }
0xc0: {  	[timem:s3], [sflag:s2] =	dma.local @!p0 [hbm:s0], s1  }
0xc1: {  	s0 =	simm.s32 @!p0 $0x3  }
0xc2: {  	_ =	swait.ge @!p0 [sflag:s0], s1  }
0xc3: {  	s1 =	ssub.s32 @!p0 $0x0, s1;
	[sflag:s0] =	ssyncset.done @!p0 $0x0  }
0xc4: {  	[sflag:s0] =	ssyncadd.s32 @!p0 s1  }
0xc5: {  	[bflag:$0x3] =	sbarrier.arrive $0xFFFF  }
0xc6: {  	_ =	shalt  }

// kernel: kernel.19.cloned.1.call-start
scs
__scs_entry_jumppad:
0x0: {  	(pc) =	sbr.rel $0x88, $3  }
0x1: {  	(tag) =	ssettag $0x0;
	lr =	simm.s32 $0x1  }
0x2: {  	[smem:$0x3F9C] =	sst lr;
	_ =	strace $0xD0000000  }
0x3: {  	_ = 	snop  }
0x4: {  	_ = 	snop  }
0x5: {  	_ = 	snop  }
0x6: {  	_ = 	snop  }
0x7: {  	_ = 	snop  }
__scs_overlays_trampoline_lowered:
0x8: {  	[smem:$0x3FAB] =	sst s0  }
0x9: {  	[smem:$0x3FAC] =	sst s1  }
0xa: {  	[smem:$0x3FAD] =	sst s2  }
0xb: {  	[smem:$0x3FAE] =	sst s3  }
0xc: {  	[smem:$0x3FAF] =	sst s4  }
0xd: {  	[smem:$0x3FB0] =	sst s5  }
0xe: {  	[smem:$0x3FB1] =	sst s6  }
0xf: {  	[smem:$0x3FB2] =	sst s7  }
0x10: {  	[smem:$0x3FB3] =	sst s8  }
0x11: {  	[smem:$0x3FB4] =	sst s9;
	s0 =	simm.s32 @!p0 $0x0  }
0x12: {  	s1 =	sld [smem:$0x3F9A];
	s0 =	simm.s32 @p0 $0x1  }
0x13: {  	[smem:$0x3FB5] =	sst s0;
	s0 =	simm.s32 @!p1 $0x0  }
0x14: {  	s2 =	sld [smem:$0x3F99];
	s0 =	simm.s32 @p1 $0x1  }
0x15: {  	[smem:$0x3FB6] =	sst s0;
	s0 =	simm.s32 @!p2 $0x0  }
0x16: {  	s3 =	sld [smem:$0x3FDB];
	s0 =	simm.s32 @p2 $0x1  }
0x17: {  	s4 =	simm.s32 $0x1BF5;
	[smem:$0x3FB8] =	sst s0  }
0x18: {  	s0 =	sld [smem:$0x3F9B];
	_ =	swait.ge [sflag:s4], $0x0  }
0x19: {  	s7 =	sld [smem:$0x3F9C]  }
0x1a: {  	s8 =	sadd.s32 $0xFFFFE003, lr  }
0x1b: {  	s9 =	sadd.s32 $0xFFFFFEF7, lr;
	s5 =	simm.s32 $0xFFFFFFFF;
	p2 =	slt.u32 s8, $0xFFFFF086  }
0x1c: {  	p1 =	slt.u32 s9, $0xF7A;
	s5 =	simm.s32 @!p2 $0x0  }
0x1d: {  	s5 =	simm.s32 @p1 $0x1;
	p0 =	seq.s32 s7, s2  }
0x1e: {  	s7 =	smul.u32 @!p0 $0xF7A, s2;
	p2 =	seq.s32 @!p0 s5, $0x0  }
0x1f: {  	s9 =	smul.u32 $0xF7A, s1;
	s8 =	simm.s32 @!p0 $0x1BF5;
	p2 =	por !p2, p0  }
0x20: {  	[sflag:s8] =	ssyncset.s32 @!p0 $0xFFFFF086;
	s6 =	sadd.s32 @!p0 s3, s7;
	s7 =	simm.s32 @!p0 $0x108  }
0x21: {  	s3 =	sadd.s32 s3, s9;
	s6 =	sadd.s32 @!p0 $0x88, s6;
	s7 =	simm.s32 @p2 $0x1082  }
0x22: {  	[simem:s7], [sflag:s8] =	dma.local @!p0 [hbm:s6], $0xF7A  }
0x23: {  	s9 =	sor.u32 $0xD0000000, s2;
	s6 =	simm.s32 $0x108;
	_ =	swait.ge @!p0 [sflag:s8], $0x0  }
0x24: {  	s3 =	sadd.s32 $0x88, s3;
	s6 =	simm.s32 @!p1 $0x1082;
	[sflag:s4] =	ssyncset.s32 $0xFFFFF086  }
0x25: {  	[simem:s6], [sflag:s4] =	dma.local [hbm:s3], $0xF7A  }
0x26: {  	[smem:$0x3F9C] =	sst s1;
	(tag) =	ssettag s2;
	_ =	strace s9  }
0x27: {  	s1 =	sld [smem:$0x3FAC]  }
0x28: {  	s2 =	sld [smem:$0x3FAD]  }
0x29: {  	s4 =	sld [smem:$0x3FAF]  }
0x2a: {  	p0 =	seq.s32 s5, $0x0;
	s5 =	sld [smem:$0x3FB0]  }
0x2b: {  	s6 =	sld [smem:$0x3FB1]  }
0x2c: {  	s7 =	sld [smem:$0x3FB2]  }
0x2d: {  	s3 =	simm.s32 $0x108;
	s8 =	sld [smem:$0x3FB3]  }
0x2e: {  	s3 =	simm.s32 @!p0 $0x1082;
	s9 =	sld [smem:$0x3FB4]  }
0x2f: {  	lr =	sadd.s32 s0, s3;
	s0 =	sld [smem:$0x3FAB]  }
0x30: {  	s3 =	sld [smem:$0x3FAE]  }
0x31: {  	[smem:$0x3FB7] =	sst s10  }
0x32: {  	s10 =	sld [smem:$0x3FB5];
	_ =	sdelay $0x3  }
0x33: {  	p0 =	seq.s32 s10, $0x1;
	s10 =	sld [smem:$0x3FB7];
	_ =	sdelay $0x3  }
0x34: {  	[smem:$0x3FB7] =	sst s10  }
0x35: {  	s10 =	sld [smem:$0x3FB6];
	_ =	sdelay $0x3  }
0x36: {  	p1 =	seq.s32 s10, $0x1;
	s10 =	sld [smem:$0x3FB7];
	_ =	sdelay $0x3  }
0x37: {  	[smem:$0x3FB7] =	sst s10  }
0x38: {  	s10 =	sld [smem:$0x3FB8]  }
0x39: {  	_ = 	snop;
	(pc) =	sbr.ind lr, $3  }
0x3a: {  	_ = 	snop  }
0x3b: {  	_ = 	snop  }
0x3c: {  	p2 =	seq.s32 s10, $0x1;
	s10 =	sld [smem:$0x3FB7]  }
0x3d: {  	_ =	shalt  }
0x3e: {  	_ =	shalt  }
0x3f: {  	_ =	shalt  }
0x40: {  	_ =	shalt  }
0x41: {  	_ =	shalt  }
0x42: {  	_ =	shalt  }
0x43: {  	_ =	shalt  }
0x44: {  	_ =	shalt  }
0x45: {  	_ =	shalt  }
0x46: {  	_ =	shalt  }
0x47: {  	_ =	shalt  }
0x48: {  	_ =	shalt  }
0x49: {  	_ =	shalt  }
0x4a: {  	_ =	shalt  }
0x4b: {  	_ =	shalt  }
0x4c: {  	_ =	shalt  }
0x4d: {  	_ =	shalt  }
0x4e: {  	_ =	shalt  }
0x4f: {  	_ =	shalt  }
0x50: {  	_ =	shalt  }
0x51: {  	_ =	shalt  }
0x52: {  	_ =	shalt  }
0x53: {  	_ =	shalt  }
0x54: {  	_ =	shalt  }
0x55: {  	_ =	shalt  }
0x56: {  	_ =	shalt  }
0x57: {  	_ =	shalt  }
0x58: {  	_ =	shalt  }
0x59: {  	_ =	shalt  }
0x5a: {  	_ =	shalt  }
0x5b: {  	_ =	shalt  }
0x5c: {  	_ =	shalt  }
0x5d: {  	_ =	shalt  }
0x5e: {  	_ =	shalt  }
0x5f: {  	_ =	shalt  }
0x60: {  	_ =	shalt  }
0x61: {  	_ =	shalt  }
0x62: {  	_ =	shalt  }
0x63: {  	_ =	shalt  }
0x64: {  	_ =	shalt  }
0x65: {  	_ =	shalt  }
0x66: {  	_ =	shalt  }
0x67: {  	_ =	shalt  }
0x68: {  	_ =	shalt  }
0x69: {  	_ =	shalt  }
0x6a: {  	_ =	shalt  }
0x6b: {  	_ =	shalt  }
0x6c: {  	_ =	shalt  }
0x6d: {  	_ =	shalt  }
0x6e: {  	_ =	shalt  }
0x6f: {  	_ =	shalt  }
0x70: {  	_ =	shalt  }
0x71: {  	_ =	shalt  }
0x72: {  	_ =	shalt  }
0x73: {  	_ =	shalt  }
0x74: {  	_ =	shalt  }
0x75: {  	_ =	shalt  }
0x76: {  	_ =	shalt  }
0x77: {  	_ =	shalt  }
0x78: {  	_ =	shalt  }
0x79: {  	_ =	shalt  }
0x7a: {  	_ =	shalt  }
0x7b: {  	_ =	shalt  }
0x7c: {  	_ =	shalt  }
0x7d: {  	_ =	shalt  }
0x7e: {  	_ =	shalt  }
0x7f: {  	_ =	shalt  }
0x80: {  	_ =	shalt  }
0x81: {  	_ =	shalt  }
0x82: {  	_ =	shalt  }
0x83: {  	_ =	shalt  }
0x84: {  	_ =	shalt  }
0x85: {  	_ =	shalt  }
0x86: {  	_ =	shalt  }
0x87: {  	_ =	shalt  }
.Lfunc_end0:
.L_simem_size_0:
called_computation.3_lowered:
.L_overlay_start_0:
0x88: {  	s2 =	sld [smem:$0x3FD9]  }
0x89: {  	s3 =	sld [smem:$0x3FFE];
	_ =	sdelay $0x1  }
0x8a: {  	s1 =	srdreg.scid  }
0x8b: {  	s0 =	sand.u32 $0x1, s1  }
0x8c: {  	s17 =	sshll.u32 s0, $0xA;
	s2 =	sadd.s32 s3, s2  }
0x8d: {  	s2 =	sadd.s32 s2, s17  }
0x8e: {  	[smem:$0x3FC3] =	sst s2  }
0x8f: {  	_ = 	snop  }
0x90: {  	s2 =	sld [smem:$0x3FD0];
	(tm) =	ssettm $0x1  }
0x91: {  	s18 =	sld [smem:$0x3FFB];
	_ =	sdelay $0x3  }
0x92: {  	_ =	strace s18  }
0x93: {  	s3 =	sld [smem:$0x3FFC];
	_ =	sdelay $0x3  }
0x94: {  	_ =	strace s3  }
0x95: {  	s3 =	sld [smem:$0x3FFD];
	_ =	sdelay $0x3  }
0x96: {  	_ =	strace s3  }
0x97: {  	_ =	strace $0x8FFFFFFF  }
0x98: {  	s19 =	sld [smem:$0x3FDB];
	_ =	sdelay $0x1  }
0x99: {  	s4 =	simm.s32 $_scs_section_size  }
0x9a: {  	s5 =	simm.s32 $_size__tile_overlayer_lowered;
	s6 =	simm.s32 $_tile_overlayer_lowered  }
0x9b: {  	s22 =	simm.s32 $0x1BFF;
	s21 =	sshll.u32 s6, $0x1;
	s3 =	sadd.s32 s4, s19  }
0x9c: {  	s7 =	simm.s32 $0x0;
	s20 =	sshll.u32 s5, $0x1;
	s5 =	sadd.s32 s21, s3  }
0x9d: {  	[timem:s7], [sflag:s22] =	dma.local [hbm:s5], s20  }
0x9e: {  	_ =	swait.ge [sflag:s22], s20  }
0x9f: {  	s4 =	ssub.s32 $0x0, s20;
	[sflag:s22] =	ssyncset.done $0x0  }
0xa0: {  	[sflag:s22] =	ssyncadd.s32 s4;
	_ =	sdelay $0x1  }
0xa1: {  	s23 =	simm.s32 $0x1B8B  }
0xa2: {  	_ =	swait.ge [sflag:s23], $0x1  }
0xa3: {  	[sflag:s23] =	ssyncset.done $0x0  }
0xa4: {  	s25 =	simm.s32 $0x1B8E;
	s24 =	sld [smem:$0x3FFE];
	[sflag:s23] =	ssyncadd.s32 $0xFFFFFFFF  }
0xa5: {  	s26 =	simm.s32 $execute0_lowered;
	[smem:$0x3FD2] =	sst s25  }
0xa6: {  	s5 =	sshll.u32 s26, $0x1;
	_ =	strace $0x8000004F;
	[dreg:$0x1] =	wrdreg $0xFFFFFFFF  }
0xa7: {  	s28 =	simm.s32 $_size_execute0_lowered;
	s3 =	sadd.s32 s3, s5;
	[dreg:$0x0] =	wrdreg $0x0  }
0xa8: {  	s5 =	sshll.u32 s28, $0x1;
	[dreg:$0x2] =	wrdreg s3  }
0xa9: {  	[dreg:$0x3] =	wrdreg s5  }
0xaa: {  	[dreg:$0x4] =	wrdreg $0xC0  }
0xab: {  	_ =	task [dreg:s7], $0x5FFFF  }
0xac: {  	[dreg:$0x1] =	wrdreg $0xFFFFFFFF  }
0xad: {  	[dreg:$0x0] =	wrdreg $0x60  }
0xae: {  	[dreg:$0x2] =	wrdreg s2  }
0xaf: {  	[dreg:$0x3] =	wrdreg s24  }
0xb0: {  	[dreg:$0x4] =	wrdreg $0xF7000  }
0xb1: {  	[dreg:$0x5] =	wrdreg $0x93000  }
0xb2: {  	[dreg:$0x6] =	wrdreg $0x9  }
0xb3: {  	_ =	task.clear_ibuf [dreg:s7], $0x7FFFF;
	_ =	strace $0x9000004F  }
0xb4: {  	s29 =	simm.s32 $0x9;
	_ =	strace $0x80000051  }
0xb5: {  	_ =	swait.ge [sflag:s29], $0x1  }
0xb6: {  	[sflag:s29] =	ssyncadd.s32 $0xFFFFFFFF  }
0xb7: {  	_ =	strace $0x90000051  }
0xb8: {  	_ =	sfence  }
0xb9: {  	s30 =	sld [smem:$0x0];
	_ =	sdelay $0x2  }
0xba: {  	s31 =	sshll.u32 s1, $0xD;
	s1 =	sshrl.u32 s1, $0x2  }
0xbb: {  	s3 =	sand.u32 $0x4000, s31;
	s1 =	sadd.s32 s1, s30  }
0xbc: {  	s0 =	sor.u32 s3, s0;
	s1 =	sshll.u32 s1, $0x11  }
0xbd: {  	s0 =	sor.u32 s1, s0  }
0xbe: {  	s0 =	sadd.s32 $0x8F2B, s0  }
0xbf: {  	[sflag:s0] =	ssyncadd.remote.s32 $0x1  }
0xc0: {  	_ =	sfence.sel $0xFFFF  }
0xc1: {  	[dreg:$0x0] =	wrdreg $0xFFFFFFFF;
	(pc) =	sbr.abs _section_cstart, $3  }
0xc2: {  	[dreg:$0x1] =	wrdreg $0xFFFFFFFF  }
0xc3: {  	_ =	task.clear_ibuf [dreg:s7], $0x2FFFF;
	_ =	strace $0x9FFFFFFF  }
0xc4: {  	(tm) =	ssettm $0x7FFFFFFF  }
0xc5: {  	_ =	shalt  }
tec
execute0_lowered:
.L_overlay_start_1:
0x0: {  	(tag) =	ssettag $0x1  }
0x1: {  	s5 =	rddreg [dreg:$0x0]  }
0x2: {  	s6 =	rddreg [dreg:$0x1]  }
0x3: {  	s1 =	rddreg [dreg:$0x2]  }
0x4: {  	s2 =	rddreg [dreg:$0x3];
	s3 =	srdreg.scid  }
0x5: {  	s4 =	simm.s32 $0x0;
	s0 =	stileid.u32;
	s18 =	simm.s32 $0x3  }
0x6: {  	s19 =	simm.s32 $0x1900;
	s20 =	simm.s32 $0x4200;
	s12 =	smul.u32 $0x6400, s0  }
0x7: {  	s21 =	simm.s32 $0x80;
	s22 =	simm.s32 $0x6B00;
	s11 =	smul.u32 $0x61A8, s0  }
0x8: {  	s23 =	simm.s32 $0x7F00;
	s28 =	simm.s32 $0x0;
	s26 =	smul.u32 $0x2600, s0  }
0x9: {  	s7 =	sand.u32 $0x1, s3;
	[smem:$0x7FF] =	sst s4;
	s29 =	smul.u32 $0x520, s0  }
0xa: {  	s9 =	sadd.s32 $0x5F400, s6;
	s13 =	sadd.s32 $0x55600, s6;
	s30 =	smul.u32 $0x19000, s0  }
0xb: {  	s25 =	sshll.u32 s0, $0x6;
	s8 =	smul.u32 $0x64000, s7;
	s10 =	ssub.s32 $0x2, s7  }
0xc: {  	_ =	strace $0x80000050;
	p0 =	seq.s32 s7, $0x1;
	s14 =	sshrl.u32 s10, $0x1  }
0xd: {  	s17 =	sadd.s32 s11, s1;
	s24 =	sshrl.u32 s11, $0x3;
	s7 =	sadd.s32 s9, s29  }
0xe: {  	s31 =	sshrl.u32 s30, $0x2;
	s8 =	sadd.s32 s12, s8;
	s14 =	ssub.s32 s10, s14  }
0xf: {  	s5 =	sadd.s32 s5, s24;
	s10 =	sshrl.u32 s26, $0x3;
	s17 =	sshrl.u32 s17, $0x3  }
0x10: {  	s24 =	simm.s32 $0x1;
	s26 =	simm.s32 $0x2;
	s8 =	sshrl.u32 s8, $0x3  }
.Ltmp0:
0x11: {  	s10 =	sadd.s32 $0x5200, s10;
	s15 =	sadd.s32 s8, s6;
	(pc) =	sbr.rel .LBB2_1-.Ltmp0, $4  }
0x12: {  	s6 =	sor.u32 $0x1C03, s25;
	s8 =	sadd.s32 s13, s29;
	s9 =	sadd.s32 s9, s10  }
0x13: {  	s10 =	sadd.s32 s13, s10;
	s25 =	sadd.s32 s12, s2;
	s12 =	sadd.s32 s31, s2  }
0x14: {  	s13 =	smax.u32 s14, $0x1;
	s11 =	sadd.s32 $0x1C00, s15;
	s14 =	sadd.s32 $0x1900, s12  }
0x15: {  	v0 =	vimm.f32 $0.0e+00;
	s15 =	sadd.s32 $0x3200, s12;
	s16 =	sadd.s32 $0x4B00, s12;
	s25 =	sshrl.u32 s25, $0x3  }
.LBB2_6:
0x16: {  	s0 =	sadd.s32 $0x1900, s29;
	[sflag:s18] =	ssyncadd.s32 $0xFFFFEC00  }
0x17: {  	[tilespmem:s22], [sflag:$0x1] =	stream.indirect.gather [spmem:s1], $0x28, s0, s21, $0xb8;
	[tilespmem:$0x158A8] =	vst v63  }
0x18: {  	s3 =	sadd.s32 $0x1980, s29  }
0x19: {  	[tilespmem:s23], [sflag:$0x2] =	stream.indirect.gather [spmem:s1], $0x28, s3, s21, $0xb8;
	[tilespmem:$0x158A8] =	vst v63  }
0x1a: {  	_ =	swait.ge [sflag:s24], $0x1400  }
0x1b: {  	[sflag:s24] =	ssyncset.done $0x0  }
0x1c: {  	s30 =	sadd.s32 $0x4200, s29;
	[sflag:s24] =	ssyncadd.s32 $0xFFFFEC00  }
0x1d: {  	[spmem:s2] =	stream.indirect.scatter.add.f32 [tilespmem:s22], [sflag:$0x3], $0x28, s30, s21, $0xb8;
	[tilespmem:$0x158A8] =	vst v63  }
0x1e: {  	_ =	swait.ge [sflag:s18], $0x1400  }
0x1f: {  	[sflag:s18] =	ssyncset.done $0x0  }
0x20: {  	[sflag:s18] =	ssyncadd.s32 $0xFFFFEC00  }
0x21: {  	_ =	swait.ge [sflag:s26], $0x1400  }
0x22: {  	[sflag:s26] =	ssyncset.done $0x0  }
0x23: {  	s31 =	sadd.s32 $0x4280, s29;
	[sflag:s26] =	ssyncadd.s32 $0xFFFFEC00  }
0x24: {  	[spmem:s2] =	stream.indirect.scatter.add.f32 [tilespmem:s23], [sflag:$0x3], $0x28, s31, s21, $0xb8;
	[tilespmem:$0x158A8] =	vst v63  }
0x25: {  	_ =	swait.ge [sflag:s18], $0x1400  }
0x26: {  	[sflag:s18] =	ssyncset.done $0x0  }
0x27: {  	[sflag:s18] =	ssyncadd.s32 $0xFFFFEC00  }
.LBB2_10:
0x28: {  	s28 =	sadd.s32 $0x1, s28  }
0x29: {  	p1 =	sne.s32 s28, s13  }
.Ltmp1:
0x2a: {  	[bflag:$0x0] =	sbarrier.arrive $0xFFFF;
	(pc) =	sbr.rel @!p1 .LBB2_11-.Ltmp1, $4  }
0x2b: {  	[hbm:s11], [sflag:s6] =	dma.local [spmem:s25], $0xC80  }
0x2c: {  	_ =	swait.ge [sflag:s18], $0xC80  }
0x2d: {  	[sflag:s18] =	ssyncset.done $0x0  }
0x2e: {  	[sflag:s18] =	ssyncadd.s32 $0xFFFFF380  }
.LBB2_1:
0x2f: {  	[spmem:s17], [sflag:s6] =	dma.local [hbm:s5], $0xC35  }
0x30: {  	_ =	swait.ge [sflag:s18], $0xC35  }
0x31: {  	[sflag:s18] =	ssyncset.done $0x0  }
0x32: {  	s29 =	simm.s32 $0xA0;
	s30 =	simm.s32 $0x0;
	[sflag:s18] =	ssyncadd.s32 $0xFFFFF3CB  }
.LBB2_2:
0x33: {  	p1 =	sne.s32 s29, $0x6360;
	[tilespmem:s30+$0x0] =	vst v0;
	s31 =	smov.u32 s29;
	s29 =	sadd.s32 $0xA0, s29  }
.Ltmp2:
0x34: {  	[tilespmem:s30+$0x10] =	vst v0;
	(pc) =	sbr.rel @p1 .LBB2_2-.Ltmp2, $2  }
0x35: {  	_ =	sdelay $0x2  }
0x36: {  	s30 =	sshra.s32 s31, $0x2  }
0x37: {  	[tilespmem:s30+$0x0] =	vst v0  }
0x38: {  	[tilespmem:s30+$0x10] =	vst v0  }
0x39: {  	[spmem:s12] =	stream.linear.scatter [tilespmem:s4], [sflag:$0x3], $0x1900, $0x38;
	[tilespmem:$0x158A8] =	vst v63  }
0x3a: {  	_ =	swait.ge [sflag:s18], $0x1900  }
0x3b: {  	[sflag:s18] =	ssyncset.done $0x0  }
0x3c: {  	[sflag:s18] =	ssyncadd.s32 $0xFFFFE700  }
0x3d: {  	[spmem:s14] =	stream.linear.scatter [tilespmem:s4], [sflag:$0x3], $0x1900, $0x38;
	[tilespmem:$0x158A8] =	vst v63  }
0x3e: {  	_ =	swait.ge [sflag:s18], $0x1900  }
0x3f: {  	[sflag:s18] =	ssyncset.done $0x0  }
0x40: {  	[sflag:s18] =	ssyncadd.s32 $0xFFFFE700  }
0x41: {  	[spmem:s15] =	stream.linear.scatter [tilespmem:s4], [sflag:$0x3], $0x1900, $0x38;
	[tilespmem:$0x158A8] =	vst v63  }
0x42: {  	_ =	swait.ge [sflag:s18], $0x1900  }
0x43: {  	[sflag:s18] =	ssyncset.done $0x0  }
.Ltmp3:
0x44: {  	[sflag:s18] =	ssyncadd.s32 $0xFFFFE700;
	(pc) =	sbr.rel @!p0 .LBB2_4-.Ltmp3, $4  }
0x45: {  	[spmem:s16] =	stream.linear.scatter [tilespmem:s4], [sflag:$0x3], $0x1900, $0x38;
	[tilespmem:$0x158A8] =	vst v63  }
0x46: {  	_ =	swait.ge [sflag:s18], $0x1900  }
0x47: {  	[sflag:s18] =	ssyncset.done $0x0  }
0x48: {  	[sflag:s18] =	ssyncadd.s32 $0xFFFFE700  }
0x49: {  	s0 =	simm.s32 $0x0  }
0x4a: {  	[tilespmem:s19], [sflag:$0x3] =	stream.linear.gather [hbm4b:s9+s0], $0x2600, $0x38;
	[tilespmem:$0x158A8] =	vst v63  }
0x4b: {  	_ =	swait.ge [sflag:s18], $0x2600  }
0x4c: {  	[sflag:s18] =	ssyncset.done $0x0  }
0x4d: {  	[sflag:s18] =	ssyncadd.s32 $0xFFFFDA00  }
0x4e: {  	[tilespmem:s20], [sflag:$0x3] =	stream.linear.gather [hbm4b:s10+s0], $0x2600, $0x38;
	[tilespmem:$0x158A8] =	vst v63  }
0x4f: {  	_ =	swait.ge [sflag:s18], $0x2600  }
0x50: {  	[sflag:s18] =	ssyncset.done $0x0  }
0x51: {  	[sflag:s18] =	ssyncadd.s32 $0xFFFFDA00  }
0x52: {  	s3 =	simm.s32 $0x1900;
	[bflag:$0x0] =	sbarrier.arrive $0xFFFF  }
0x53: {  	[tilespmem:s22], [sflag:$0x1] =	stream.indirect.gather [spmem:s1], $0x28, s3, s21, $0xb8;
	[tilespmem:$0x158A8] =	vst v63  }
0x54: {  	s31 =	simm.s32 $0x1980  }
0x55: {  	[tilespmem:s23], [sflag:$0x2] =	stream.indirect.gather [spmem:s1], $0x28, s31, s21, $0xb8;
	[tilespmem:$0x158A8] =	vst v63  }
0x56: {  	_ =	swait.ge [sflag:s24], $0x1400  }
0x57: {  	[sflag:s24] =	ssyncset.done $0x0  }
0x58: {  	s3 =	simm.s32 $0x4200;
	[sflag:s24] =	ssyncadd.s32 $0xFFFFEC00  }
0x59: {  	[spmem:s2] =	stream.indirect.scatter.add.f32 [tilespmem:s22], [sflag:$0x3], $0x28, s3, s21, $0xb8;
	[tilespmem:$0x158A8] =	vst v63  }
0x5a: {  	_ =	swait.ge [sflag:s18], $0x1400  }
0x5b: {  	[sflag:s18] =	ssyncset.done $0x0  }
0x5c: {  	[sflag:s18] =	ssyncadd.s32 $0xFFFFEC00  }
0x5d: {  	_ =	swait.ge [sflag:s26], $0x1400  }
0x5e: {  	[sflag:s26] =	ssyncset.done $0x0  }
0x5f: {  	s31 =	simm.s32 $0x4280;
	[sflag:s26] =	ssyncadd.s32 $0xFFFFEC00  }
0x60: {  	[spmem:s2] =	stream.indirect.scatter.add.f32 [tilespmem:s23], [sflag:$0x3], $0x28, s31, s21, $0xb8;
	[tilespmem:$0x158A8] =	vst v63  }
0x61: {  	_ =	swait.ge [sflag:s18], $0x1400  }
0x62: {  	s30 =	simm.s32 $0x800;
	s29 =	simm.s32 $0x100;
	[sflag:s18] =	ssyncset.done $0x0  }
.LBB2_8:
0x63: {  	s0 =	sadd.s32 $0x1900, s29  }
0x64: {  	[sflag:s18] =	ssyncadd.s32 $0xFFFFEC00;
	s3 =	smov.u32 s30;
	s31 =	sadd.s32 $0x400, s30  }
0x65: {  	[tilespmem:s22], [sflag:$0x1] =	stream.indirect.gather [spmem:s1], $0x28, s0, s21, $0xb8;
	[tilespmem:$0x158A8] =	vst v63  }
0x66: {  	p1 =	sne.s32 s30, $0x9400;
	s0 =	sadd.s32 $0x1980, s29  }
0x67: {  	[tilespmem:s23], [sflag:$0x2] =	stream.indirect.gather [spmem:s1], $0x28, s0, s21, $0xb8;
	[tilespmem:$0x158A8] =	vst v63  }
0x68: {  	_ =	swait.ge [sflag:s24], $0x1400  }
0x69: {  	[sflag:s24] =	ssyncset.done $0x0  }
0x6a: {  	s0 =	sadd.s32 $0x4200, s29;
	[sflag:s24] =	ssyncadd.s32 $0xFFFFEC00  }
0x6b: {  	[spmem:s2] =	stream.indirect.scatter.add.f32 [tilespmem:s22], [sflag:$0x3], $0x28, s0, s21, $0xb8;
	[tilespmem:$0x158A8] =	vst v63  }
0x6c: {  	_ =	swait.ge [sflag:s18], $0x1400  }
0x6d: {  	[sflag:s18] =	ssyncset.done $0x0  }
0x6e: {  	[sflag:s18] =	ssyncadd.s32 $0xFFFFEC00  }
0x6f: {  	_ =	swait.ge [sflag:s26], $0x1400  }
.Ltmp4:
0x70: {  	[sflag:s26] =	ssyncset.done $0x0;
	(pc) =	sbr.rel @p1 .LBB2_8-.Ltmp4, $4  }
0x71: {  	s0 =	sadd.s32 $0x4280, s29;
	[sflag:s26] =	ssyncadd.s32 $0xFFFFEC00  }
0x72: {  	[spmem:s2] =	stream.indirect.scatter.add.f32 [tilespmem:s23], [sflag:$0x3], $0x28, s0, s21, $0xb8;
	[tilespmem:$0x158A8] =	vst v63  }
0x73: {  	_ =	swait.ge [sflag:s18], $0x1400  }
0x74: {  	s30 =	smov.u32 s31;
	s29 =	sshra.s32 s3, $0x2;
	[sflag:s18] =	ssyncset.done $0x0  }
0x75: {  	s0 =	sadd.s32 $0x1900, s29;
	[sflag:s18] =	ssyncadd.s32 $0xFFFFEC00  }
0x76: {  	[tilespmem:s22], [sflag:$0x1] =	stream.indirect.gather [spmem:s1], $0x28, s0, s21, $0xb8;
	[tilespmem:$0x158A8] =	vst v63  }
0x77: {  	s3 =	sadd.s32 $0x1980, s29  }
0x78: {  	[tilespmem:s23], [sflag:$0x2] =	stream.indirect.gather [spmem:s1], $0x28, s3, s21, $0xb8;
	[tilespmem:$0x158A8] =	vst v63  }
0x79: {  	_ =	swait.ge [sflag:s24], $0x1400  }
0x7a: {  	[sflag:s24] =	ssyncset.done $0x0  }
0x7b: {  	s30 =	sadd.s32 $0x4200, s29;
	[sflag:s24] =	ssyncadd.s32 $0xFFFFEC00  }
0x7c: {  	[spmem:s2] =	stream.indirect.scatter.add.f32 [tilespmem:s22], [sflag:$0x3], $0x28, s30, s21, $0xb8;
	[tilespmem:$0x158A8] =	vst v63  }
0x7d: {  	_ =	swait.ge [sflag:s18], $0x1400  }
0x7e: {  	[sflag:s18] =	ssyncset.done $0x0  }
0x7f: {  	[sflag:s18] =	ssyncadd.s32 $0xFFFFEC00  }
0x80: {  	_ =	swait.ge [sflag:s26], $0x1400  }
0x81: {  	[sflag:s26] =	ssyncset.done $0x0  }
.Ltmp5:
0x82: {  	s31 =	sadd.s32 $0x4280, s29;
	[sflag:s26] =	ssyncadd.s32 $0xFFFFEC00;
	(pc) =	sbr.rel .LBB2_10-.Ltmp5, $4  }
0x83: {  	[spmem:s2] =	stream.indirect.scatter.add.f32 [tilespmem:s23], [sflag:$0x3], $0x28, s31, s21, $0xb8;
	[tilespmem:$0x158A8] =	vst v63  }
0x84: {  	_ =	swait.ge [sflag:s18], $0x1400  }
0x85: {  	[sflag:s18] =	ssyncset.done $0x0  }
0x86: {  	[sflag:s18] =	ssyncadd.s32 $0xFFFFEC00  }
.LBB2_4:
0x87: {  	s29 =	simm.s32 $0x0  }
0x88: {  	[tilespmem:s19], [sflag:$0x3] =	stream.linear.gather [hbm4b:s7+s29], $0x2900, $0x38;
	[tilespmem:$0x158A8] =	vst v63  }
0x89: {  	_ =	swait.ge [sflag:s18], $0x2900  }
0x8a: {  	[sflag:s18] =	ssyncset.done $0x0  }
0x8b: {  	[sflag:s18] =	ssyncadd.s32 $0xFFFFD700  }
0x8c: {  	[tilespmem:s20], [sflag:$0x3] =	stream.linear.gather [hbm4b:s8+s29], $0x2900, $0x38;
	[tilespmem:$0x158A8] =	vst v63  }
0x8d: {  	_ =	swait.ge [sflag:s18], $0x2900  }
0x8e: {  	[sflag:s18] =	ssyncset.done $0x0  }
0x8f: {  	[sflag:s18] =	ssyncadd.s32 $0xFFFFD700  }
0x90: {  	s29 =	simm.s32 $0x1900;
	[bflag:$0x0] =	sbarrier.arrive $0xFFFF  }
0x91: {  	[tilespmem:s22], [sflag:$0x1] =	stream.indirect.gather [spmem:s1], $0x28, s29, s21, $0xb8;
	[tilespmem:$0x158A8] =	vst v63  }
0x92: {  	s29 =	simm.s32 $0x1980  }
0x93: {  	[tilespmem:s23], [sflag:$0x2] =	stream.indirect.gather [spmem:s1], $0x28, s29, s21, $0xb8;
	[tilespmem:$0x158A8] =	vst v63  }
0x94: {  	_ =	swait.ge [sflag:s24], $0x1400  }
0x95: {  	[sflag:s24] =	ssyncset.done $0x0  }
0x96: {  	s29 =	simm.s32 $0x4200;
	[sflag:s24] =	ssyncadd.s32 $0xFFFFEC00  }
0x97: {  	[spmem:s2] =	stream.indirect.scatter.add.f32 [tilespmem:s22], [sflag:$0x3], $0x28, s29, s21, $0xb8;
	[tilespmem:$0x158A8] =	vst v63  }
0x98: {  	_ =	swait.ge [sflag:s18], $0x1400  }
0x99: {  	[sflag:s18] =	ssyncset.done $0x0  }
0x9a: {  	[sflag:s18] =	ssyncadd.s32 $0xFFFFEC00  }
0x9b: {  	_ =	swait.ge [sflag:s26], $0x1400  }
0x9c: {  	[sflag:s26] =	ssyncset.done $0x0  }
0x9d: {  	s29 =	simm.s32 $0x4280;
	[sflag:s26] =	ssyncadd.s32 $0xFFFFEC00  }
0x9e: {  	[spmem:s2] =	stream.indirect.scatter.add.f32 [tilespmem:s23], [sflag:$0x3], $0x28, s29, s21, $0xb8;
	[tilespmem:$0x158A8] =	vst v63  }
0x9f: {  	_ =	swait.ge [sflag:s18], $0x1400  }
0xa0: {  	s30 =	simm.s32 $0x800;
	s29 =	simm.s32 $0x100;
	[sflag:s18] =	ssyncset.done $0x0  }
.LBB2_5:
0xa1: {  	s31 =	sadd.s32 $0x1900, s29  }
0xa2: {  	[sflag:s18] =	ssyncadd.s32 $0xFFFFEC00;
	s0 =	smov.u32 s30;
	s3 =	sadd.s32 $0x400, s30  }
0xa3: {  	[tilespmem:s22], [sflag:$0x1] =	stream.indirect.gather [spmem:s1], $0x28, s31, s21, $0xb8;
	[tilespmem:$0x158A8] =	vst v63  }
0xa4: {  	p1 =	seq.s32 s30, $0xA000;
	s30 =	sadd.s32 $0x1980, s29  }
0xa5: {  	[tilespmem:s23], [sflag:$0x2] =	stream.indirect.gather [spmem:s1], $0x28, s30, s21, $0xb8;
	[tilespmem:$0x158A8] =	vst v63  }
0xa6: {  	_ =	swait.ge [sflag:s24], $0x1400  }
0xa7: {  	[sflag:s24] =	ssyncset.done $0x0  }
0xa8: {  	s30 =	sadd.s32 $0x4200, s29;
	[sflag:s24] =	ssyncadd.s32 $0xFFFFEC00  }
0xa9: {  	[spmem:s2] =	stream.indirect.scatter.add.f32 [tilespmem:s22], [sflag:$0x3], $0x28, s30, s21, $0xb8;
	[tilespmem:$0x158A8] =	vst v63  }
0xaa: {  	_ =	swait.ge [sflag:s18], $0x1400  }
0xab: {  	[sflag:s18] =	ssyncset.done $0x0  }
0xac: {  	[sflag:s18] =	ssyncadd.s32 $0xFFFFEC00  }
0xad: {  	_ =	swait.ge [sflag:s26], $0x1400  }
.Ltmp6:
0xae: {  	[sflag:s26] =	ssyncset.done $0x0;
	(pc) =	sbr.rel @!p1 .LBB2_5-.Ltmp6, $4  }
0xaf: {  	s29 =	sadd.s32 $0x4280, s29;
	[sflag:s26] =	ssyncadd.s32 $0xFFFFEC00  }
0xb0: {  	[spmem:s2] =	stream.indirect.scatter.add.f32 [tilespmem:s23], [sflag:$0x3], $0x28, s29, s21, $0xb8;
	[tilespmem:$0x158A8] =	vst v63  }
0xb1: {  	_ =	swait.ge [sflag:s18], $0x1400  }
0xb2: {  	s30 =	smov.u32 s3;
	s29 =	sshra.s32 s0, $0x2;
	[sflag:s18] =	ssyncset.done $0x0  }
.Ltmp7:
0xb3: {  	_ = 	snop;
	(pc) =	sbr.rel .LBB2_6-.Ltmp7, $1  }
0xb4: {  	_ =	sdelay $0x3  }
.LBB2_11:
0xb5: {  	_ =	sfence.sel $0x180000  }
0xb6: {  	[bflag:$0x0] =	sbarrier.arrive $0xFFFF  }
0xb7: {  	_ =	strace $0x90000050  }
0xb8: {  	s0 =	stileid.u32;
	[bflag:$0x2] =	sbarrier.arrive $0xFFFF  }
0xb9: {  	p0 =	sne.s32 s0, $0x0;
	s0 =	rddreg [dreg:$0x4]  }
0xba: {  	s0 =	sadd.s32 @!p0 $0x100000, s0  }
0xbb: {  	[sflag:s0] =	ssyncadd.tile.s32 @!p0 $0x1;
	_ =	shalt  }
.Lfunc_end2:
_tile_overlayer_lowered:
.L_overlay_start_2:
0xbc: {  	(tag) =	ssettag $0x2  }
0xbd: {  	s0 =	rddreg [dreg:$0x0];
	s2 =	stileid.u32  }
0xbe: {  	s1 =	rddreg [dreg:$0x1];
	p0 =	sne.s32 s2, $0x0  }
0xbf: {  	s3 =	rddreg [dreg:$0x2];
	[bflag:$0x3] =	sbarrier.arrive $0xFFFF;
	s2 =	simm.s32 @!p0 $0x1C03  }
0xc0: {  	[timem:s3], [sflag:s2] =	dma.local @!p0 [hbm:s0], s1  }
0xc1: {  	s0 =	simm.s32 @!p0 $0x3  }
0xc2: {  	_ =	swait.ge @!p0 [sflag:s0], s1  }
0xc3: {  	s1 =	ssub.s32 @!p0 $0x0, s1;
	[sflag:s0] =	ssyncset.done @!p0 $0x0  }
0xc4: {  	[sflag:s0] =	ssyncadd.s32 @!p0 s1  }
0xc5: {  	[bflag:$0x3] =	sbarrier.arrive $0xFFFF  }
0xc6: {  	_ =	shalt  }

</sc_bundles>
